<compile_context>
chip_gen: v7x
topology: tpu7x:2x2x1
jax: 0.10.2.dev20260603
libtpu: 0.0.44.dev20260713+nightly
codegen_flags: <defaults>
</compile_context>

<pallas_src>
import jax
import jax.numpy as jnp
from jax import lax
from jax.experimental import pallas as pl
from jax.experimental.pallas import tpu as pltpu, tpu_sc as plsc

N_HEADS = 8
N_BOND = 5
N_DIST = 7

_info = plsc.get_sparse_core_info()
NC, NS, L = _info.num_cores, _info.num_subcores, _info.num_lanes
NW = NC * NS

EDGES = 512 * 128 * 128
E_PER_W = EDGES // NW
CHUNK = 4096
NCH = E_PER_W // CHUNK
OUT_CHUNK = CHUNK * N_HEADS
W = 128
CROWS = CHUNK // W
OROWS = OUT_CHUNK // W
OBLK = OROWS // 2


def _sc_body(bond_h, dist_h, btab_h, dtab_h, out_h,
             bond_v0, bond_v1, dist_v0, dist_v1, btab_v, dtab_v, tcomb_v,
             trep_v, c8_v, out_v0, out_v1, iidx_v, oidx_v,
             sem_in0, sem_in1, sem_out0, sem_out1):
    wid = lax.axis_index("s") * NC + lax.axis_index("c")
    bond_v = (bond_v0, bond_v1)
    dist_v = (dist_v0, dist_v1)
    out_v = (out_v0, out_v1)
    sem_in = (sem_in0, sem_in1)
    sem_out = (sem_out0, sem_out1)

    iota = lax.iota(jnp.int32, L)

    pltpu.sync_copy(btab_h, btab_v.at[pl.ds(0, N_BOND * N_HEADS)])
    pltpu.sync_copy(dtab_h, dtab_v.at[pl.ds(0, N_DIST * N_HEADS)])
    for k in range(18):
        t = iota + 16 * k
        c = t >> 3
        h = t & 7
        b = (c * 9363) >> 16
        d = c - b * 7
        vb = plsc.load_gather(btab_v, [b * 8 + h])
        vd = plsc.load_gather(dtab_v, [d * 8 + h])
        tcomb_v[pl.ds(16 * k, L)] = vb + vd

    def repl(t, carry):
        v = tcomb_v[pl.ds(t, L)]
        trep_v[pl.ds(16 * t, L)] = jnp.broadcast_to(v[0], (L,))
        return carry

    lax.fori_loop(0, 280, repl, 0)

    def fill_iidx(g, p):
        row0 = (wid * E_PER_W + g * CHUNK) // W
        for j in range(CROWS // L):
            iidx_v[p, 0, pl.ds(16 * j, L)] = row0 + 16 * j + iota

    def fill_oidx(g, p):
        row0 = (wid * E_PER_W + g * CHUNK) * N_HEADS // W
        for k in range(2):
            for j in range(OBLK // L):
                oidx_v[p, k, pl.ds(16 * j, L)] = (
                    row0 + k * OBLK + 16 * j + iota)

    def in_dma(p):
        return (
            pltpu.make_async_copy(
                bond_h.at[iidx_v.at[p, 0]], bond_v[p], sem_in[p]),
            pltpu.make_async_copy(
                dist_h.at[iidx_v.at[p, 0]], dist_v[p], sem_in[p]),
        )

    def out_dma(p, k):
        return pltpu.make_async_copy(
            out_v[p].at[pl.ds(k * OBLK, OBLK)],
            out_h.at[oidx_v.at[p, k]], sem_out[p])

    for p in range(2):
        fill_iidx(p, p)
        for dsc in in_dma(p):
            dsc.start()

    def chunk(g, p):
        for dsc in in_dma(p):
            dsc.wait()

        bond_p, dist_p, out_p = bond_v[p], dist_v[p], out_v[p]

        @plsc.parallel_loop(0, CHUNK // L, unroll=8)
        def prep(j):
            r = j >> 3
            col = (j & 7) * 16
            b = bond_p[r, pl.ds(col, L)]
            d = dist_p[r, pl.ds(col, L)]
            c8_v[pl.ds(16 * j, L)] = (b * 7 + d) * 128

        @pl.when(g + 2 < NCH)
        def _():
            fill_iidx(g + 2, p)
            for dsc in in_dma(p):
                dsc.start()

        @pl.when(g >= 2)
        def _():
            for k in range(2):
                out_dma(p, k).wait()

        @plsc.parallel_loop(0, CHUNK // L, unroll=8)
        def main(v):
            a = c8_v[pl.ds(16 * v, L)]
            r8 = (v >> 3) * 8
            col = (v & 7) * 16
            for h in range(N_HEADS):
                out_p[r8 + h, pl.ds(col, L)] = plsc.load_gather(
                    trep_v, [a + (16 * h) + iota])

        fill_oidx(g, p)
        for k in range(2):
            out_dma(p, k).start()

    def pair(go, carry):
        chunk(2 * go, 0)
        chunk(2 * go + 1, 1)
        return carry

    lax.fori_loop(0, NCH // 2, pair, 0)
    for p in range(2):
        for k in range(2):
            out_dma(p, k).wait()


@jax.jit
def _sc_call(bond_f, dist_f, btab, dtab):
    mesh = plsc.VectorSubcoreMesh(core_axis_name="c", subcore_axis_name="s")
    return pl.kernel(
        _sc_body,
        out_type=jax.ShapeDtypeStruct((EDGES * N_HEADS // W, W), jnp.float32),
        mesh=mesh,
        compiler_params=pltpu.CompilerParams(needs_layout_passes=False),
        scratch_types=[
            pltpu.VMEM((CROWS, W), jnp.int32),
            pltpu.VMEM((CROWS, W), jnp.int32),
            pltpu.VMEM((CROWS, W), jnp.int32),
            pltpu.VMEM((CROWS, W), jnp.int32),
            pltpu.VMEM((64,), jnp.float32),
            pltpu.VMEM((64,), jnp.float32),
            pltpu.VMEM((304,), jnp.float32),
            pltpu.VMEM((4480,), jnp.float32),
            pltpu.VMEM((CHUNK,), jnp.int32),
            pltpu.VMEM((OROWS, W), jnp.float32),
            pltpu.VMEM((OROWS, W), jnp.float32),
            pltpu.VMEM((2, 1, CROWS), jnp.int32),
            pltpu.VMEM((2, 2, OBLK), jnp.int32),
            pltpu.SemaphoreType.DMA,
            pltpu.SemaphoreType.DMA,
            pltpu.SemaphoreType.DMA,
            pltpu.SemaphoreType.DMA,
        ],
    )(bond_f, dist_f, btab, dtab)


def kernel(bond_types, distances, bond_type_bias, distance_bias):
    shape = bond_types.shape
    out = _sc_call(
        bond_types.reshape(-1, W).astype(jnp.int32),
        distances.reshape(-1, W).astype(jnp.int32),
        bond_type_bias.reshape(-1).astype(jnp.float32),
        distance_bias.reshape(-1).astype(jnp.float32),
    )
    out = out.reshape(shape[0], shape[1], N_HEADS, shape[2])
    return jnp.transpose(out, (0, 1, 3, 2))

# --- scband reference (transcript-rebuilt; emitter-appended) ---
"""Pipeline reference for scband-edge-bias-encoder-52407190946028 (READ-ONLY COPY).

The authoritative reference and input builder live on the scoring server;
editing this copy changes nothing except your own understanding.
"""

import jax, jax.numpy as jnp
import numpy as np

N_HEADS = 8
MAX_DISTANCE = 6
NUM_BOND_TYPES = 5
BATCH = 512
MAX_ATOMS = 128

def setup_inputs(seed: int = 0) -> dict:
    key = jax.random.key(seed)
    k1, k2, k3, k4 = jax.random.split(key, 4)
    bond_types = jax.random.randint(k1, (BATCH, MAX_ATOMS, MAX_ATOMS), 0, NUM_BOND_TYPES, dtype=jnp.int64 if jax.config.jax_enable_x64 else jnp.int32)
    distances = jax.random.randint(k2, (BATCH, MAX_ATOMS, MAX_ATOMS), 0, MAX_DISTANCE + 1, dtype=jnp.int64 if jax.config.jax_enable_x64 else jnp.int32)
    # learned parameters (nn.Embedding weights)
    bond_type_bias = jax.random.normal(k3, (NUM_BOND_TYPES, N_HEADS), dtype=jnp.float32)
    distance_bias = jax.random.normal(k4, (MAX_DISTANCE + 1, N_HEADS), dtype=jnp.float32)
    return {"bond_types": bond_types, "distances": distances, "bond_type_bias": bond_type_bias, "distance_bias": distance_bias}

def reference(bond_types, distances, bond_type_bias, distance_bias):
    # bond_bias = self.bond_type_bias(bond_types)  -> embedding gather
    bond_bias = jnp.take(bond_type_bias, bond_types, axis=0)
    # dist_bias = self.distance_bias(distances)
    dist_bias = jnp.take(distance_bias, distances, axis=0)
    edge_bias = bond_bias + dist_bias
    return edge_bias

if __name__ == "__main__":
    import jax
    _d = setup_inputs()
    print(jax.jit(kernel)(*tuple(_d.values())))

</pallas_src>

<mosaic_0001>
#map = affine_map<(d0, d1) -> (0, 0)>
#map1 = affine_map<(d0, d1) -> (0)>
module attributes {stable_mosaic.version = 14 : i64} {
  func.func @_sc_body(%arg0: i32, %arg1: i32, %arg2: memref<65536x128xi32, #tpu.memory_space<hbm>>, %arg3: memref<65536x128xi32, #tpu.memory_space<hbm>>, %arg4: memref<40xf32, #tpu.memory_space<hbm>>, %arg5: memref<56xf32, #tpu.memory_space<hbm>>, %arg6: memref<524288x128xf32, #tpu.memory_space<hbm>>, %arg7: memref<32x128xi32, #tpu.memory_space<vmem>>, %arg8: memref<32x128xi32, #tpu.memory_space<vmem>>, %arg9: memref<32x128xi32, #tpu.memory_space<vmem>>, %arg10: memref<32x128xi32, #tpu.memory_space<vmem>>, %arg11: memref<64xf32, #tpu.memory_space<vmem>>, %arg12: memref<64xf32, #tpu.memory_space<vmem>>, %arg13: memref<304xf32, #tpu.memory_space<vmem>>, %arg14: memref<4480xf32, #tpu.memory_space<vmem>>, %arg15: memref<4096xi32, #tpu.memory_space<vmem>>, %arg16: memref<256x128xf32, #tpu.memory_space<vmem>>, %arg17: memref<256x128xf32, #tpu.memory_space<vmem>>, %arg18: memref<2x1x32xi32, #tpu.memory_space<vmem>>, %arg19: memref<2x2x128xi32, #tpu.memory_space<vmem>>, %arg20: memref<!tpu.dma_semaphore, #tpu.memory_space<semaphore_mem>>, %arg21: memref<!tpu.dma_semaphore, #tpu.memory_space<semaphore_mem>>, %arg22: memref<!tpu.dma_semaphore, #tpu.memory_space<semaphore_mem>>, %arg23: memref<!tpu.dma_semaphore, #tpu.memory_space<semaphore_mem>>) attributes {dimension_semantics = [#tpu.dimension_semantics<core_parallel>, #tpu.dimension_semantics<subcore_parallel>], iteration_bounds = array<i64: 2, 16>, scalar_prefetch = 0 : i64, scratch_operands = 17 : i64, tpu.core_type = #tpu.core_type<sc_vector_subcore>, window_params = [{transform_indices = #map}, {transform_indices = #map}, {transform_indices = #map1}, {transform_indices = #map1}, {transform_indices = #map}]} {
    %mul3A = arith.constant 2 : i32
    %mul3A_0 = arith.muli %arg1, %mul3A : i32
    %add3A = arith.addi %mul3A_0, %arg0 : i32
    %iota3A = tpu.iota {dimensions = array<i32: 0>} : vector<16xi32>
    "tpu.region"() ({
      %run_scoped3A = tpu.sem_alloc : memref<!tpu.dma_semaphore, #tpu.memory_space<semaphore_mem>>
      %dma_start3A_747 = arith.constant 0 : i32
      %dma_start3A_748 = tpu.memref_slice %arg11[%dma_start3A_747] : memref<64xf32, #tpu.memory_space<vmem>> -> memref<40xf32, #tpu.memory_space<vmem>>
      %dma_start3A_749 = arith.constant 0 : i32
      %dma_start3A_750 = tpu.memref_slice %arg11[%dma_start3A_749] : memref<64xf32, #tpu.memory_space<vmem>> -> memref<40xf32, #tpu.memory_space<vmem>>
      tpu.enqueue_dma source(%arg4 : memref<40xf32, #tpu.memory_space<hbm>>) target(%dma_start3A_750 : memref<40xf32, #tpu.memory_space<vmem>>) target_semaphore(%run_scoped3A : memref<!tpu.dma_semaphore, #tpu.memory_space<semaphore_mem>>)
      %dma_wait3A_751 = arith.constant 0 : i32
      %dma_wait3A_752 = tpu.memref_slice %arg11[%dma_wait3A_751] : memref<64xf32, #tpu.memory_space<vmem>> -> memref<40xf32, #tpu.memory_space<vmem>>
      %dma_wait3A_753 = arith.constant 0 : i32
      %dma_wait3A_754 = tpu.memref_slice %arg11[%dma_wait3A_753] : memref<64xf32, #tpu.memory_space<vmem>> -> memref<40xf32, #tpu.memory_space<vmem>>
      tpu.wait_dma2 semaphore(%run_scoped3A : memref<!tpu.dma_semaphore, #tpu.memory_space<semaphore_mem>>) src(%arg4 : memref<40xf32, #tpu.memory_space<hbm>>) dst(%dma_wait3A_754 : memref<40xf32, #tpu.memory_space<vmem>>)
      tpu.yield
    }) : () -> ()
    "tpu.region"() ({
      %run_scoped3A = tpu.sem_alloc : memref<!tpu.dma_semaphore, #tpu.memory_space<semaphore_mem>>
      %dma_start3A_747 = arith.constant 0 : i32
      %dma_start3A_748 = tpu.memref_slice %arg12[%dma_start3A_747] : memref<64xf32, #tpu.memory_space<vmem>> -> memref<56xf32, #tpu.memory_space<vmem>>
      %dma_start3A_749 = arith.constant 0 : i32
      %dma_start3A_750 = tpu.memref_slice %arg12[%dma_start3A_749] : memref<64xf32, #tpu.memory_space<vmem>> -> memref<56xf32, #tpu.memory_space<vmem>>
      tpu.enqueue_dma source(%arg5 : memref<56xf32, #tpu.memory_space<hbm>>) target(%dma_start3A_750 : memref<56xf32, #tpu.memory_space<vmem>>) target_semaphore(%run_scoped3A : memref<!tpu.dma_semaphore, #tpu.memory_space<semaphore_mem>>)
      %dma_wait3A_751 = arith.constant 0 : i32
      %dma_wait3A_752 = tpu.memref_slice %arg12[%dma_wait3A_751] : memref<64xf32, #tpu.memory_space<vmem>> -> memref<56xf32, #tpu.memory_space<vmem>>
      %dma_wait3A_753 = arith.constant 0 : i32
      %dma_wait3A_754 = tpu.memref_slice %arg12[%dma_wait3A_753] : memref<64xf32, #tpu.memory_space<vmem>> -> memref<56xf32, #tpu.memory_space<vmem>>
      tpu.wait_dma2 semaphore(%run_scoped3A : memref<!tpu.dma_semaphore, #tpu.memory_space<semaphore_mem>>) src(%arg5 : memref<56xf32, #tpu.memory_space<hbm>>) dst(%dma_wait3A_754 : memref<56xf32, #tpu.memory_space<vmem>>)
      tpu.yield
    }) : () -> ()
    %add3A_1 = arith.constant 0 : i32
    %add3A_2 = vector.broadcast %add3A_1 : i32 to vector<16xi32>
    %add3A_3 = arith.addi %iota3A, %add3A_2 : vector<16xi32>
    %shift_right_arithmetic3A = arith.constant 3 : i32
    %shift_right_arithmetic3A_4 = vector.broadcast %shift_right_arithmetic3A : i32 to vector<16xi32>
    %shift_right_arithmetic3A_5 = arith.shrsi %add3A_3, %shift_right_arithmetic3A_4 : vector<16xi32>
    %and3A = arith.constant 7 : i32
    %and3A_6 = vector.broadcast %and3A : i32 to vector<16xi32>
    %and3A_7 = arith.andi %add3A_3, %and3A_6 : vector<16xi32>
    %mul3A_8 = arith.constant 9363 : i32
    %mul3A_9 = vector.broadcast %mul3A_8 : i32 to vector<16xi32>
    %mul3A_10 = arith.muli %shift_right_arithmetic3A_5, %mul3A_9 : vector<16xi32>
    %shift_right_arithmetic3A_11 = arith.constant 16 : i32
    %shift_right_arithmetic3A_12 = vector.broadcast %shift_right_arithmetic3A_11 : i32 to vector<16xi32>
    %shift_right_arithmetic3A_13 = arith.shrsi %mul3A_10, %shift_right_arithmetic3A_12 : vector<16xi32>
    %mul3A_14 = arith.constant 7 : i32
    %mul3A_15 = vector.broadcast %mul3A_14 : i32 to vector<16xi32>
    %mul3A_16 = arith.muli %shift_right_arithmetic3A_13, %mul3A_15 : vector<16xi32>
    %sub3A = arith.subi %shift_right_arithmetic3A_5, %mul3A_16 : vector<16xi32>
    %mul3A_17 = arith.constant 8 : i32
    %mul3A_18 = vector.broadcast %mul3A_17 : i32 to vector<16xi32>
    %mul3A_19 = arith.muli %shift_right_arithmetic3A_13, %mul3A_18 : vector<16xi32>
    %add3A_20 = arith.addi %mul3A_19, %and3A_7 : vector<16xi32>
    %gather3A = tpu.vector_load_idx %arg11[%add3A_20] : memref<64xf32, #tpu.memory_space<vmem>>[vector<16xi32>], vector<16xf32>,
    %mul3A_21 = arith.constant 8 : i32
    %mul3A_22 = vector.broadcast %mul3A_21 : i32 to vector<16xi32>
    %mul3A_23 = arith.muli %sub3A, %mul3A_22 : vector<16xi32>
    %add3A_24 = arith.addi %mul3A_23, %and3A_7 : vector<16xi32>
    %gather3A_25 = tpu.vector_load_idx %arg12[%add3A_24] : memref<64xf32, #tpu.memory_space<vmem>>[vector<16xi32>], vector<16xf32>,
    %add3A_26 = arith.addf %gather3A, %gather3A_25 : vector<16xf32>
    %swap3A = arith.constant 0 : index
    %swap3A_27 = tpu.vector_load %arg13[%swap3A] {strides = array<i32>} : memref<304xf32, #tpu.memory_space<vmem>>, vector<16xf32>,
    tpu.vector_store %arg13[%swap3A], %add3A_26 {strides = array<i32>} : memref<304xf32, #tpu.memory_space<vmem>>, vector<16xf32>,
    %add3A_28 = arith.constant 16 : i32
    %add3A_29 = vector.broadcast %add3A_28 : i32 to vector<16xi32>
    %add3A_30 = arith.addi %iota3A, %add3A_29 : vector<16xi32>
    %shift_right_arithmetic3A_31 = arith.constant 3 : i32
    %shift_right_arithmetic3A_32 = vector.broadcast %shift_right_arithmetic3A_31 : i32 to vector<16xi32>
    %shift_right_arithmetic3A_33 = arith.shrsi %add3A_30, %shift_right_arithmetic3A_32 : vector<16xi32>
    %and3A_34 = arith.constant 7 : i32
    %and3A_35 = vector.broadcast %and3A_34 : i32 to vector<16xi32>
    %and3A_36 = arith.andi %add3A_30, %and3A_35 : vector<16xi32>
    %mul3A_37 = arith.constant 9363 : i32
    %mul3A_38 = vector.broadcast %mul3A_37 : i32 to vector<16xi32>
    %mul3A_39 = arith.muli %shift_right_arithmetic3A_33, %mul3A_38 : vector<16xi32>
    %shift_right_arithmetic3A_40 = arith.constant 16 : i32
    %shift_right_arithmetic3A_41 = vector.broadcast %shift_right_arithmetic3A_40 : i32 to vector<16xi32>
    %shift_right_arithmetic3A_42 = arith.shrsi %mul3A_39, %shift_right_arithmetic3A_41 : vector<16xi32>
    %mul3A_43 = arith.constant 7 : i32
    %mul3A_44 = vector.broadcast %mul3A_43 : i32 to vector<16xi32>
    %mul3A_45 = arith.muli %shift_right_arithmetic3A_42, %mul3A_44 : vector<16xi32>
    %sub3A_46 = arith.subi %shift_right_arithmetic3A_33, %mul3A_45 : vector<16xi32>
    %mul3A_47 = arith.constant 8 : i32
    %mul3A_48 = vector.broadcast %mul3A_47 : i32 to vector<16xi32>
    %mul3A_49 = arith.muli %shift_right_arithmetic3A_42, %mul3A_48 : vector<16xi32>
    %add3A_50 = arith.addi %mul3A_49, %and3A_36 : vector<16xi32>
    %gather3A_51 = tpu.vector_load_idx %arg11[%add3A_50] : memref<64xf32, #tpu.memory_space<vmem>>[vector<16xi32>], vector<16xf32>,
    %mul3A_52 = arith.constant 8 : i32
    %mul3A_53 = vector.broadcast %mul3A_52 : i32 to vector<16xi32>
    %mul3A_54 = arith.muli %sub3A_46, %mul3A_53 : vector<16xi32>
    %add3A_55 = arith.addi %mul3A_54, %and3A_36 : vector<16xi32>
    %gather3A_56 = tpu.vector_load_idx %arg12[%add3A_55] : memref<64xf32, #tpu.memory_space<vmem>>[vector<16xi32>], vector<16xf32>,
    %add3A_57 = arith.addf %gather3A_51, %gather3A_56 : vector<16xf32>
    %swap3A_58 = arith.constant 16 : index
    %swap3A_59 = tpu.vector_load %arg13[%swap3A_58] {strides = array<i32>} : memref<304xf32, #tpu.memory_space<vmem>>, vector<16xf32>,
    tpu.vector_store %arg13[%swap3A_58], %add3A_57 {strides = array<i32>} : memref<304xf32, #tpu.memory_space<vmem>>, vector<16xf32>,
    %add3A_60 = arith.constant 32 : i32
    %add3A_61 = vector.broadcast %add3A_60 : i32 to vector<16xi32>
    %add3A_62 = arith.addi %iota3A, %add3A_61 : vector<16xi32>
    %shift_right_arithmetic3A_63 = arith.constant 3 : i32
    %shift_right_arithmetic3A_64 = vector.broadcast %shift_right_arithmetic3A_63 : i32 to vector<16xi32>
    %shift_right_arithmetic3A_65 = arith.shrsi %add3A_62, %shift_right_arithmetic3A_64 : vector<16xi32>
    %and3A_66 = arith.constant 7 : i32
    %and3A_67 = vector.broadcast %and3A_66 : i32 to vector<16xi32>
    %and3A_68 = arith.andi %add3A_62, %and3A_67 : vector<16xi32>
    %mul3A_69 = arith.constant 9363 : i32
    %mul3A_70 = vector.broadcast %mul3A_69 : i32 to vector<16xi32>
    %mul3A_71 = arith.muli %shift_right_arithmetic3A_65, %mul3A_70 : vector<16xi32>
    %shift_right_arithmetic3A_72 = arith.constant 16 : i32
    %shift_right_arithmetic3A_73 = vector.broadcast %shift_right_arithmetic3A_72 : i32 to vector<16xi32>
    %shift_right_arithmetic3A_74 = arith.shrsi %mul3A_71, %shift_right_arithmetic3A_73 : vector<16xi32>
    %mul3A_75 = arith.constant 7 : i32
    %mul3A_76 = vector.broadcast %mul3A_75 : i32 to vector<16xi32>
    %mul3A_77 = arith.muli %shift_right_arithmetic3A_74, %mul3A_76 : vector<16xi32>
    %sub3A_78 = arith.subi %shift_right_arithmetic3A_65, %mul3A_77 : vector<16xi32>
    %mul3A_79 = arith.constant 8 : i32
    %mul3A_80 = vector.broadcast %mul3A_79 : i32 to vector<16xi32>
    %mul3A_81 = arith.muli %shift_right_arithmetic3A_74, %mul3A_80 : vector<16xi32>
    %add3A_82 = arith.addi %mul3A_81, %and3A_68 : vector<16xi32>
    %gather3A_83 = tpu.vector_load_idx %arg11[%add3A_82] : memref<64xf32, #tpu.memory_space<vmem>>[vector<16xi32>], vector<16xf32>,
    %mul3A_84 = arith.constant 8 : i32
    %mul3A_85 = vector.broadcast %mul3A_84 : i32 to vector<16xi32>
    %mul3A_86 = arith.muli %sub3A_78, %mul3A_85 : vector<16xi32>
    %add3A_87 = arith.addi %mul3A_86, %and3A_68 : vector<16xi32>
    %gather3A_88 = tpu.vector_load_idx %arg12[%add3A_87] : memref<64xf32, #tpu.memory_space<vmem>>[vector<16xi32>], vector<16xf32>,
    %add3A_89 = arith.addf %gather3A_83, %gather3A_88 : vector<16xf32>
    %swap3A_90 = arith.constant 32 : index
    %swap3A_91 = tpu.vector_load %arg13[%swap3A_90] {strides = array<i32>} : memref<304xf32, #tpu.memory_space<vmem>>, vector<16xf32>,
    tpu.vector_store %arg13[%swap3A_90], %add3A_89 {strides = array<i32>} : memref<304xf32, #tpu.memory_space<vmem>>, vector<16xf32>,
    %add3A_92 = arith.constant 48 : i32
    %add3A_93 = vector.broadcast %add3A_92 : i32 to vector<16xi32>
    %add3A_94 = arith.addi %iota3A, %add3A_93 : vector<16xi32>
    %shift_right_arithmetic3A_95 = arith.constant 3 : i32
    %shift_right_arithmetic3A_96 = vector.broadcast %shift_right_arithmetic3A_95 : i32 to vector<16xi32>
    %shift_right_arithmetic3A_97 = arith.shrsi %add3A_94, %shift_right_arithmetic3A_96 : vector<16xi32>
    %and3A_98 = arith.constant 7 : i32
    %and3A_99 = vector.broadcast %and3A_98 : i32 to vector<16xi32>
    %and3A_100 = arith.andi %add3A_94, %and3A_99 : vector<16xi32>
    %mul3A_101 = arith.constant 9363 : i32
    %mul3A_102 = vector.broadcast %mul3A_101 : i32 to vector<16xi32>
    %mul3A_103 = arith.muli %shift_right_arithmetic3A_97, %mul3A_102 : vector<16xi32>
    %shift_right_arithmetic3A_104 = arith.constant 16 : i32
    %shift_right_arithmetic3A_105 = vector.broadcast %shift_right_arithmetic3A_104 : i32 to vector<16xi32>
    %shift_right_arithmetic3A_106 = arith.shrsi %mul3A_103, %shift_right_arithmetic3A_105 : vector<16xi32>
    %mul3A_107 = arith.constant 7 : i32
    %mul3A_108 = vector.broadcast %mul3A_107 : i32 to vector<16xi32>
    %mul3A_109 = arith.muli %shift_right_arithmetic3A_106, %mul3A_108 : vector<16xi32>
    %sub3A_110 = arith.subi %shift_right_arithmetic3A_97, %mul3A_109 : vector<16xi32>
    %mul3A_111 = arith.constant 8 : i32
    %mul3A_112 = vector.broadcast %mul3A_111 : i32 to vector<16xi32>
    %mul3A_113 = arith.muli %shift_right_arithmetic3A_106, %mul3A_112 : vector<16xi32>
    %add3A_114 = arith.addi %mul3A_113, %and3A_100 : vector<16xi32>
    %gather3A_115 = tpu.vector_load_idx %arg11[%add3A_114] : memref<64xf32, #tpu.memory_space<vmem>>[vector<16xi32>], vector<16xf32>,
    %mul3A_116 = arith.constant 8 : i32
    %mul3A_117 = vector.broadcast %mul3A_116 : i32 to vector<16xi32>
    %mul3A_118 = arith.muli %sub3A_110, %mul3A_117 : vector<16xi32>
    %add3A_119 = arith.addi %mul3A_118, %and3A_100 : vector<16xi32>
    %gather3A_120 = tpu.vector_load_idx %arg12[%add3A_119] : memref<64xf32, #tpu.memory_space<vmem>>[vector<16xi32>], vector<16xf32>,
    %add3A_121 = arith.addf %gather3A_115, %gather3A_120 : vector<16xf32>
    %swap3A_122 = arith.constant 48 : index
    %swap3A_123 = tpu.vector_load %arg13[%swap3A_122] {strides = array<i32>} : memref<304xf32, #tpu.memory_space<vmem>>, vector<16xf32>,
    tpu.vector_store %arg13[%swap3A_122], %add3A_121 {strides = array<i32>} : memref<304xf32, #tpu.memory_space<vmem>>, vector<16xf32>,
    %add3A_124 = arith.constant 64 : i32
    %add3A_125 = vector.broadcast %add3A_124 : i32 to vector<16xi32>
    %add3A_126 = arith.addi %iota3A, %add3A_125 : vector<16xi32>
    %shift_right_arithmetic3A_127 = arith.constant 3 : i32
    %shift_right_arithmetic3A_128 = vector.broadcast %shift_right_arithmetic3A_127 : i32 to vector<16xi32>
    %shift_right_arithmetic3A_129 = arith.shrsi %add3A_126, %shift_right_arithmetic3A_128 : vector<16xi32>
    %and3A_130 = arith.constant 7 : i32
    %and3A_131 = vector.broadcast %and3A_130 : i32 to vector<16xi32>
    %and3A_132 = arith.andi %add3A_126, %and3A_131 : vector<16xi32>
    %mul3A_133 = arith.constant 9363 : i32
    %mul3A_134 = vector.broadcast %mul3A_133 : i32 to vector<16xi32>
    %mul3A_135 = arith.muli %shift_right_arithmetic3A_129, %mul3A_134 : vector<16xi32>
    %shift_right_arithmetic3A_136 = arith.constant 16 : i32
    %shift_right_arithmetic3A_137 = vector.broadcast %shift_right_arithmetic3A_136 : i32 to vector<16xi32>
    %shift_right_arithmetic3A_138 = arith.shrsi %mul3A_135, %shift_right_arithmetic3A_137 : vector<16xi32>
    %mul3A_139 = arith.constant 7 : i32
    %mul3A_140 = vector.broadcast %mul3A_139 : i32 to vector<16xi32>
    %mul3A_141 = arith.muli %shift_right_arithmetic3A_138, %mul3A_140 : vector<16xi32>
    %sub3A_142 = arith.subi %shift_right_arithmetic3A_129, %mul3A_141 : vector<16xi32>
    %mul3A_143 = arith.constant 8 : i32
    %mul3A_144 = vector.broadcast %mul3A_143 : i32 to vector<16xi32>
    %mul3A_145 = arith.muli %shift_right_arithmetic3A_138, %mul3A_144 : vector<16xi32>
    %add3A_146 = arith.addi %mul3A_145, %and3A_132 : vector<16xi32>
    %gather3A_147 = tpu.vector_load_idx %arg11[%add3A_146] : memref<64xf32, #tpu.memory_space<vmem>>[vector<16xi32>], vector<16xf32>,
    %mul3A_148 = arith.constant 8 : i32
    %mul3A_149 = vector.broadcast %mul3A_148 : i32 to vector<16xi32>
    %mul3A_150 = arith.muli %sub3A_142, %mul3A_149 : vector<16xi32>
    %add3A_151 = arith.addi %mul3A_150, %and3A_132 : vector<16xi32>
    %gather3A_152 = tpu.vector_load_idx %arg12[%add3A_151] : memref<64xf32, #tpu.memory_space<vmem>>[vector<16xi32>], vector<16xf32>,
    %add3A_153 = arith.addf %gather3A_147, %gather3A_152 : vector<16xf32>
    %swap3A_154 = arith.constant 64 : index
    %swap3A_155 = tpu.vector_load %arg13[%swap3A_154] {strides = array<i32>} : memref<304xf32, #tpu.memory_space<vmem>>, vector<16xf32>,
    tpu.vector_store %arg13[%swap3A_154], %add3A_153 {strides = array<i32>} : memref<304xf32, #tpu.memory_space<vmem>>, vector<16xf32>,
    %add3A_156 = arith.constant 80 : i32
    %add3A_157 = vector.broadcast %add3A_156 : i32 to vector<16xi32>
    %add3A_158 = arith.addi %iota3A, %add3A_157 : vector<16xi32>
    %shift_right_arithmetic3A_159 = arith.constant 3 : i32
    %shift_right_arithmetic3A_160 = vector.broadcast %shift_right_arithmetic3A_159 : i32 to vector<16xi32>
    %shift_right_arithmetic3A_161 = arith.shrsi %add3A_158, %shift_right_arithmetic3A_160 : vector<16xi32>
    %and3A_162 = arith.constant 7 : i32
    %and3A_163 = vector.broadcast %and3A_162 : i32 to vector<16xi32>
    %and3A_164 = arith.andi %add3A_158, %and3A_163 : vector<16xi32>
    %mul3A_165 = arith.constant 9363 : i32
    %mul3A_166 = vector.broadcast %mul3A_165 : i32 to vector<16xi32>
    %mul3A_167 = arith.muli %shift_right_arithmetic3A_161, %mul3A_166 : vector<16xi32>
    %shift_right_arithmetic3A_168 = arith.constant 16 : i32
    %shift_right_arithmetic3A_169 = vector.broadcast %shift_right_arithmetic3A_168 : i32 to vector<16xi32>
    %shift_right_arithmetic3A_170 = arith.shrsi %mul3A_167, %shift_right_arithmetic3A_169 : vector<16xi32>
    %mul3A_171 = arith.constant 7 : i32
    %mul3A_172 = vector.broadcast %mul3A_171 : i32 to vector<16xi32>
    %mul3A_173 = arith.muli %shift_right_arithmetic3A_170, %mul3A_172 : vector<16xi32>
    %sub3A_174 = arith.subi %shift_right_arithmetic3A_161, %mul3A_173 : vector<16xi32>
    %mul3A_175 = arith.constant 8 : i32
    %mul3A_176 = vector.broadcast %mul3A_175 : i32 to vector<16xi32>
    %mul3A_177 = arith.muli %shift_right_arithmetic3A_170, %mul3A_176 : vector<16xi32>
    %add3A_178 = arith.addi %mul3A_177, %and3A_164 : vector<16xi32>
    %gather3A_179 = tpu.vector_load_idx %arg11[%add3A_178] : memref<64xf32, #tpu.memory_space<vmem>>[vector<16xi32>], vector<16xf32>,
    %mul3A_180 = arith.constant 8 : i32
    %mul3A_181 = vector.broadcast %mul3A_180 : i32 to vector<16xi32>
    %mul3A_182 = arith.muli %sub3A_174, %mul3A_181 : vector<16xi32>
    %add3A_183 = arith.addi %mul3A_182, %and3A_164 : vector<16xi32>
    %gather3A_184 = tpu.vector_load_idx %arg12[%add3A_183] : memref<64xf32, #tpu.memory_space<vmem>>[vector<16xi32>], vector<16xf32>,
    %add3A_185 = arith.addf %gather3A_179, %gather3A_184 : vector<16xf32>
    %swap3A_186 = arith.constant 80 : index
    %swap3A_187 = tpu.vector_load %arg13[%swap3A_186] {strides = array<i32>} : memref<304xf32, #tpu.memory_space<vmem>>, vector<16xf32>,
    tpu.vector_store %arg13[%swap3A_186], %add3A_185 {strides = array<i32>} : memref<304xf32, #tpu.memory_space<vmem>>, vector<16xf32>,
    %add3A_188 = arith.constant 96 : i32
    %add3A_189 = vector.broadcast %add3A_188 : i32 to vector<16xi32>
    %add3A_190 = arith.addi %iota3A, %add3A_189 : vector<16xi32>
    %shift_right_arithmetic3A_191 = arith.constant 3 : i32
    %shift_right_arithmetic3A_192 = vector.broadcast %shift_right_arithmetic3A_191 : i32 to vector<16xi32>
    %shift_right_arithmetic3A_193 = arith.shrsi %add3A_190, %shift_right_arithmetic3A_192 : vector<16xi32>
    %and3A_194 = arith.constant 7 : i32
    %and3A_195 = vector.broadcast %and3A_194 : i32 to vector<16xi32>
    %and3A_196 = arith.andi %add3A_190, %and3A_195 : vector<16xi32>
    %mul3A_197 = arith.constant 9363 : i32
    %mul3A_198 = vector.broadcast %mul3A_197 : i32 to vector<16xi32>
    %mul3A_199 = arith.muli %shift_right_arithmetic3A_193, %mul3A_198 : vector<16xi32>
    %shift_right_arithmetic3A_200 = arith.constant 16 : i32
    %shift_right_arithmetic3A_201 = vector.broadcast %shift_right_arithmetic3A_200 : i32 to vector<16xi32>
    %shift_right_arithmetic3A_202 = arith.shrsi %mul3A_199, %shift_right_arithmetic3A_201 : vector<16xi32>
    %mul3A_203 = arith.constant 7 : i32
    %mul3A_204 = vector.broadcast %mul3A_203 : i32 to vector<16xi32>
    %mul3A_205 = arith.muli %shift_right_arithmetic3A_202, %mul3A_204 : vector<16xi32>
    %sub3A_206 = arith.subi %shift_right_arithmetic3A_193, %mul3A_205 : vector<16xi32>
    %mul3A_207 = arith.constant 8 : i32
    %mul3A_208 = vector.broadcast %mul3A_207 : i32 to vector<16xi32>
    %mul3A_209 = arith.muli %shift_right_arithmetic3A_202, %mul3A_208 : vector<16xi32>
    %add3A_210 = arith.addi %mul3A_209, %and3A_196 : vector<16xi32>
    %gather3A_211 = tpu.vector_load_idx %arg11[%add3A_210] : memref<64xf32, #tpu.memory_space<vmem>>[vector<16xi32>], vector<16xf32>,
    %mul3A_212 = arith.constant 8 : i32
    %mul3A_213 = vector.broadcast %mul3A_212 : i32 to vector<16xi32>
    %mul3A_214 = arith.muli %sub3A_206, %mul3A_213 : vector<16xi32>
    %add3A_215 = arith.addi %mul3A_214, %and3A_196 : vector<16xi32>
    %gather3A_216 = tpu.vector_load_idx %arg12[%add3A_215] : memref<64xf32, #tpu.memory_space<vmem>>[vector<16xi32>], vector<16xf32>,
    %add3A_217 = arith.addf %gather3A_211, %gather3A_216 : vector<16xf32>
    %swap3A_218 = arith.constant 96 : index
    %swap3A_219 = tpu.vector_load %arg13[%swap3A_218] {strides = array<i32>} : memref<304xf32, #tpu.memory_space<vmem>>, vector<16xf32>,
    tpu.vector_store %arg13[%swap3A_218], %add3A_217 {strides = array<i32>} : memref<304xf32, #tpu.memory_space<vmem>>, vector<16xf32>,
    %add3A_220 = arith.constant 112 : i32
    %add3A_221 = vector.broadcast %add3A_220 : i32 to vector<16xi32>
    %add3A_222 = arith.addi %iota3A, %add3A_221 : vector<16xi32>
    %shift_right_arithmetic3A_223 = arith.constant 3 : i32
    %shift_right_arithmetic3A_224 = vector.broadcast %shift_right_arithmetic3A_223 : i32 to vector<16xi32>
    %shift_right_arithmetic3A_225 = arith.shrsi %add3A_222, %shift_right_arithmetic3A_224 : vector<16xi32>
    %and3A_226 = arith.constant 7 : i32
    %and3A_227 = vector.broadcast %and3A_226 : i32 to vector<16xi32>
    %and3A_228 = arith.andi %add3A_222, %and3A_227 : vector<16xi32>
    %mul3A_229 = arith.constant 9363 : i32
    %mul3A_230 = vector.broadcast %mul3A_229 : i32 to vector<16xi32>
    %mul3A_231 = arith.muli %shift_right_arithmetic3A_225, %mul3A_230 : vector<16xi32>
    %shift_right_arithmetic3A_232 = arith.constant 16 : i32
    %shift_right_arithmetic3A_233 = vector.broadcast %shift_right_arithmetic3A_232 : i32 to vector<16xi32>
    %shift_right_arithmetic3A_234 = arith.shrsi %mul3A_231, %shift_right_arithmetic3A_233 : vector<16xi32>
    %mul3A_235 = arith.constant 7 : i32
    %mul3A_236 = vector.broadcast %mul3A_235 : i32 to vector<16xi32>
    %mul3A_237 = arith.muli %shift_right_arithmetic3A_234, %mul3A_236 : vector<16xi32>
    %sub3A_238 = arith.subi %shift_right_arithmetic3A_225, %mul3A_237 : vector<16xi32>
    %mul3A_239 = arith.constant 8 : i32
    %mul3A_240 = vector.broadcast %mul3A_239 : i32 to vector<16xi32>
    %mul3A_241 = arith.muli %shift_right_arithmetic3A_234, %mul3A_240 : vector<16xi32>
    %add3A_242 = arith.addi %mul3A_241, %and3A_228 : vector<16xi32>
    %gather3A_243 = tpu.vector_load_idx %arg11[%add3A_242] : memref<64xf32, #tpu.memory_space<vmem>>[vector<16xi32>], vector<16xf32>,
    %mul3A_244 = arith.constant 8 : i32
    %mul3A_245 = vector.broadcast %mul3A_244 : i32 to vector<16xi32>
    %mul3A_246 = arith.muli %sub3A_238, %mul3A_245 : vector<16xi32>
    %add3A_247 = arith.addi %mul3A_246, %and3A_228 : vector<16xi32>
    %gather3A_248 = tpu.vector_load_idx %arg12[%add3A_247] : memref<64xf32, #tpu.memory_space<vmem>>[vector<16xi32>], vector<16xf32>,
    %add3A_249 = arith.addf %gather3A_243, %gather3A_248 : vector<16xf32>
    %swap3A_250 = arith.constant 112 : index
    %swap3A_251 = tpu.vector_load %arg13[%swap3A_250] {strides = array<i32>} : memref<304xf32, #tpu.memory_space<vmem>>, vector<16xf32>,
    tpu.vector_store %arg13[%swap3A_250], %add3A_249 {strides = array<i32>} : memref<304xf32, #tpu.memory_space<vmem>>, vector<16xf32>,
    %add3A_252 = arith.constant 128 : i32
    %add3A_253 = vector.broadcast %add3A_252 : i32 to vector<16xi32>
    %add3A_254 = arith.addi %iota3A, %add3A_253 : vector<16xi32>
    %shift_right_arithmetic3A_255 = arith.constant 3 : i32
    %shift_right_arithmetic3A_256 = vector.broadcast %shift_right_arithmetic3A_255 : i32 to vector<16xi32>
    %shift_right_arithmetic3A_257 = arith.shrsi %add3A_254, %shift_right_arithmetic3A_256 : vector<16xi32>
    %and3A_258 = arith.constant 7 : i32
    %and3A_259 = vector.broadcast %and3A_258 : i32 to vector<16xi32>
    %and3A_260 = arith.andi %add3A_254, %and3A_259 : vector<16xi32>
    %mul3A_261 = arith.constant 9363 : i32
    %mul3A_262 = vector.broadcast %mul3A_261 : i32 to vector<16xi32>
    %mul3A_263 = arith.muli %shift_right_arithmetic3A_257, %mul3A_262 : vector<16xi32>
    %shift_right_arithmetic3A_264 = arith.constant 16 : i32
    %shift_right_arithmetic3A_265 = vector.broadcast %shift_right_arithmetic3A_264 : i32 to vector<16xi32>
    %shift_right_arithmetic3A_266 = arith.shrsi %mul3A_263, %shift_right_arithmetic3A_265 : vector<16xi32>
    %mul3A_267 = arith.constant 7 : i32
    %mul3A_268 = vector.broadcast %mul3A_267 : i32 to vector<16xi32>
    %mul3A_269 = arith.muli %shift_right_arithmetic3A_266, %mul3A_268 : vector<16xi32>
    %sub3A_270 = arith.subi %shift_right_arithmetic3A_257, %mul3A_269 : vector<16xi32>
    %mul3A_271 = arith.constant 8 : i32
    %mul3A_272 = vector.broadcast %mul3A_271 : i32 to vector<16xi32>
    %mul3A_273 = arith.muli %shift_right_arithmetic3A_266, %mul3A_272 : vector<16xi32>
    %add3A_274 = arith.addi %mul3A_273, %and3A_260 : vector<16xi32>
    %gather3A_275 = tpu.vector_load_idx %arg11[%add3A_274] : memref<64xf32, #tpu.memory_space<vmem>>[vector<16xi32>], vector<16xf32>,
    %mul3A_276 = arith.constant 8 : i32
    %mul3A_277 = vector.broadcast %mul3A_276 : i32 to vector<16xi32>
    %mul3A_278 = arith.muli %sub3A_270, %mul3A_277 : vector<16xi32>
    %add3A_279 = arith.addi %mul3A_278, %and3A_260 : vector<16xi32>
    %gather3A_280 = tpu.vector_load_idx %arg12[%add3A_279] : memref<64xf32, #tpu.memory_space<vmem>>[vector<16xi32>], vector<16xf32>,
    %add3A_281 = arith.addf %gather3A_275, %gather3A_280 : vector<16xf32>
    %swap3A_282 = arith.constant 128 : index
    %swap3A_283 = tpu.vector_load %arg13[%swap3A_282] {strides = array<i32>} : memref<304xf32, #tpu.memory_space<vmem>>, vector<16xf32>,
    tpu.vector_store %arg13[%swap3A_282], %add3A_281 {strides = array<i32>} : memref<304xf32, #tpu.memory_space<vmem>>, vector<16xf32>,
    %add3A_284 = arith.constant 144 : i32
    %add3A_285 = vector.broadcast %add3A_284 : i32 to vector<16xi32>
    %add3A_286 = arith.addi %iota3A, %add3A_285 : vector<16xi32>
    %shift_right_arithmetic3A_287 = arith.constant 3 : i32
    %shift_right_arithmetic3A_288 = vector.broadcast %shift_right_arithmetic3A_287 : i32 to vector<16xi32>
    %shift_right_arithmetic3A_289 = arith.shrsi %add3A_286, %shift_right_arithmetic3A_288 : vector<16xi32>
    %and3A_290 = arith.constant 7 : i32
    %and3A_291 = vector.broadcast %and3A_290 : i32 to vector<16xi32>
    %and3A_292 = arith.andi %add3A_286, %and3A_291 : vector<16xi32>
    %mul3A_293 = arith.constant 9363 : i32
    %mul3A_294 = vector.broadcast %mul3A_293 : i32 to vector<16xi32>
    %mul3A_295 = arith.muli %shift_right_arithmetic3A_289, %mul3A_294 : vector<16xi32>
    %shift_right_arithmetic3A_296 = arith.constant 16 : i32
    %shift_right_arithmetic3A_297 = vector.broadcast %shift_right_arithmetic3A_296 : i32 to vector<16xi32>
    %shift_right_arithmetic3A_298 = arith.shrsi %mul3A_295, %shift_right_arithmetic3A_297 : vector<16xi32>
    %mul3A_299 = arith.constant 7 : i32
    %mul3A_300 = vector.broadcast %mul3A_299 : i32 to vector<16xi32>
    %mul3A_301 = arith.muli %shift_right_arithmetic3A_298, %mul3A_300 : vector<16xi32>
    %sub3A_302 = arith.subi %shift_right_arithmetic3A_289, %mul3A_301 : vector<16xi32>
    %mul3A_303 = arith.constant 8 : i32
    %mul3A_304 = vector.broadcast %mul3A_303 : i32 to vector<16xi32>
    %mul3A_305 = arith.muli %shift_right_arithmetic3A_298, %mul3A_304 : vector<16xi32>
    %add3A_306 = arith.addi %mul3A_305, %and3A_292 : vector<16xi32>
    %gather3A_307 = tpu.vector_load_idx %arg11[%add3A_306] : memref<64xf32, #tpu.memory_space<vmem>>[vector<16xi32>], vector<16xf32>,
    %mul3A_308 = arith.constant 8 : i32
    %mul3A_309 = vector.broadcast %mul3A_308 : i32 to vector<16xi32>
    %mul3A_310 = arith.muli %sub3A_302, %mul3A_309 : vector<16xi32>
    %add3A_311 = arith.addi %mul3A_310, %and3A_292 : vector<16xi32>
    %gather3A_312 = tpu.vector_load_idx %arg12[%add3A_311] : memref<64xf32, #tpu.memory_space<vmem>>[vector<16xi32>], vector<16xf32>,
    %add3A_313 = arith.addf %gather3A_307, %gather3A_312 : vector<16xf32>
    %swap3A_314 = arith.constant 144 : index
    %swap3A_315 = tpu.vector_load %arg13[%swap3A_314] {strides = array<i32>} : memref<304xf32, #tpu.memory_space<vmem>>, vector<16xf32>,
    tpu.vector_store %arg13[%swap3A_314], %add3A_313 {strides = array<i32>} : memref<304xf32, #tpu.memory_space<vmem>>, vector<16xf32>,
    %add3A_316 = arith.constant 160 : i32
    %add3A_317 = vector.broadcast %add3A_316 : i32 to vector<16xi32>
    %add3A_318 = arith.addi %iota3A, %add3A_317 : vector<16xi32>
    %shift_right_arithmetic3A_319 = arith.constant 3 : i32
    %shift_right_arithmetic3A_320 = vector.broadcast %shift_right_arithmetic3A_319 : i32 to vector<16xi32>
    %shift_right_arithmetic3A_321 = arith.shrsi %add3A_318, %shift_right_arithmetic3A_320 : vector<16xi32>
    %and3A_322 = arith.constant 7 : i32
    %and3A_323 = vector.broadcast %and3A_322 : i32 to vector<16xi32>
    %and3A_324 = arith.andi %add3A_318, %and3A_323 : vector<16xi32>
    %mul3A_325 = arith.constant 9363 : i32
    %mul3A_326 = vector.broadcast %mul3A_325 : i32 to vector<16xi32>
    %mul3A_327 = arith.muli %shift_right_arithmetic3A_321, %mul3A_326 : vector<16xi32>
    %shift_right_arithmetic3A_328 = arith.constant 16 : i32
    %shift_right_arithmetic3A_329 = vector.broadcast %shift_right_arithmetic3A_328 : i32 to vector<16xi32>
    %shift_right_arithmetic3A_330 = arith.shrsi %mul3A_327, %shift_right_arithmetic3A_329 : vector<16xi32>
    %mul3A_331 = arith.constant 7 : i32
    %mul3A_332 = vector.broadcast %mul3A_331 : i32 to vector<16xi32>
    %mul3A_333 = arith.muli %shift_right_arithmetic3A_330, %mul3A_332 : vector<16xi32>
    %sub3A_334 = arith.subi %shift_right_arithmetic3A_321, %mul3A_333 : vector<16xi32>
    %mul3A_335 = arith.constant 8 : i32
    %mul3A_336 = vector.broadcast %mul3A_335 : i32 to vector<16xi32>
    %mul3A_337 = arith.muli %shift_right_arithmetic3A_330, %mul3A_336 : vector<16xi32>
    %add3A_338 = arith.addi %mul3A_337, %and3A_324 : vector<16xi32>
    %gather3A_339 = tpu.vector_load_idx %arg11[%add3A_338] : memref<64xf32, #tpu.memory_space<vmem>>[vector<16xi32>], vector<16xf32>,
    %mul3A_340 = arith.constant 8 : i32
    %mul3A_341 = vector.broadcast %mul3A_340 : i32 to vector<16xi32>
    %mul3A_342 = arith.muli %sub3A_334, %mul3A_341 : vector<16xi32>
    %add3A_343 = arith.addi %mul3A_342, %and3A_324 : vector<16xi32>
    %gather3A_344 = tpu.vector_load_idx %arg12[%add3A_343] : memref<64xf32, #tpu.memory_space<vmem>>[vector<16xi32>], vector<16xf32>,
    %add3A_345 = arith.addf %gather3A_339, %gather3A_344 : vector<16xf32>
    %swap3A_346 = arith.constant 160 : index
    %swap3A_347 = tpu.vector_load %arg13[%swap3A_346] {strides = array<i32>} : memref<304xf32, #tpu.memory_space<vmem>>, vector<16xf32>,
    tpu.vector_store %arg13[%swap3A_346], %add3A_345 {strides = array<i32>} : memref<304xf32, #tpu.memory_space<vmem>>, vector<16xf32>,
    %add3A_348 = arith.constant 176 : i32
    %add3A_349 = vector.broadcast %add3A_348 : i32 to vector<16xi32>
    %add3A_350 = arith.addi %iota3A, %add3A_349 : vector<16xi32>
    %shift_right_arithmetic3A_351 = arith.constant 3 : i32
    %shift_right_arithmetic3A_352 = vector.broadcast %shift_right_arithmetic3A_351 : i32 to vector<16xi32>
    %shift_right_arithmetic3A_353 = arith.shrsi %add3A_350, %shift_right_arithmetic3A_352 : vector<16xi32>
    %and3A_354 = arith.constant 7 : i32
    %and3A_355 = vector.broadcast %and3A_354 : i32 to vector<16xi32>
    %and3A_356 = arith.andi %add3A_350, %and3A_355 : vector<16xi32>
    %mul3A_357 = arith.constant 9363 : i32
    %mul3A_358 = vector.broadcast %mul3A_357 : i32 to vector<16xi32>
    %mul3A_359 = arith.muli %shift_right_arithmetic3A_353, %mul3A_358 : vector<16xi32>
    %shift_right_arithmetic3A_360 = arith.constant 16 : i32
    %shift_right_arithmetic3A_361 = vector.broadcast %shift_right_arithmetic3A_360 : i32 to vector<16xi32>
    %shift_right_arithmetic3A_362 = arith.shrsi %mul3A_359, %shift_right_arithmetic3A_361 : vector<16xi32>
    %mul3A_363 = arith.constant 7 : i32
    %mul3A_364 = vector.broadcast %mul3A_363 : i32 to vector<16xi32>
    %mul3A_365 = arith.muli %shift_right_arithmetic3A_362, %mul3A_364 : vector<16xi32>
    %sub3A_366 = arith.subi %shift_right_arithmetic3A_353, %mul3A_365 : vector<16xi32>
    %mul3A_367 = arith.constant 8 : i32
    %mul3A_368 = vector.broadcast %mul3A_367 : i32 to vector<16xi32>
    %mul3A_369 = arith.muli %shift_right_arithmetic3A_362, %mul3A_368 : vector<16xi32>
    %add3A_370 = arith.addi %mul3A_369, %and3A_356 : vector<16xi32>
    %gather3A_371 = tpu.vector_load_idx %arg11[%add3A_370] : memref<64xf32, #tpu.memory_space<vmem>>[vector<16xi32>], vector<16xf32>,
    %mul3A_372 = arith.constant 8 : i32
    %mul3A_373 = vector.broadcast %mul3A_372 : i32 to vector<16xi32>
    %mul3A_374 = arith.muli %sub3A_366, %mul3A_373 : vector<16xi32>
    %add3A_375 = arith.addi %mul3A_374, %and3A_356 : vector<16xi32>
    %gather3A_376 = tpu.vector_load_idx %arg12[%add3A_375] : memref<64xf32, #tpu.memory_space<vmem>>[vector<16xi32>], vector<16xf32>,
    %add3A_377 = arith.addf %gather3A_371, %gather3A_376 : vector<16xf32>
    %swap3A_378 = arith.constant 176 : index
    %swap3A_379 = tpu.vector_load %arg13[%swap3A_378] {strides = array<i32>} : memref<304xf32, #tpu.memory_space<vmem>>, vector<16xf32>,
    tpu.vector_store %arg13[%swap3A_378], %add3A_377 {strides = array<i32>} : memref<304xf32, #tpu.memory_space<vmem>>, vector<16xf32>,
    %add3A_380 = arith.constant 192 : i32
    %add3A_381 = vector.broadcast %add3A_380 : i32 to vector<16xi32>
    %add3A_382 = arith.addi %iota3A, %add3A_381 : vector<16xi32>
    %shift_right_arithmetic3A_383 = arith.constant 3 : i32
    %shift_right_arithmetic3A_384 = vector.broadcast %shift_right_arithmetic3A_383 : i32 to vector<16xi32>
    %shift_right_arithmetic3A_385 = arith.shrsi %add3A_382, %shift_right_arithmetic3A_384 : vector<16xi32>
    %and3A_386 = arith.constant 7 : i32
    %and3A_387 = vector.broadcast %and3A_386 : i32 to vector<16xi32>
    %and3A_388 = arith.andi %add3A_382, %and3A_387 : vector<16xi32>
    %mul3A_389 = arith.constant 9363 : i32
    %mul3A_390 = vector.broadcast %mul3A_389 : i32 to vector<16xi32>
    %mul3A_391 = arith.muli %shift_right_arithmetic3A_385, %mul3A_390 : vector<16xi32>
    %shift_right_arithmetic3A_392 = arith.constant 16 : i32
    %shift_right_arithmetic3A_393 = vector.broadcast %shift_right_arithmetic3A_392 : i32 to vector<16xi32>
    %shift_right_arithmetic3A_394 = arith.shrsi %mul3A_391, %shift_right_arithmetic3A_393 : vector<16xi32>
    %mul3A_395 = arith.constant 7 : i32
    %mul3A_396 = vector.broadcast %mul3A_395 : i32 to vector<16xi32>
    %mul3A_397 = arith.muli %shift_right_arithmetic3A_394, %mul3A_396 : vector<16xi32>
    %sub3A_398 = arith.subi %shift_right_arithmetic3A_385, %mul3A_397 : vector<16xi32>
    %mul3A_399 = arith.constant 8 : i32
    %mul3A_400 = vector.broadcast %mul3A_399 : i32 to vector<16xi32>
    %mul3A_401 = arith.muli %shift_right_arithmetic3A_394, %mul3A_400 : vector<16xi32>
    %add3A_402 = arith.addi %mul3A_401, %and3A_388 : vector<16xi32>
    %gather3A_403 = tpu.vector_load_idx %arg11[%add3A_402] : memref<64xf32, #tpu.memory_space<vmem>>[vector<16xi32>], vector<16xf32>,
    %mul3A_404 = arith.constant 8 : i32
    %mul3A_405 = vector.broadcast %mul3A_404 : i32 to vector<16xi32>
    %mul3A_406 = arith.muli %sub3A_398, %mul3A_405 : vector<16xi32>
    %add3A_407 = arith.addi %mul3A_406, %and3A_388 : vector<16xi32>
    %gather3A_408 = tpu.vector_load_idx %arg12[%add3A_407] : memref<64xf32, #tpu.memory_space<vmem>>[vector<16xi32>], vector<16xf32>,
    %add3A_409 = arith.addf %gather3A_403, %gather3A_408 : vector<16xf32>
    %swap3A_410 = arith.constant 192 : index
    %swap3A_411 = tpu.vector_load %arg13[%swap3A_410] {strides = array<i32>} : memref<304xf32, #tpu.memory_space<vmem>>, vector<16xf32>,
    tpu.vector_store %arg13[%swap3A_410], %add3A_409 {strides = array<i32>} : memref<304xf32, #tpu.memory_space<vmem>>, vector<16xf32>,
    %add3A_412 = arith.constant 208 : i32
    %add3A_413 = vector.broadcast %add3A_412 : i32 to vector<16xi32>
    %add3A_414 = arith.addi %iota3A, %add3A_413 : vector<16xi32>
    %shift_right_arithmetic3A_415 = arith.constant 3 : i32
    %shift_right_arithmetic3A_416 = vector.broadcast %shift_right_arithmetic3A_415 : i32 to vector<16xi32>
    %shift_right_arithmetic3A_417 = arith.shrsi %add3A_414, %shift_right_arithmetic3A_416 : vector<16xi32>
    %and3A_418 = arith.constant 7 : i32
    %and3A_419 = vector.broadcast %and3A_418 : i32 to vector<16xi32>
    %and3A_420 = arith.andi %add3A_414, %and3A_419 : vector<16xi32>
    %mul3A_421 = arith.constant 9363 : i32
    %mul3A_422 = vector.broadcast %mul3A_421 : i32 to vector<16xi32>
    %mul3A_423 = arith.muli %shift_right_arithmetic3A_417, %mul3A_422 : vector<16xi32>
    %shift_right_arithmetic3A_424 = arith.constant 16 : i32
    %shift_right_arithmetic3A_425 = vector.broadcast %shift_right_arithmetic3A_424 : i32 to vector<16xi32>
    %shift_right_arithmetic3A_426 = arith.shrsi %mul3A_423, %shift_right_arithmetic3A_425 : vector<16xi32>
    %mul3A_427 = arith.constant 7 : i32
    %mul3A_428 = vector.broadcast %mul3A_427 : i32 to vector<16xi32>
    %mul3A_429 = arith.muli %shift_right_arithmetic3A_426, %mul3A_428 : vector<16xi32>
    %sub3A_430 = arith.subi %shift_right_arithmetic3A_417, %mul3A_429 : vector<16xi32>
    %mul3A_431 = arith.constant 8 : i32
    %mul3A_432 = vector.broadcast %mul3A_431 : i32 to vector<16xi32>
    %mul3A_433 = arith.muli %shift_right_arithmetic3A_426, %mul3A_432 : vector<16xi32>
    %add3A_434 = arith.addi %mul3A_433, %and3A_420 : vector<16xi32>
    %gather3A_435 = tpu.vector_load_idx %arg11[%add3A_434] : memref<64xf32, #tpu.memory_space<vmem>>[vector<16xi32>], vector<16xf32>,
    %mul3A_436 = arith.constant 8 : i32
    %mul3A_437 = vector.broadcast %mul3A_436 : i32 to vector<16xi32>
    %mul3A_438 = arith.muli %sub3A_430, %mul3A_437 : vector<16xi32>
    %add3A_439 = arith.addi %mul3A_438, %and3A_420 : vector<16xi32>
    %gather3A_440 = tpu.vector_load_idx %arg12[%add3A_439] : memref<64xf32, #tpu.memory_space<vmem>>[vector<16xi32>], vector<16xf32>,
    %add3A_441 = arith.addf %gather3A_435, %gather3A_440 : vector<16xf32>
    %swap3A_442 = arith.constant 208 : index
    %swap3A_443 = tpu.vector_load %arg13[%swap3A_442] {strides = array<i32>} : memref<304xf32, #tpu.memory_space<vmem>>, vector<16xf32>,
    tpu.vector_store %arg13[%swap3A_442], %add3A_441 {strides = array<i32>} : memref<304xf32, #tpu.memory_space<vmem>>, vector<16xf32>,
    %add3A_444 = arith.constant 224 : i32
    %add3A_445 = vector.broadcast %add3A_444 : i32 to vector<16xi32>
    %add3A_446 = arith.addi %iota3A, %add3A_445 : vector<16xi32>
    %shift_right_arithmetic3A_447 = arith.constant 3 : i32
    %shift_right_arithmetic3A_448 = vector.broadcast %shift_right_arithmetic3A_447 : i32 to vector<16xi32>
    %shift_right_arithmetic3A_449 = arith.shrsi %add3A_446, %shift_right_arithmetic3A_448 : vector<16xi32>
    %and3A_450 = arith.constant 7 : i32
    %and3A_451 = vector.broadcast %and3A_450 : i32 to vector<16xi32>
    %and3A_452 = arith.andi %add3A_446, %and3A_451 : vector<16xi32>
    %mul3A_453 = arith.constant 9363 : i32
    %mul3A_454 = vector.broadcast %mul3A_453 : i32 to vector<16xi32>
    %mul3A_455 = arith.muli %shift_right_arithmetic3A_449, %mul3A_454 : vector<16xi32>
    %shift_right_arithmetic3A_456 = arith.constant 16 : i32
    %shift_right_arithmetic3A_457 = vector.broadcast %shift_right_arithmetic3A_456 : i32 to vector<16xi32>
    %shift_right_arithmetic3A_458 = arith.shrsi %mul3A_455, %shift_right_arithmetic3A_457 : vector<16xi32>
    %mul3A_459 = arith.constant 7 : i32
    %mul3A_460 = vector.broadcast %mul3A_459 : i32 to vector<16xi32>
    %mul3A_461 = arith.muli %shift_right_arithmetic3A_458, %mul3A_460 : vector<16xi32>
    %sub3A_462 = arith.subi %shift_right_arithmetic3A_449, %mul3A_461 : vector<16xi32>
    %mul3A_463 = arith.constant 8 : i32
    %mul3A_464 = vector.broadcast %mul3A_463 : i32 to vector<16xi32>
    %mul3A_465 = arith.muli %shift_right_arithmetic3A_458, %mul3A_464 : vector<16xi32>
    %add3A_466 = arith.addi %mul3A_465, %and3A_452 : vector<16xi32>
    %gather3A_467 = tpu.vector_load_idx %arg11[%add3A_466] : memref<64xf32, #tpu.memory_space<vmem>>[vector<16xi32>], vector<16xf32>,
    %mul3A_468 = arith.constant 8 : i32
    %mul3A_469 = vector.broadcast %mul3A_468 : i32 to vector<16xi32>
    %mul3A_470 = arith.muli %sub3A_462, %mul3A_469 : vector<16xi32>
    %add3A_471 = arith.addi %mul3A_470, %and3A_452 : vector<16xi32>
    %gather3A_472 = tpu.vector_load_idx %arg12[%add3A_471] : memref<64xf32, #tpu.memory_space<vmem>>[vector<16xi32>], vector<16xf32>,
    %add3A_473 = arith.addf %gather3A_467, %gather3A_472 : vector<16xf32>
    %swap3A_474 = arith.constant 224 : index
    %swap3A_475 = tpu.vector_load %arg13[%swap3A_474] {strides = array<i32>} : memref<304xf32, #tpu.memory_space<vmem>>, vector<16xf32>,
    tpu.vector_store %arg13[%swap3A_474], %add3A_473 {strides = array<i32>} : memref<304xf32, #tpu.memory_space<vmem>>, vector<16xf32>,
    %add3A_476 = arith.constant 240 : i32
    %add3A_477 = vector.broadcast %add3A_476 : i32 to vector<16xi32>
    %add3A_478 = arith.addi %iota3A, %add3A_477 : vector<16xi32>
    %shift_right_arithmetic3A_479 = arith.constant 3 : i32
    %shift_right_arithmetic3A_480 = vector.broadcast %shift_right_arithmetic3A_479 : i32 to vector<16xi32>
    %shift_right_arithmetic3A_481 = arith.shrsi %add3A_478, %shift_right_arithmetic3A_480 : vector<16xi32>
    %and3A_482 = arith.constant 7 : i32
    %and3A_483 = vector.broadcast %and3A_482 : i32 to vector<16xi32>
    %and3A_484 = arith.andi %add3A_478, %and3A_483 : vector<16xi32>
    %mul3A_485 = arith.constant 9363 : i32
    %mul3A_486 = vector.broadcast %mul3A_485 : i32 to vector<16xi32>
    %mul3A_487 = arith.muli %shift_right_arithmetic3A_481, %mul3A_486 : vector<16xi32>
    %shift_right_arithmetic3A_488 = arith.constant 16 : i32
    %shift_right_arithmetic3A_489 = vector.broadcast %shift_right_arithmetic3A_488 : i32 to vector<16xi32>
    %shift_right_arithmetic3A_490 = arith.shrsi %mul3A_487, %shift_right_arithmetic3A_489 : vector<16xi32>
    %mul3A_491 = arith.constant 7 : i32
    %mul3A_492 = vector.broadcast %mul3A_491 : i32 to vector<16xi32>
    %mul3A_493 = arith.muli %shift_right_arithmetic3A_490, %mul3A_492 : vector<16xi32>
    %sub3A_494 = arith.subi %shift_right_arithmetic3A_481, %mul3A_493 : vector<16xi32>
    %mul3A_495 = arith.constant 8 : i32
    %mul3A_496 = vector.broadcast %mul3A_495 : i32 to vector<16xi32>
    %mul3A_497 = arith.muli %shift_right_arithmetic3A_490, %mul3A_496 : vector<16xi32>
    %add3A_498 = arith.addi %mul3A_497, %and3A_484 : vector<16xi32>
    %gather3A_499 = tpu.vector_load_idx %arg11[%add3A_498] : memref<64xf32, #tpu.memory_space<vmem>>[vector<16xi32>], vector<16xf32>,
    %mul3A_500 = arith.constant 8 : i32
    %mul3A_501 = vector.broadcast %mul3A_500 : i32 to vector<16xi32>
    %mul3A_502 = arith.muli %sub3A_494, %mul3A_501 : vector<16xi32>
    %add3A_503 = arith.addi %mul3A_502, %and3A_484 : vector<16xi32>
    %gather3A_504 = tpu.vector_load_idx %arg12[%add3A_503] : memref<64xf32, #tpu.memory_space<vmem>>[vector<16xi32>], vector<16xf32>,
    %add3A_505 = arith.addf %gather3A_499, %gather3A_504 : vector<16xf32>
    %swap3A_506 = arith.constant 240 : index
    %swap3A_507 = tpu.vector_load %arg13[%swap3A_506] {strides = array<i32>} : memref<304xf32, #tpu.memory_space<vmem>>, vector<16xf32>,
    tpu.vector_store %arg13[%swap3A_506], %add3A_505 {strides = array<i32>} : memref<304xf32, #tpu.memory_space<vmem>>, vector<16xf32>,
    %add3A_508 = arith.constant 256 : i32
    %add3A_509 = vector.broadcast %add3A_508 : i32 to vector<16xi32>
    %add3A_510 = arith.addi %iota3A, %add3A_509 : vector<16xi32>
    %shift_right_arithmetic3A_511 = arith.constant 3 : i32
    %shift_right_arithmetic3A_512 = vector.broadcast %shift_right_arithmetic3A_511 : i32 to vector<16xi32>
    %shift_right_arithmetic3A_513 = arith.shrsi %add3A_510, %shift_right_arithmetic3A_512 : vector<16xi32>
    %and3A_514 = arith.constant 7 : i32
    %and3A_515 = vector.broadcast %and3A_514 : i32 to vector<16xi32>
    %and3A_516 = arith.andi %add3A_510, %and3A_515 : vector<16xi32>
    %mul3A_517 = arith.constant 9363 : i32
    %mul3A_518 = vector.broadcast %mul3A_517 : i32 to vector<16xi32>
    %mul3A_519 = arith.muli %shift_right_arithmetic3A_513, %mul3A_518 : vector<16xi32>
    %shift_right_arithmetic3A_520 = arith.constant 16 : i32
    %shift_right_arithmetic3A_521 = vector.broadcast %shift_right_arithmetic3A_520 : i32 to vector<16xi32>
    %shift_right_arithmetic3A_522 = arith.shrsi %mul3A_519, %shift_right_arithmetic3A_521 : vector<16xi32>
    %mul3A_523 = arith.constant 7 : i32
    %mul3A_524 = vector.broadcast %mul3A_523 : i32 to vector<16xi32>
    %mul3A_525 = arith.muli %shift_right_arithmetic3A_522, %mul3A_524 : vector<16xi32>
    %sub3A_526 = arith.subi %shift_right_arithmetic3A_513, %mul3A_525 : vector<16xi32>
    %mul3A_527 = arith.constant 8 : i32
    %mul3A_528 = vector.broadcast %mul3A_527 : i32 to vector<16xi32>
    %mul3A_529 = arith.muli %shift_right_arithmetic3A_522, %mul3A_528 : vector<16xi32>
    %add3A_530 = arith.addi %mul3A_529, %and3A_516 : vector<16xi32>
    %gather3A_531 = tpu.vector_load_idx %arg11[%add3A_530] : memref<64xf32, #tpu.memory_space<vmem>>[vector<16xi32>], vector<16xf32>,
    %mul3A_532 = arith.constant 8 : i32
    %mul3A_533 = vector.broadcast %mul3A_532 : i32 to vector<16xi32>
    %mul3A_534 = arith.muli %sub3A_526, %mul3A_533 : vector<16xi32>
    %add3A_535 = arith.addi %mul3A_534, %and3A_516 : vector<16xi32>
    %gather3A_536 = tpu.vector_load_idx %arg12[%add3A_535] : memref<64xf32, #tpu.memory_space<vmem>>[vector<16xi32>], vector<16xf32>,
    %add3A_537 = arith.addf %gather3A_531, %gather3A_536 : vector<16xf32>
    %swap3A_538 = arith.constant 256 : index
    %swap3A_539 = tpu.vector_load %arg13[%swap3A_538] {strides = array<i32>} : memref<304xf32, #tpu.memory_space<vmem>>, vector<16xf32>,
    tpu.vector_store %arg13[%swap3A_538], %add3A_537 {strides = array<i32>} : memref<304xf32, #tpu.memory_space<vmem>>, vector<16xf32>,
    %add3A_540 = arith.constant 272 : i32
    %add3A_541 = vector.broadcast %add3A_540 : i32 to vector<16xi32>
    %add3A_542 = arith.addi %iota3A, %add3A_541 : vector<16xi32>
    %shift_right_arithmetic3A_543 = arith.constant 3 : i32
    %shift_right_arithmetic3A_544 = vector.broadcast %shift_right_arithmetic3A_543 : i32 to vector<16xi32>
    %shift_right_arithmetic3A_545 = arith.shrsi %add3A_542, %shift_right_arithmetic3A_544 : vector<16xi32>
    %and3A_546 = arith.constant 7 : i32
    %and3A_547 = vector.broadcast %and3A_546 : i32 to vector<16xi32>
    %and3A_548 = arith.andi %add3A_542, %and3A_547 : vector<16xi32>
    %mul3A_549 = arith.constant 9363 : i32
    %mul3A_550 = vector.broadcast %mul3A_549 : i32 to vector<16xi32>
    %mul3A_551 = arith.muli %shift_right_arithmetic3A_545, %mul3A_550 : vector<16xi32>
    %shift_right_arithmetic3A_552 = arith.constant 16 : i32
    %shift_right_arithmetic3A_553 = vector.broadcast %shift_right_arithmetic3A_552 : i32 to vector<16xi32>
    %shift_right_arithmetic3A_554 = arith.shrsi %mul3A_551, %shift_right_arithmetic3A_553 : vector<16xi32>
    %mul3A_555 = arith.constant 7 : i32
    %mul3A_556 = vector.broadcast %mul3A_555 : i32 to vector<16xi32>
    %mul3A_557 = arith.muli %shift_right_arithmetic3A_554, %mul3A_556 : vector<16xi32>
    %sub3A_558 = arith.subi %shift_right_arithmetic3A_545, %mul3A_557 : vector<16xi32>
    %mul3A_559 = arith.constant 8 : i32
    %mul3A_560 = vector.broadcast %mul3A_559 : i32 to vector<16xi32>
    %mul3A_561 = arith.muli %shift_right_arithmetic3A_554, %mul3A_560 : vector<16xi32>
    %add3A_562 = arith.addi %mul3A_561, %and3A_548 : vector<16xi32>
    %gather3A_563 = tpu.vector_load_idx %arg11[%add3A_562] : memref<64xf32, #tpu.memory_space<vmem>>[vector<16xi32>], vector<16xf32>,
    %mul3A_564 = arith.constant 8 : i32
    %mul3A_565 = vector.broadcast %mul3A_564 : i32 to vector<16xi32>
    %mul3A_566 = arith.muli %sub3A_558, %mul3A_565 : vector<16xi32>
    %add3A_567 = arith.addi %mul3A_566, %and3A_548 : vector<16xi32>
    %gather3A_568 = tpu.vector_load_idx %arg12[%add3A_567] : memref<64xf32, #tpu.memory_space<vmem>>[vector<16xi32>], vector<16xf32>,
    %add3A_569 = arith.addf %gather3A_563, %gather3A_568 : vector<16xf32>
    %swap3A_570 = arith.constant 272 : index
    %swap3A_571 = tpu.vector_load %arg13[%swap3A_570] {strides = array<i32>} : memref<304xf32, #tpu.memory_space<vmem>>, vector<16xf32>,
    tpu.vector_store %arg13[%swap3A_570], %add3A_569 {strides = array<i32>} : memref<304xf32, #tpu.memory_space<vmem>>, vector<16xf32>,
    %scan3A = arith.constant 0 : i32
    %scan3A_572 = arith.constant 0 : i32
    %scan3A_573 = arith.constant 280 : i32
    %scan3A_574 = arith.addi %scan3A_572, %scan3A_573 : i32
    %scan3A_575 = arith.constant 1 : i32
    scf.for %scan3A_747 = %scan3A_572 to %scan3A_574 step %scan3A_575  : i32 {
      %get3A = arith.index_cast %scan3A_747 : i32 to index
      %get3A_748 = tpu.vector_load %arg13[%get3A] {strides = array<i32>} : memref<304xf32, #tpu.memory_space<vmem>>, vector<16xf32>,
      %slice3A = vector.extract_strided_slice %get3A_748 {offsets = [0], sizes = [1], strides = [1]} : vector<16xf32> to vector<1xf32>
      %squeeze3A = vector.extract %slice3A[0] : f32 from vector<1xf32>
      %broadcast_in_dim3A = vector.broadcast %squeeze3A : f32 to vector<16xf32>
      %mul3A_749 = arith.constant 16 : i32
      %mul3A_750 = arith.muli %mul3A_749, %scan3A_747 : i32
      %swap3A_751 = arith.index_cast %mul3A_750 : i32 to index
      %swap3A_752 = tpu.vector_load %arg14[%swap3A_751] {strides = array<i32>} : memref<4480xf32, #tpu.memory_space<vmem>>, vector<16xf32>,
      tpu.vector_store %arg14[%swap3A_751], %broadcast_in_dim3A {strides = array<i32>} : memref<4480xf32, #tpu.memory_space<vmem>>, vector<16xf32>,
    }
    %scan3A_576 = arith.constant 280 : i32
    %mul3A_577 = arith.constant 262144 : i32
    %mul3A_578 = arith.muli %add3A, %mul3A_577 : i32
    %add3A_579 = arith.constant 0 : i32
    %add3A_580 = arith.addi %mul3A_578, %add3A_579 : i32
    %jit3A = arith.constant 128 : i32
    %div3A = arith.divsi %add3A_580, %jit3A : i32
    %sign3A = arith.constant 0 : i32
    %sign3A_581 = arith.cmpi sgt, %add3A_580, %sign3A : i32
    %sign3A_582 = arith.extui %sign3A_581 : i1 to i32
    %sign3A_583 = arith.constant 0 : i32
    %sign3A_584 = arith.cmpi slt, %add3A_580, %sign3A_583 : i32
    %sign3A_585 = arith.extui %sign3A_584 : i1 to i32
    %sign3A_586 = arith.subi %sign3A_582, %sign3A_585 : i32
    %sign3A_587 = arith.constant 0 : i32
    %sign3A_588 = arith.cmpi sgt, %jit3A, %sign3A_587 : i32
    %sign3A_589 = arith.extui %sign3A_588 : i1 to i32
    %sign3A_590 = arith.constant 0 : i32
    %sign3A_591 = arith.cmpi slt, %jit3A, %sign3A_590 : i32
    %sign3A_592 = arith.extui %sign3A_591 : i1 to i32
    %sign3A_593 = arith.subi %sign3A_589, %sign3A_592 : i32
    %ne3A = arith.cmpi ne, %sign3A_586, %sign3A_593 : i32
    %rem3A = arith.remsi %add3A_580, %jit3A : i32
    %ne3A_594 = arith.constant 0 : i32
    %ne3A_595 = arith.cmpi ne, %rem3A, %ne3A_594 : i32
    %and3A_596 = arith.andi %ne3A, %ne3A_595 : i1
    %sub3A_597 = arith.constant 1 : i32
    %sub3A_598 = arith.subi %div3A, %sub3A_597 : i32
    %select_n3A = arith.select %and3A_596, %sub3A_598, %div3A : i32
    %add3A_599 = arith.constant 0 : i32
    %add3A_600 = arith.addi %select_n3A, %add3A_599 : i32
    %add3A_601 = vector.broadcast %add3A_600 : i32 to vector<16xi32>
    %add3A_602 = arith.addi %add3A_601, %iota3A : vector<16xi32>
    %swap3A_603 = arith.constant 0 : i32
    %swap3A_604 = arith.constant 0 : i32
    %swap3A_605 = arith.index_cast %swap3A_603 : i32 to index
    %swap3A_606 = arith.index_cast %swap3A_604 : i32 to index
    %swap3A_607 = arith.constant 0 : index
    %swap3A_608 = tpu.vector_load %arg18[%swap3A_605, %swap3A_606, %swap3A_607] {strides = array<i32>} : memref<2x1x32xi32, #tpu.memory_space<vmem>>, vector<16xi32>,
    tpu.vector_store %arg18[%swap3A_605, %swap3A_606, %swap3A_607], %add3A_602 {strides = array<i32>} : memref<2x1x32xi32, #tpu.memory_space<vmem>>, vector<16xi32>,
    %add3A_609 = arith.constant 16 : i32
    %add3A_610 = arith.addi %select_n3A, %add3A_609 : i32
    %add3A_611 = vector.broadcast %add3A_610 : i32 to vector<16xi32>
    %add3A_612 = arith.addi %add3A_611, %iota3A : vector<16xi32>
    %swap3A_613 = arith.constant 0 : i32
    %swap3A_614 = arith.constant 0 : i32
    %swap3A_615 = arith.index_cast %swap3A_613 : i32 to index
    %swap3A_616 = arith.index_cast %swap3A_614 : i32 to index
    %swap3A_617 = arith.constant 16 : index
    %swap3A_618 = tpu.vector_load %arg18[%swap3A_615, %swap3A_616, %swap3A_617] {strides = array<i32>} : memref<2x1x32xi32, #tpu.memory_space<vmem>>, vector<16xi32>,
    tpu.vector_store %arg18[%swap3A_615, %swap3A_616, %swap3A_617], %add3A_612 {strides = array<i32>} : memref<2x1x32xi32, #tpu.memory_space<vmem>>, vector<16xi32>,
    %dma_start3A = arith.constant 0 : i32
    %dma_start3A_619 = arith.constant 0 : i32
    %dma_start3A_620 = arith.constant 0 : i32
    %dma_start3A_621 = tpu.memref_slice %arg18[%dma_start3A, %dma_start3A_619, %dma_start3A_620] : memref<2x1x32xi32, #tpu.memory_space<vmem>> -> memref<1x1x32xi32, #tpu.memory_space<vmem>>
    %dma_start3A_622 = tpu.memref_squeeze %dma_start3A_621 : memref<1x1x32xi32, #tpu.memory_space<vmem>> -> memref<32xi32, #tpu.memory_space<vmem>>
    %dma_start3A_623 = arith.constant 0 : i32
    %dma_start3A_624 = arith.constant 0 : i32
    %dma_start3A_625 = tpu.memref_slice %arg2[%dma_start3A_623, %dma_start3A_624] : memref<65536x128xi32, #tpu.memory_space<hbm>> -> memref<65536x128xi32, #tpu.memory_space<hbm>>
    tpu.enqueue_indirect_dma source(%dma_start3A_625 : memref<65536x128xi32, #tpu.memory_space<hbm>>) target(%arg7 : memref<32x128xi32, #tpu.memory_space<vmem>>) offsets(%dma_start3A_622 : memref<32xi32, #tpu.memory_space<vmem>>) semaphore(%arg20 : memref<!tpu.dma_semaphore, #tpu.memory_space<semaphore_mem>>)
    %dma_start3A_626 = arith.constant 0 : i32
    %dma_start3A_627 = arith.constant 0 : i32
    %dma_start3A_628 = arith.constant 0 : i32
    %dma_start3A_629 = tpu.memref_slice %arg18[%dma_start3A_626, %dma_start3A_627, %dma_start3A_628] : memref<2x1x32xi32, #tpu.memory_space<vmem>> -> memref<1x1x32xi32, #tpu.memory_space<vmem>>
    %dma_start3A_630 = tpu.memref_squeeze %dma_start3A_629 : memref<1x1x32xi32, #tpu.memory_space<vmem>> -> memref<32xi32, #tpu.memory_space<vmem>>
    %dma_start3A_631 = arith.constant 0 : i32
    %dma_start3A_632 = arith.constant 0 : i32
    %dma_start3A_633 = tpu.memref_slice %arg3[%dma_start3A_631, %dma_start3A_632] : memref<65536x128xi32, #tpu.memory_space<hbm>> -> memref<65536x128xi32, #tpu.memory_space<hbm>>
    tpu.enqueue_indirect_dma source(%dma_start3A_633 : memref<65536x128xi32, #tpu.memory_space<hbm>>) target(%arg9 : memref<32x128xi32, #tpu.memory_space<vmem>>) offsets(%dma_start3A_630 : memref<32xi32, #tpu.memory_space<vmem>>) semaphore(%arg20 : memref<!tpu.dma_semaphore, #tpu.memory_space<semaphore_mem>>)
    %mul3A_634 = arith.constant 262144 : i32
    %mul3A_635 = arith.muli %add3A, %mul3A_634 : i32
    %add3A_636 = arith.constant 4096 : i32
    %add3A_637 = arith.addi %mul3A_635, %add3A_636 : i32
    %jit3A_638 = arith.constant 128 : i32
    %div3A_639 = arith.divsi %add3A_637, %jit3A_638 : i32
    %sign3A_640 = arith.constant 0 : i32
    %sign3A_641 = arith.cmpi sgt, %add3A_637, %sign3A_640 : i32
    %sign3A_642 = arith.extui %sign3A_641 : i1 to i32
    %sign3A_643 = arith.constant 0 : i32
    %sign3A_644 = arith.cmpi slt, %add3A_637, %sign3A_643 : i32
    %sign3A_645 = arith.extui %sign3A_644 : i1 to i32
    %sign3A_646 = arith.subi %sign3A_642, %sign3A_645 : i32
    %sign3A_647 = arith.constant 0 : i32
    %sign3A_648 = arith.cmpi sgt, %jit3A_638, %sign3A_647 : i32
    %sign3A_649 = arith.extui %sign3A_648 : i1 to i32
    %sign3A_650 = arith.constant 0 : i32
    %sign3A_651 = arith.cmpi slt, %jit3A_638, %sign3A_650 : i32
    %sign3A_652 = arith.extui %sign3A_651 : i1 to i32
    %sign3A_653 = arith.subi %sign3A_649, %sign3A_652 : i32
    %ne3A_654 = arith.cmpi ne, %sign3A_646, %sign3A_653 : i32
    %rem3A_655 = arith.remsi %add3A_637, %jit3A_638 : i32
    %ne3A_656 = arith.constant 0 : i32
    %ne3A_657 = arith.cmpi ne, %rem3A_655, %ne3A_656 : i32
    %and3A_658 = arith.andi %ne3A_654, %ne3A_657 : i1
    %sub3A_659 = arith.constant 1 : i32
    %sub3A_660 = arith.subi %div3A_639, %sub3A_659 : i32
    %select_n3A_661 = arith.select %and3A_658, %sub3A_660, %div3A_639 : i32
    %add3A_662 = arith.constant 0 : i32
    %add3A_663 = arith.addi %select_n3A_661, %add3A_662 : i32
    %add3A_664 = vector.broadcast %add3A_663 : i32 to vector<16xi32>
    %add3A_665 = arith.addi %add3A_664, %iota3A : vector<16xi32>
    %swap3A_666 = arith.constant 1 : i32
    %swap3A_667 = arith.constant 0 : i32
    %swap3A_668 = arith.index_cast %swap3A_666 : i32 to index
    %swap3A_669 = arith.index_cast %swap3A_667 : i32 to index
    %swap3A_670 = arith.constant 0 : index
    %swap3A_671 = tpu.vector_load %arg18[%swap3A_668, %swap3A_669, %swap3A_670] {strides = array<i32>} : memref<2x1x32xi32, #tpu.memory_space<vmem>>, vector<16xi32>,
    tpu.vector_store %arg18[%swap3A_668, %swap3A_669, %swap3A_670], %add3A_665 {strides = array<i32>} : memref<2x1x32xi32, #tpu.memory_space<vmem>>, vector<16xi32>,
    %add3A_672 = arith.constant 16 : i32
    %add3A_673 = arith.addi %select_n3A_661, %add3A_672 : i32
    %add3A_674 = vector.broadcast %add3A_673 : i32 to vector<16xi32>
    %add3A_675 = arith.addi %add3A_674, %iota3A : vector<16xi32>
    %swap3A_676 = arith.constant 1 : i32
    %swap3A_677 = arith.constant 0 : i32
    %swap3A_678 = arith.index_cast %swap3A_676 : i32 to index
    %swap3A_679 = arith.index_cast %swap3A_677 : i32 to index
    %swap3A_680 = arith.constant 16 : index
    %swap3A_681 = tpu.vector_load %arg18[%swap3A_678, %swap3A_679, %swap3A_680] {strides = array<i32>} : memref<2x1x32xi32, #tpu.memory_space<vmem>>, vector<16xi32>,
    tpu.vector_store %arg18[%swap3A_678, %swap3A_679, %swap3A_680], %add3A_675 {strides = array<i32>} : memref<2x1x32xi32, #tpu.memory_space<vmem>>, vector<16xi32>,
    %dma_start3A_682 = arith.constant 1 : i32
    %dma_start3A_683 = arith.constant 0 : i32
    %dma_start3A_684 = arith.constant 0 : i32
    %dma_start3A_685 = tpu.memref_slice %arg18[%dma_start3A_682, %dma_start3A_683, %dma_start3A_684] : memref<2x1x32xi32, #tpu.memory_space<vmem>> -> memref<1x1x32xi32, #tpu.memory_space<vmem>>
    %dma_start3A_686 = tpu.memref_squeeze %dma_start3A_685 : memref<1x1x32xi32, #tpu.memory_space<vmem>> -> memref<32xi32, #tpu.memory_space<vmem>>
    %dma_start3A_687 = arith.constant 0 : i32
    %dma_start3A_688 = arith.constant 0 : i32
    %dma_start3A_689 = tpu.memref_slice %arg2[%dma_start3A_687, %dma_start3A_688] : memref<65536x128xi32, #tpu.memory_space<hbm>> -> memref<65536x128xi32, #tpu.memory_space<hbm>>
    tpu.enqueue_indirect_dma source(%dma_start3A_689 : memref<65536x128xi32, #tpu.memory_space<hbm>>) target(%arg8 : memref<32x128xi32, #tpu.memory_space<vmem>>) offsets(%dma_start3A_686 : memref<32xi32, #tpu.memory_space<vmem>>) semaphore(%arg21 : memref<!tpu.dma_semaphore, #tpu.memory_space<semaphore_mem>>)
    %dma_start3A_690 = arith.constant 1 : i32
    %dma_start3A_691 = arith.constant 0 : i32
    %dma_start3A_692 = arith.constant 0 : i32
    %dma_start3A_693 = tpu.memref_slice %arg18[%dma_start3A_690, %dma_start3A_691, %dma_start3A_692] : memref<2x1x32xi32, #tpu.memory_space<vmem>> -> memref<1x1x32xi32, #tpu.memory_space<vmem>>
    %dma_start3A_694 = tpu.memref_squeeze %dma_start3A_693 : memref<1x1x32xi32, #tpu.memory_space<vmem>> -> memref<32xi32, #tpu.memory_space<vmem>>
    %dma_start3A_695 = arith.constant 0 : i32
    %dma_start3A_696 = arith.constant 0 : i32
    %dma_start3A_697 = tpu.memref_slice %arg3[%dma_start3A_695, %dma_start3A_696] : memref<65536x128xi32, #tpu.memory_space<hbm>> -> memref<65536x128xi32, #tpu.memory_space<hbm>>
    tpu.enqueue_indirect_dma source(%dma_start3A_697 : memref<65536x128xi32, #tpu.memory_space<hbm>>) target(%arg10 : memref<32x128xi32, #tpu.memory_space<vmem>>) offsets(%dma_start3A_694 : memref<32xi32, #tpu.memory_space<vmem>>) semaphore(%arg21 : memref<!tpu.dma_semaphore, #tpu.memory_space<semaphore_mem>>)
    %scan3A_698 = arith.constant 0 : i32
    %scan3A_699 = arith.constant 0 : i32
    %scan3A_700 = arith.constant 32 : i32
    %scan3A_701 = arith.addi %scan3A_699, %scan3A_700 : i32
    %scan3A_702 = arith.constant 1 : i32
    scf.for %scan3A_747 = %scan3A_699 to %scan3A_701 step %scan3A_702  : i32 {
      %mul3A_748 = arith.constant 2 : i32
      %mul3A_749 = arith.muli %mul3A_748, %scan3A_747 : i32
      %dma_wait3A_750 = arith.constant 0 : i32
      %dma_wait3A_751 = arith.constant 0 : i32
      %dma_wait3A_752 = arith.constant 0 : i32
      %dma_wait3A_753 = tpu.memref_slice %arg18[%dma_wait3A_750, %dma_wait3A_751, %dma_wait3A_752] : memref<2x1x32xi32, #tpu.memory_space<vmem>> -> memref<1x1x32xi32, #tpu.memory_space<vmem>>
      %dma_wait3A_754 = tpu.memref_squeeze %dma_wait3A_753 : memref<1x1x32xi32, #tpu.memory_space<vmem>> -> memref<32xi32, #tpu.memory_space<vmem>>
      %dma_wait3A_755 = arith.constant 0 : i32
      %dma_wait3A_756 = arith.constant 0 : i32
      %dma_wait3A_757 = tpu.memref_slice %arg2[%dma_wait3A_755, %dma_wait3A_756] : memref<65536x128xi32, #tpu.memory_space<hbm>> -> memref<65536x128xi32, #tpu.memory_space<hbm>>
      tpu.wait_indirect_dma semaphore(%arg20 : memref<!tpu.dma_semaphore, #tpu.memory_space<semaphore_mem>>) src(%dma_wait3A_757 : memref<65536x128xi32, #tpu.memory_space<hbm>>) dst(%arg7 : memref<32x128xi32, #tpu.memory_space<vmem>>)
      %dma_wait3A_758 = arith.constant 0 : i32
      %dma_wait3A_759 = arith.constant 0 : i32
      %dma_wait3A_760 = arith.constant 0 : i32
      %dma_wait3A_761 = tpu.memref_slice %arg18[%dma_wait3A_758, %dma_wait3A_759, %dma_wait3A_760] : memref<2x1x32xi32, #tpu.memory_space<vmem>> -> memref<1x1x32xi32, #tpu.memory_space<vmem>>
      %dma_wait3A_762 = tpu.memref_squeeze %dma_wait3A_761 : memref<1x1x32xi32, #tpu.memory_space<vmem>> -> memref<32xi32, #tpu.memory_space<vmem>>
      %dma_wait3A_763 = arith.constant 0 : i32
      %dma_wait3A_764 = arith.constant 0 : i32
      %dma_wait3A_765 = tpu.memref_slice %arg3[%dma_wait3A_763, %dma_wait3A_764] : memref<65536x128xi32, #tpu.memory_space<hbm>> -> memref<65536x128xi32, #tpu.memory_space<hbm>>
      tpu.wait_indirect_dma semaphore(%arg20 : memref<!tpu.dma_semaphore, #tpu.memory_space<semaphore_mem>>) src(%dma_wait3A_765 : memref<65536x128xi32, #tpu.memory_space<hbm>>) dst(%arg9 : memref<32x128xi32, #tpu.memory_space<vmem>>)
      %parallel_loop3A = arith.constant 0 : i32
      %parallel_loop3A_766 = arith.constant 256 : i32
      %parallel_loop3A_767 = arith.constant 1 : i32
      scf.for %parallel_loop3A_1307 = %parallel_loop3A to %parallel_loop3A_766 step %parallel_loop3A_767  : i32 {
        %parallel_loop3A_1308 = arith.constant 3 : i32
        %parallel_loop3A_1309 = arith.shrsi %parallel_loop3A_1307, %parallel_loop3A_1308 : i32
        %parallel_loop3A_1310 = arith.constant 7 : i32
        %parallel_loop3A_1311 = arith.andi %parallel_loop3A_1307, %parallel_loop3A_1310 : i32
        %parallel_loop3A_1312 = arith.constant 16 : i32
        %parallel_loop3A_1313 = arith.muli %parallel_loop3A_1311, %parallel_loop3A_1312 : i32
        %parallel_loop3A_1314 = arith.index_cast %parallel_loop3A_1309 : i32 to index
        %parallel_loop3A_1315 = arith.index_cast %parallel_loop3A_1313 : i32 to index
        %parallel_loop3A_1316 = tpu.vector_load %arg7[%parallel_loop3A_1314, %parallel_loop3A_1315] {strides = array<i32>} : memref<32x128xi32, #tpu.memory_space<vmem>>, vector<16xi32>,
        %parallel_loop3A_1317 = arith.index_cast %parallel_loop3A_1309 : i32 to index
        %parallel_loop3A_1318 = arith.index_cast %parallel_loop3A_1313 : i32 to index
        %parallel_loop3A_1319 = tpu.vector_load %arg9[%parallel_loop3A_1317, %parallel_loop3A_1318] {strides = array<i32>} : memref<32x128xi32, #tpu.memory_space<vmem>>, vector<16xi32>,
        %parallel_loop3A_1320 = arith.constant 7 : i32
        %parallel_loop3A_1321 = vector.broadcast %parallel_loop3A_1320 : i32 to vector<16xi32>
        %parallel_loop3A_1322 = arith.muli %parallel_loop3A_1316, %parallel_loop3A_1321 : vector<16xi32>
        %parallel_loop3A_1323 = arith.addi %parallel_loop3A_1322, %parallel_loop3A_1319 : vector<16xi32>
        %parallel_loop3A_1324 = arith.constant 128 : i32
        %parallel_loop3A_1325 = vector.broadcast %parallel_loop3A_1324 : i32 to vector<16xi32>
        %parallel_loop3A_1326 = arith.muli %parallel_loop3A_1323, %parallel_loop3A_1325 : vector<16xi32>
        %parallel_loop3A_1327 = arith.constant 16 : i32
        %parallel_loop3A_1328 = arith.muli %parallel_loop3A_1327, %parallel_loop3A_1307 : i32
        %parallel_loop3A_1329 = arith.index_cast %parallel_loop3A_1328 : i32 to index
        %parallel_loop3A_1330 = tpu.vector_load %arg15[%parallel_loop3A_1329] {strides = array<i32>} : memref<4096xi32, #tpu.memory_space<vmem>>, vector<16xi32>,
        tpu.vector_store %arg15[%parallel_loop3A_1329], %parallel_loop3A_1326 {strides = array<i32>} : memref<4096xi32, #tpu.memory_space<vmem>>, vector<16xi32>,
      } {sc.loop_unroll_factor = 8 : i64, sc.parallel_access}
      %add3A_768 = arith.constant 2 : i32
      %add3A_769 = arith.addi %mul3A_749, %add3A_768 : i32
      %lt3A = arith.constant 64 : i32
      %lt3A_770 = arith.cmpi slt, %add3A_769, %lt3A : i32
      %convert_element_type3A = arith.extui %lt3A_770 : i1 to i32
      %cond3A = arith.constant 0 : i32
      %cond3A_771 = arith.cmpi ne, %convert_element_type3A, %cond3A : i32
      scf.if %cond3A_771 {
        %add3A_1307 = arith.constant 2 : i32
        %add3A_1308 = arith.addi %mul3A_749, %add3A_1307 : i32
        %mul3A_1309 = arith.constant 262144 : i32
        %mul3A_1310 = arith.muli %add3A, %mul3A_1309 : i32
        %mul3A_1311 = arith.constant 4096 : i32
        %mul3A_1312 = arith.muli %add3A_1308, %mul3A_1311 : i32
        %add3A_1313 = arith.addi %mul3A_1310, %mul3A_1312 : i32
        %jit3A_1314 = arith.constant 128 : i32
        %div3A_1315 = arith.divsi %add3A_1313, %jit3A_1314 : i32
        %sign3A_1316 = arith.constant 0 : i32
        %sign3A_1317 = arith.cmpi sgt, %add3A_1313, %sign3A_1316 : i32
        %sign3A_1318 = arith.extui %sign3A_1317 : i1 to i32
        %sign3A_1319 = arith.constant 0 : i32
        %sign3A_1320 = arith.cmpi slt, %add3A_1313, %sign3A_1319 : i32
        %sign3A_1321 = arith.extui %sign3A_1320 : i1 to i32
        %sign3A_1322 = arith.subi %sign3A_1318, %sign3A_1321 : i32
        %sign3A_1323 = arith.constant 0 : i32
        %sign3A_1324 = arith.cmpi sgt, %jit3A_1314, %sign3A_1323 : i32
        %sign3A_1325 = arith.extui %sign3A_1324 : i1 to i32
        %sign3A_1326 = arith.constant 0 : i32
        %sign3A_1327 = arith.cmpi slt, %jit3A_1314, %sign3A_1326 : i32
        %sign3A_1328 = arith.extui %sign3A_1327 : i1 to i32
        %sign3A_1329 = arith.subi %sign3A_1325, %sign3A_1328 : i32
        %ne3A_1330 = arith.cmpi ne, %sign3A_1322, %sign3A_1329 : i32
        %rem3A_1331 = arith.remsi %add3A_1313, %jit3A_1314 : i32
        %ne3A_1332 = arith.constant 0 : i32
        %ne3A_1333 = arith.cmpi ne, %rem3A_1331, %ne3A_1332 : i32
        %and3A_1334 = arith.andi %ne3A_1330, %ne3A_1333 : i1
        %sub3A_1335 = arith.constant 1 : i32
        %sub3A_1336 = arith.subi %div3A_1315, %sub3A_1335 : i32
        %select_n3A_1337 = arith.select %and3A_1334, %sub3A_1336, %div3A_1315 : i32
        %add3A_1338 = arith.constant 0 : i32
        %add3A_1339 = arith.addi %select_n3A_1337, %add3A_1338 : i32
        %add3A_1340 = vector.broadcast %add3A_1339 : i32 to vector<16xi32>
        %add3A_1341 = arith.addi %add3A_1340, %iota3A : vector<16xi32>
        %swap3A_1342 = arith.constant 0 : i32
        %swap3A_1343 = arith.constant 0 : i32
        %swap3A_1344 = arith.index_cast %swap3A_1342 : i32 to index
        %swap3A_1345 = arith.index_cast %swap3A_1343 : i32 to index
        %swap3A_1346 = arith.constant 0 : index
        %swap3A_1347 = tpu.vector_load %arg18[%swap3A_1344, %swap3A_1345, %swap3A_1346] {strides = array<i32>} : memref<2x1x32xi32, #tpu.memory_space<vmem>>, vector<16xi32>,
        tpu.vector_store %arg18[%swap3A_1344, %swap3A_1345, %swap3A_1346], %add3A_1341 {strides = array<i32>} : memref<2x1x32xi32, #tpu.memory_space<vmem>>, vector<16xi32>,
        %add3A_1348 = arith.constant 16 : i32
        %add3A_1349 = arith.addi %select_n3A_1337, %add3A_1348 : i32
        %add3A_1350 = vector.broadcast %add3A_1349 : i32 to vector<16xi32>
        %add3A_1351 = arith.addi %add3A_1350, %iota3A : vector<16xi32>
        %swap3A_1352 = arith.constant 0 : i32
        %swap3A_1353 = arith.constant 0 : i32
        %swap3A_1354 = arith.index_cast %swap3A_1352 : i32 to index
        %swap3A_1355 = arith.index_cast %swap3A_1353 : i32 to index
        %swap3A_1356 = arith.constant 16 : index
        %swap3A_1357 = tpu.vector_load %arg18[%swap3A_1354, %swap3A_1355, %swap3A_1356] {strides = array<i32>} : memref<2x1x32xi32, #tpu.memory_space<vmem>>, vector<16xi32>,
        tpu.vector_store %arg18[%swap3A_1354, %swap3A_1355, %swap3A_1356], %add3A_1351 {strides = array<i32>} : memref<2x1x32xi32, #tpu.memory_space<vmem>>, vector<16xi32>,
        %dma_start3A_1358 = arith.constant 0 : i32
        %dma_start3A_1359 = arith.constant 0 : i32
        %dma_start3A_1360 = arith.constant 0 : i32
        %dma_start3A_1361 = tpu.memref_slice %arg18[%dma_start3A_1358, %dma_start3A_1359, %dma_start3A_1360] : memref<2x1x32xi32, #tpu.memory_space<vmem>> -> memref<1x1x32xi32, #tpu.memory_space<vmem>>
        %dma_start3A_1362 = tpu.memref_squeeze %dma_start3A_1361 : memref<1x1x32xi32, #tpu.memory_space<vmem>> -> memref<32xi32, #tpu.memory_space<vmem>>
        %dma_start3A_1363 = arith.constant 0 : i32
        %dma_start3A_1364 = arith.constant 0 : i32
        %dma_start3A_1365 = tpu.memref_slice %arg2[%dma_start3A_1363, %dma_start3A_1364] : memref<65536x128xi32, #tpu.memory_space<hbm>> -> memref<65536x128xi32, #tpu.memory_space<hbm>>
        tpu.enqueue_indirect_dma source(%dma_start3A_1365 : memref<65536x128xi32, #tpu.memory_space<hbm>>) target(%arg7 : memref<32x128xi32, #tpu.memory_space<vmem>>) offsets(%dma_start3A_1362 : memref<32xi32, #tpu.memory_space<vmem>>) semaphore(%arg20 : memref<!tpu.dma_semaphore, #tpu.memory_space<semaphore_mem>>)
        %dma_start3A_1366 = arith.constant 0 : i32
        %dma_start3A_1367 = arith.constant 0 : i32
        %dma_start3A_1368 = arith.constant 0 : i32
        %dma_start3A_1369 = tpu.memref_slice %arg18[%dma_start3A_1366, %dma_start3A_1367, %dma_start3A_1368] : memref<2x1x32xi32, #tpu.memory_space<vmem>> -> memref<1x1x32xi32, #tpu.memory_space<vmem>>
        %dma_start3A_1370 = tpu.memref_squeeze %dma_start3A_1369 : memref<1x1x32xi32, #tpu.memory_space<vmem>> -> memref<32xi32, #tpu.memory_space<vmem>>
        %dma_start3A_1371 = arith.constant 0 : i32
        %dma_start3A_1372 = arith.constant 0 : i32
        %dma_start3A_1373 = tpu.memref_slice %arg3[%dma_start3A_1371, %dma_start3A_1372] : memref<65536x128xi32, #tpu.memory_space<hbm>> -> memref<65536x128xi32, #tpu.memory_space<hbm>>
        tpu.enqueue_indirect_dma source(%dma_start3A_1373 : memref<65536x128xi32, #tpu.memory_space<hbm>>) target(%arg9 : memref<32x128xi32, #tpu.memory_space<vmem>>) offsets(%dma_start3A_1370 : memref<32xi32, #tpu.memory_space<vmem>>) semaphore(%arg20 : memref<!tpu.dma_semaphore, #tpu.memory_space<semaphore_mem>>)
      } else {
      }
      %ge3A = arith.constant 2 : i32
      %ge3A_772 = arith.cmpi sge, %mul3A_749, %ge3A : i32
      %convert_element_type3A_773 = arith.extui %ge3A_772 : i1 to i32
      %cond3A_774 = arith.constant 0 : i32
      %cond3A_775 = arith.cmpi ne, %convert_element_type3A_773, %cond3A_774 : i32
      scf.if %cond3A_775 {
        %dma_wait3A_1307 = arith.constant 0 : i32
        %dma_wait3A_1308 = arith.constant 0 : i32
        %dma_wait3A_1309 = arith.constant 0 : i32
        %dma_wait3A_1310 = arith.constant 0 : i32
        %dma_wait3A_1311 = tpu.memref_slice %arg16[%dma_wait3A_1309, %dma_wait3A_1310] : memref<256x128xf32, #tpu.memory_space<vmem>> -> memref<128x128xf32, #tpu.memory_space<vmem>>
        %dma_wait3A_1312 = arith.constant 0 : i32
        %dma_wait3A_1313 = tpu.memref_slice %arg19[%dma_wait3A_1307, %dma_wait3A_1308, %dma_wait3A_1312] : memref<2x2x128xi32, #tpu.memory_space<vmem>> -> memref<1x1x128xi32, #tpu.memory_space<vmem>>
        %dma_wait3A_1314 = tpu.memref_squeeze %dma_wait3A_1313 : memref<1x1x128xi32, #tpu.memory_space<vmem>> -> memref<128xi32, #tpu.memory_space<vmem>>
        %dma_wait3A_1315 = arith.constant 0 : i32
        %dma_wait3A_1316 = arith.constant 0 : i32
        %dma_wait3A_1317 = tpu.memref_slice %arg6[%dma_wait3A_1315, %dma_wait3A_1316] : memref<524288x128xf32, #tpu.memory_space<hbm>> -> memref<524288x128xf32, #tpu.memory_space<hbm>>
        tpu.wait_indirect_dma semaphore(%arg22 : memref<!tpu.dma_semaphore, #tpu.memory_space<semaphore_mem>>) src(%dma_wait3A_1311 : memref<128x128xf32, #tpu.memory_space<vmem>>) dst(%dma_wait3A_1317 : memref<524288x128xf32, #tpu.memory_space<hbm>>)
        %dma_wait3A_1318 = arith.constant 0 : i32
        %dma_wait3A_1319 = arith.constant 1 : i32
        %dma_wait3A_1320 = arith.constant 128 : i32
        %dma_wait3A_1321 = arith.constant 0 : i32
        %dma_wait3A_1322 = tpu.memref_slice %arg16[%dma_wait3A_1320, %dma_wait3A_1321] : memref<256x128xf32, #tpu.memory_space<vmem>> -> memref<128x128xf32, #tpu.memory_space<vmem>>
        %dma_wait3A_1323 = arith.constant 0 : i32
        %dma_wait3A_1324 = tpu.memref_slice %arg19[%dma_wait3A_1318, %dma_wait3A_1319, %dma_wait3A_1323] : memref<2x2x128xi32, #tpu.memory_space<vmem>> -> memref<1x1x128xi32, #tpu.memory_space<vmem>>
        %dma_wait3A_1325 = tpu.memref_squeeze %dma_wait3A_1324 : memref<1x1x128xi32, #tpu.memory_space<vmem>> -> memref<128xi32, #tpu.memory_space<vmem>>
        %dma_wait3A_1326 = arith.constant 0 : i32
        %dma_wait3A_1327 = arith.constant 0 : i32
        %dma_wait3A_1328 = tpu.memref_slice %arg6[%dma_wait3A_1326, %dma_wait3A_1327] : memref<524288x128xf32, #tpu.memory_space<hbm>> -> memref<524288x128xf32, #tpu.memory_space<hbm>>
        tpu.wait_indirect_dma semaphore(%arg22 : memref<!tpu.dma_semaphore, #tpu.memory_space<semaphore_mem>>) src(%dma_wait3A_1322 : memref<128x128xf32, #tpu.memory_space<vmem>>) dst(%dma_wait3A_1328 : memref<524288x128xf32, #tpu.memory_space<hbm>>)
      } else {
      }
      %parallel_loop3A_776 = arith.constant 0 : i32
      %parallel_loop3A_777 = arith.constant 256 : i32
      %parallel_loop3A_778 = arith.constant 1 : i32
      scf.for %parallel_loop3A_1307 = %parallel_loop3A_776 to %parallel_loop3A_777 step %parallel_loop3A_778  : i32 {
        %parallel_loop3A_1308 = arith.constant 16 : i32
        %parallel_loop3A_1309 = arith.muli %parallel_loop3A_1308, %parallel_loop3A_1307 : i32
        %parallel_loop3A_1310 = arith.index_cast %parallel_loop3A_1309 : i32 to index
        %parallel_loop3A_1311 = tpu.vector_load %arg15[%parallel_loop3A_1310] {strides = array<i32>} : memref<4096xi32, #tpu.memory_space<vmem>>, vector<16xi32>,
        %parallel_loop3A_1312 = arith.constant 3 : i32
        %parallel_loop3A_1313 = arith.shrsi %parallel_loop3A_1307, %parallel_loop3A_1312 : i32
        %parallel_loop3A_1314 = arith.constant 8 : i32
        %parallel_loop3A_1315 = arith.muli %parallel_loop3A_1313, %parallel_loop3A_1314 : i32
        %parallel_loop3A_1316 = arith.constant 7 : i32
        %parallel_loop3A_1317 = arith.andi %parallel_loop3A_1307, %parallel_loop3A_1316 : i32
        %parallel_loop3A_1318 = arith.constant 16 : i32
        %parallel_loop3A_1319 = arith.muli %parallel_loop3A_1317, %parallel_loop3A_1318 : i32
        %parallel_loop3A_1320 = arith.constant 0 : i32
        %parallel_loop3A_1321 = vector.broadcast %parallel_loop3A_1320 : i32 to vector<16xi32>
        %parallel_loop3A_1322 = arith.addi %parallel_loop3A_1311, %parallel_loop3A_1321 : vector<16xi32>
        %parallel_loop3A_1323 = arith.addi %parallel_loop3A_1322, %iota3A : vector<16xi32>
        %parallel_loop3A_1324 = tpu.vector_load_idx %arg14[%parallel_loop3A_1323] : memref<4480xf32, #tpu.memory_space<vmem>>[vector<16xi32>], vector<16xf32>,
        %parallel_loop3A_1325 = arith.constant 0 : i32
        %parallel_loop3A_1326 = arith.addi %parallel_loop3A_1315, %parallel_loop3A_1325 : i32
        %parallel_loop3A_1327 = arith.index_cast %parallel_loop3A_1326 : i32 to index
        %parallel_loop3A_1328 = arith.index_cast %parallel_loop3A_1319 : i32 to index
        %parallel_loop3A_1329 = tpu.vector_load %arg16[%parallel_loop3A_1327, %parallel_loop3A_1328] {strides = array<i32>} : memref<256x128xf32, #tpu.memory_space<vmem>>, vector<16xf32>,
        tpu.vector_store %arg16[%parallel_loop3A_1327, %parallel_loop3A_1328], %parallel_loop3A_1324 {strides = array<i32>} : memref<256x128xf32, #tpu.memory_space<vmem>>, vector<16xf32>,
        %parallel_loop3A_1330 = arith.constant 16 : i32
        %parallel_loop3A_1331 = vector.broadcast %parallel_loop3A_1330 : i32 to vector<16xi32>
        %parallel_loop3A_1332 = arith.addi %parallel_loop3A_1311, %parallel_loop3A_1331 : vector<16xi32>
        %parallel_loop3A_1333 = arith.addi %parallel_loop3A_1332, %iota3A : vector<16xi32>
        %parallel_loop3A_1334 = tpu.vector_load_idx %arg14[%parallel_loop3A_1333] : memref<4480xf32, #tpu.memory_space<vmem>>[vector<16xi32>], vector<16xf32>,
        %parallel_loop3A_1335 = arith.constant 1 : i32
        %parallel_loop3A_1336 = arith.addi %parallel_loop3A_1315, %parallel_loop3A_1335 : i32
        %parallel_loop3A_1337 = arith.index_cast %parallel_loop3A_1336 : i32 to index
        %parallel_loop3A_1338 = arith.index_cast %parallel_loop3A_1319 : i32 to index
        %parallel_loop3A_1339 = tpu.vector_load %arg16[%parallel_loop3A_1337, %parallel_loop3A_1338] {strides = array<i32>} : memref<256x128xf32, #tpu.memory_space<vmem>>, vector<16xf32>,
        tpu.vector_store %arg16[%parallel_loop3A_1337, %parallel_loop3A_1338], %parallel_loop3A_1334 {strides = array<i32>} : memref<256x128xf32, #tpu.memory_space<vmem>>, vector<16xf32>,
        %parallel_loop3A_1340 = arith.constant 32 : i32
        %parallel_loop3A_1341 = vector.broadcast %parallel_loop3A_1340 : i32 to vector<16xi32>
        %parallel_loop3A_1342 = arith.addi %parallel_loop3A_1311, %parallel_loop3A_1341 : vector<16xi32>
        %parallel_loop3A_1343 = arith.addi %parallel_loop3A_1342, %iota3A : vector<16xi32>
        %parallel_loop3A_1344 = tpu.vector_load_idx %arg14[%parallel_loop3A_1343] : memref<4480xf32, #tpu.memory_space<vmem>>[vector<16xi32>], vector<16xf32>,
        %parallel_loop3A_1345 = arith.constant 2 : i32
        %parallel_loop3A_1346 = arith.addi %parallel_loop3A_1315, %parallel_loop3A_1345 : i32
        %parallel_loop3A_1347 = arith.index_cast %parallel_loop3A_1346 : i32 to index
        %parallel_loop3A_1348 = arith.index_cast %parallel_loop3A_1319 : i32 to index
        %parallel_loop3A_1349 = tpu.vector_load %arg16[%parallel_loop3A_1347, %parallel_loop3A_1348] {strides = array<i32>} : memref<256x128xf32, #tpu.memory_space<vmem>>, vector<16xf32>,
        tpu.vector_store %arg16[%parallel_loop3A_1347, %parallel_loop3A_1348], %parallel_loop3A_1344 {strides = array<i32>} : memref<256x128xf32, #tpu.memory_space<vmem>>, vector<16xf32>,
        %parallel_loop3A_1350 = arith.constant 48 : i32
        %parallel_loop3A_1351 = vector.broadcast %parallel_loop3A_1350 : i32 to vector<16xi32>
        %parallel_loop3A_1352 = arith.addi %parallel_loop3A_1311, %parallel_loop3A_1351 : vector<16xi32>
        %parallel_loop3A_1353 = arith.addi %parallel_loop3A_1352, %iota3A : vector<16xi32>
        %parallel_loop3A_1354 = tpu.vector_load_idx %arg14[%parallel_loop3A_1353] : memref<4480xf32, #tpu.memory_space<vmem>>[vector<16xi32>], vector<16xf32>,
        %parallel_loop3A_1355 = arith.constant 3 : i32
        %parallel_loop3A_1356 = arith.addi %parallel_loop3A_1315, %parallel_loop3A_1355 : i32
        %parallel_loop3A_1357 = arith.index_cast %parallel_loop3A_1356 : i32 to index
        %parallel_loop3A_1358 = arith.index_cast %parallel_loop3A_1319 : i32 to index
        %parallel_loop3A_1359 = tpu.vector_load %arg16[%parallel_loop3A_1357, %parallel_loop3A_1358] {strides = array<i32>} : memref<256x128xf32, #tpu.memory_space<vmem>>, vector<16xf32>,
        tpu.vector_store %arg16[%parallel_loop3A_1357, %parallel_loop3A_1358], %parallel_loop3A_1354 {strides = array<i32>} : memref<256x128xf32, #tpu.memory_space<vmem>>, vector<16xf32>,
        %parallel_loop3A_1360 = arith.constant 64 : i32
        %parallel_loop3A_1361 = vector.broadcast %parallel_loop3A_1360 : i32 to vector<16xi32>
        %parallel_loop3A_1362 = arith.addi %parallel_loop3A_1311, %parallel_loop3A_1361 : vector<16xi32>
        %parallel_loop3A_1363 = arith.addi %parallel_loop3A_1362, %iota3A : vector<16xi32>
        %parallel_loop3A_1364 = tpu.vector_load_idx %arg14[%parallel_loop3A_1363] : memref<4480xf32, #tpu.memory_space<vmem>>[vector<16xi32>], vector<16xf32>,
        %parallel_loop3A_1365 = arith.constant 4 : i32
        %parallel_loop3A_1366 = arith.addi %parallel_loop3A_1315, %parallel_loop3A_1365 : i32
        %parallel_loop3A_1367 = arith.index_cast %parallel_loop3A_1366 : i32 to index
        %parallel_loop3A_1368 = arith.index_cast %parallel_loop3A_1319 : i32 to index
        %parallel_loop3A_1369 = tpu.vector_load %arg16[%parallel_loop3A_1367, %parallel_loop3A_1368] {strides = array<i32>} : memref<256x128xf32, #tpu.memory_space<vmem>>, vector<16xf32>,
        tpu.vector_store %arg16[%parallel_loop3A_1367, %parallel_loop3A_1368], %parallel_loop3A_1364 {strides = array<i32>} : memref<256x128xf32, #tpu.memory_space<vmem>>, vector<16xf32>,
        %parallel_loop3A_1370 = arith.constant 80 : i32
        %parallel_loop3A_1371 = vector.broadcast %parallel_loop3A_1370 : i32 to vector<16xi32>
        %parallel_loop3A_1372 = arith.addi %parallel_loop3A_1311, %parallel_loop3A_1371 : vector<16xi32>
        %parallel_loop3A_1373 = arith.addi %parallel_loop3A_1372, %iota3A : vector<16xi32>
        %parallel_loop3A_1374 = tpu.vector_load_idx %arg14[%parallel_loop3A_1373] : memref<4480xf32, #tpu.memory_space<vmem>>[vector<16xi32>], vector<16xf32>,
        %parallel_loop3A_1375 = arith.constant 5 : i32
        %parallel_loop3A_1376 = arith.addi %parallel_loop3A_1315, %parallel_loop3A_1375 : i32
        %parallel_loop3A_1377 = arith.index_cast %parallel_loop3A_1376 : i32 to index
        %parallel_loop3A_1378 = arith.index_cast %parallel_loop3A_1319 : i32 to index
        %parallel_loop3A_1379 = tpu.vector_load %arg16[%parallel_loop3A_1377, %parallel_loop3A_1378] {strides = array<i32>} : memref<256x128xf32, #tpu.memory_space<vmem>>, vector<16xf32>,
        tpu.vector_store %arg16[%parallel_loop3A_1377, %parallel_loop3A_1378], %parallel_loop3A_1374 {strides = array<i32>} : memref<256x128xf32, #tpu.memory_space<vmem>>, vector<16xf32>,
        %parallel_loop3A_1380 = arith.constant 96 : i32
        %parallel_loop3A_1381 = vector.broadcast %parallel_loop3A_1380 : i32 to vector<16xi32>
        %parallel_loop3A_1382 = arith.addi %parallel_loop3A_1311, %parallel_loop3A_1381 : vector<16xi32>
        %parallel_loop3A_1383 = arith.addi %parallel_loop3A_1382, %iota3A : vector<16xi32>
        %parallel_loop3A_1384 = tpu.vector_load_idx %arg14[%parallel_loop3A_1383] : memref<4480xf32, #tpu.memory_space<vmem>>[vector<16xi32>], vector<16xf32>,
        %parallel_loop3A_1385 = arith.constant 6 : i32
        %parallel_loop3A_1386 = arith.addi %parallel_loop3A_1315, %parallel_loop3A_1385 : i32
        %parallel_loop3A_1387 = arith.index_cast %parallel_loop3A_1386 : i32 to index
        %parallel_loop3A_1388 = arith.index_cast %parallel_loop3A_1319 : i32 to index
        %parallel_loop3A_1389 = tpu.vector_load %arg16[%parallel_loop3A_1387, %parallel_loop3A_1388] {strides = array<i32>} : memref<256x128xf32, #tpu.memory_space<vmem>>, vector<16xf32>,
        tpu.vector_store %arg16[%parallel_loop3A_1387, %parallel_loop3A_1388], %parallel_loop3A_1384 {strides = array<i32>} : memref<256x128xf32, #tpu.memory_space<vmem>>, vector<16xf32>,
        %parallel_loop3A_1390 = arith.constant 112 : i32
        %parallel_loop3A_1391 = vector.broadcast %parallel_loop3A_1390 : i32 to vector<16xi32>
        %parallel_loop3A_1392 = arith.addi %parallel_loop3A_1311, %parallel_loop3A_1391 : vector<16xi32>
        %parallel_loop3A_1393 = arith.addi %parallel_loop3A_1392, %iota3A : vector<16xi32>
        %parallel_loop3A_1394 = tpu.vector_load_idx %arg14[%parallel_loop3A_1393] : memref<4480xf32, #tpu.memory_space<vmem>>[vector<16xi32>], vector<16xf32>,
        %parallel_loop3A_1395 = arith.constant 7 : i32
        %parallel_loop3A_1396 = arith.addi %parallel_loop3A_1315, %parallel_loop3A_1395 : i32
        %parallel_loop3A_1397 = arith.index_cast %parallel_loop3A_1396 : i32 to index
        %parallel_loop3A_1398 = arith.index_cast %parallel_loop3A_1319 : i32 to index
        %parallel_loop3A_1399 = tpu.vector_load %arg16[%parallel_loop3A_1397, %parallel_loop3A_1398] {strides = array<i32>} : memref<256x128xf32, #tpu.memory_space<vmem>>, vector<16xf32>,
        tpu.vector_store %arg16[%parallel_loop3A_1397, %parallel_loop3A_1398], %parallel_loop3A_1394 {strides = array<i32>} : memref<256x128xf32, #tpu.memory_space<vmem>>, vector<16xf32>,
      } {sc.loop_unroll_factor = 8 : i64, sc.parallel_access}
      %mul3A_779 = arith.constant 262144 : i32
      %mul3A_780 = arith.muli %add3A, %mul3A_779 : i32
      %mul3A_781 = arith.constant 4096 : i32
      %mul3A_782 = arith.muli %mul3A_749, %mul3A_781 : i32
      %add3A_783 = arith.addi %mul3A_780, %mul3A_782 : i32
      %mul3A_784 = arith.constant 8 : i32
      %mul3A_785 = arith.muli %add3A_783, %mul3A_784 : i32
      %jit3A_786 = arith.constant 128 : i32
      %div3A_787 = arith.divsi %mul3A_785, %jit3A_786 : i32
      %sign3A_788 = arith.constant 0 : i32
      %sign3A_789 = arith.cmpi sgt, %mul3A_785, %sign3A_788 : i32
      %sign3A_790 = arith.extui %sign3A_789 : i1 to i32
      %sign3A_791 = arith.constant 0 : i32
      %sign3A_792 = arith.cmpi slt, %mul3A_785, %sign3A_791 : i32
      %sign3A_793 = arith.extui %sign3A_792 : i1 to i32
      %sign3A_794 = arith.subi %sign3A_790, %sign3A_793 : i32
      %sign3A_795 = arith.constant 0 : i32
      %sign3A_796 = arith.cmpi sgt, %jit3A_786, %sign3A_795 : i32
      %sign3A_797 = arith.extui %sign3A_796 : i1 to i32
      %sign3A_798 = arith.constant 0 : i32
      %sign3A_799 = arith.cmpi slt, %jit3A_786, %sign3A_798 : i32
      %sign3A_800 = arith.extui %sign3A_799 : i1 to i32
      %sign3A_801 = arith.subi %sign3A_797, %sign3A_800 : i32
      %ne3A_802 = arith.cmpi ne, %sign3A_794, %sign3A_801 : i32
      %rem3A_803 = arith.remsi %mul3A_785, %jit3A_786 : i32
      %ne3A_804 = arith.constant 0 : i32
      %ne3A_805 = arith.cmpi ne, %rem3A_803, %ne3A_804 : i32
      %and3A_806 = arith.andi %ne3A_802, %ne3A_805 : i1
      %sub3A_807 = arith.constant 1 : i32
      %sub3A_808 = arith.subi %div3A_787, %sub3A_807 : i32
      %select_n3A_809 = arith.select %and3A_806, %sub3A_808, %div3A_787 : i32
      %add3A_810 = arith.constant 0 : i32
      %add3A_811 = arith.addi %select_n3A_809, %add3A_810 : i32
      %add3A_812 = arith.constant 0 : i32
      %add3A_813 = arith.addi %add3A_811, %add3A_812 : i32
      %add3A_814 = vector.broadcast %add3A_813 : i32 to vector<16xi32>
      %add3A_815 = arith.addi %add3A_814, %iota3A : vector<16xi32>
      %swap3A_816 = arith.constant 0 : i32
      %swap3A_817 = arith.constant 0 : i32
      %swap3A_818 = arith.index_cast %swap3A_816 : i32 to index
      %swap3A_819 = arith.index_cast %swap3A_817 : i32 to index
      %swap3A_820 = arith.constant 0 : index
      %swap3A_821 = tpu.vector_load %arg19[%swap3A_818, %swap3A_819, %swap3A_820] {strides = array<i32>} : memref<2x2x128xi32, #tpu.memory_space<vmem>>, vector<16xi32>,
      tpu.vector_store %arg19[%swap3A_818, %swap3A_819, %swap3A_820], %add3A_815 {strides = array<i32>} : memref<2x2x128xi32, #tpu.memory_space<vmem>>, vector<16xi32>,
      %add3A_822 = arith.constant 0 : i32
      %add3A_823 = arith.addi %select_n3A_809, %add3A_822 : i32
      %add3A_824 = arith.constant 16 : i32
      %add3A_825 = arith.addi %add3A_823, %add3A_824 : i32
      %add3A_826 = vector.broadcast %add3A_825 : i32 to vector<16xi32>
      %add3A_827 = arith.addi %add3A_826, %iota3A : vector<16xi32>
      %swap3A_828 = arith.constant 0 : i32
      %swap3A_829 = arith.constant 0 : i32
      %swap3A_830 = arith.index_cast %swap3A_828 : i32 to index
      %swap3A_831 = arith.index_cast %swap3A_829 : i32 to index
      %swap3A_832 = arith.constant 16 : index
      %swap3A_833 = tpu.vector_load %arg19[%swap3A_830, %swap3A_831, %swap3A_832] {strides = array<i32>} : memref<2x2x128xi32, #tpu.memory_space<vmem>>, vector<16xi32>,
      tpu.vector_store %arg19[%swap3A_830, %swap3A_831, %swap3A_832], %add3A_827 {strides = array<i32>} : memref<2x2x128xi32, #tpu.memory_space<vmem>>, vector<16xi32>,
      %add3A_834 = arith.constant 0 : i32
      %add3A_835 = arith.addi %select_n3A_809, %add3A_834 : i32
      %add3A_836 = arith.constant 32 : i32
      %add3A_837 = arith.addi %add3A_835, %add3A_836 : i32
      %add3A_838 = vector.broadcast %add3A_837 : i32 to vector<16xi32>
      %add3A_839 = arith.addi %add3A_838, %iota3A : vector<16xi32>
      %swap3A_840 = arith.constant 0 : i32
      %swap3A_841 = arith.constant 0 : i32
      %swap3A_842 = arith.index_cast %swap3A_840 : i32 to index
      %swap3A_843 = arith.index_cast %swap3A_841 : i32 to index
      %swap3A_844 = arith.constant 32 : index
      %swap3A_845 = tpu.vector_load %arg19[%swap3A_842, %swap3A_843, %swap3A_844] {strides = array<i32>} : memref<2x2x128xi32, #tpu.memory_space<vmem>>, vector<16xi32>,
      tpu.vector_store %arg19[%swap3A_842, %swap3A_843, %swap3A_844], %add3A_839 {strides = array<i32>} : memref<2x2x128xi32, #tpu.memory_space<vmem>>, vector<16xi32>,
      %add3A_846 = arith.constant 0 : i32
      %add3A_847 = arith.addi %select_n3A_809, %add3A_846 : i32
      %add3A_848 = arith.constant 48 : i32
      %add3A_849 = arith.addi %add3A_847, %add3A_848 : i32
      %add3A_850 = vector.broadcast %add3A_849 : i32 to vector<16xi32>
      %add3A_851 = arith.addi %add3A_850, %iota3A : vector<16xi32>
      %swap3A_852 = arith.constant 0 : i32
      %swap3A_853 = arith.constant 0 : i32
      %swap3A_854 = arith.index_cast %swap3A_852 : i32 to index
      %swap3A_855 = arith.index_cast %swap3A_853 : i32 to index
      %swap3A_856 = arith.constant 48 : index
      %swap3A_857 = tpu.vector_load %arg19[%swap3A_854, %swap3A_855, %swap3A_856] {strides = array<i32>} : memref<2x2x128xi32, #tpu.memory_space<vmem>>, vector<16xi32>,
      tpu.vector_store %arg19[%swap3A_854, %swap3A_855, %swap3A_856], %add3A_851 {strides = array<i32>} : memref<2x2x128xi32, #tpu.memory_space<vmem>>, vector<16xi32>,
      %add3A_858 = arith.constant 0 : i32
      %add3A_859 = arith.addi %select_n3A_809, %add3A_858 : i32
      %add3A_860 = arith.constant 64 : i32
      %add3A_861 = arith.addi %add3A_859, %add3A_860 : i32
      %add3A_862 = vector.broadcast %add3A_861 : i32 to vector<16xi32>
      %add3A_863 = arith.addi %add3A_862, %iota3A : vector<16xi32>
      %swap3A_864 = arith.constant 0 : i32
      %swap3A_865 = arith.constant 0 : i32
      %swap3A_866 = arith.index_cast %swap3A_864 : i32 to index
      %swap3A_867 = arith.index_cast %swap3A_865 : i32 to index
      %swap3A_868 = arith.constant 64 : index
      %swap3A_869 = tpu.vector_load %arg19[%swap3A_866, %swap3A_867, %swap3A_868] {strides = array<i32>} : memref<2x2x128xi32, #tpu.memory_space<vmem>>, vector<16xi32>,
      tpu.vector_store %arg19[%swap3A_866, %swap3A_867, %swap3A_868], %add3A_863 {strides = array<i32>} : memref<2x2x128xi32, #tpu.memory_space<vmem>>, vector<16xi32>,
      %add3A_870 = arith.constant 0 : i32
      %add3A_871 = arith.addi %select_n3A_809, %add3A_870 : i32
      %add3A_872 = arith.constant 80 : i32
      %add3A_873 = arith.addi %add3A_871, %add3A_872 : i32
      %add3A_874 = vector.broadcast %add3A_873 : i32 to vector<16xi32>
      %add3A_875 = arith.addi %add3A_874, %iota3A : vector<16xi32>
      %swap3A_876 = arith.constant 0 : i32
      %swap3A_877 = arith.constant 0 : i32
      %swap3A_878 = arith.index_cast %swap3A_876 : i32 to index
      %swap3A_879 = arith.index_cast %swap3A_877 : i32 to index
      %swap3A_880 = arith.constant 80 : index
      %swap3A_881 = tpu.vector_load %arg19[%swap3A_878, %swap3A_879, %swap3A_880] {strides = array<i32>} : memref<2x2x128xi32, #tpu.memory_space<vmem>>, vector<16xi32>,
      tpu.vector_store %arg19[%swap3A_878, %swap3A_879, %swap3A_880], %add3A_875 {strides = array<i32>} : memref<2x2x128xi32, #tpu.memory_space<vmem>>, vector<16xi32>,
      %add3A_882 = arith.constant 0 : i32
      %add3A_883 = arith.addi %select_n3A_809, %add3A_882 : i32
      %add3A_884 = arith.constant 96 : i32
      %add3A_885 = arith.addi %add3A_883, %add3A_884 : i32
      %add3A_886 = vector.broadcast %add3A_885 : i32 to vector<16xi32>
      %add3A_887 = arith.addi %add3A_886, %iota3A : vector<16xi32>
      %swap3A_888 = arith.constant 0 : i32
      %swap3A_889 = arith.constant 0 : i32
      %swap3A_890 = arith.index_cast %swap3A_888 : i32 to index
      %swap3A_891 = arith.index_cast %swap3A_889 : i32 to index
      %swap3A_892 = arith.constant 96 : index
      %swap3A_893 = tpu.vector_load %arg19[%swap3A_890, %swap3A_891, %swap3A_892] {strides = array<i32>} : memref<2x2x128xi32, #tpu.memory_space<vmem>>, vector<16xi32>,
      tpu.vector_store %arg19[%swap3A_890, %swap3A_891, %swap3A_892], %add3A_887 {strides = array<i32>} : memref<2x2x128xi32, #tpu.memory_space<vmem>>, vector<16xi32>,
      %add3A_894 = arith.constant 0 : i32
      %add3A_895 = arith.addi %select_n3A_809, %add3A_894 : i32
      %add3A_896 = arith.constant 112 : i32
      %add3A_897 = arith.addi %add3A_895, %add3A_896 : i32
      %add3A_898 = vector.broadcast %add3A_897 : i32 to vector<16xi32>
      %add3A_899 = arith.addi %add3A_898, %iota3A : vector<16xi32>
      %swap3A_900 = arith.constant 0 : i32
      %swap3A_901 = arith.constant 0 : i32
      %swap3A_902 = arith.index_cast %swap3A_900 : i32 to index
      %swap3A_903 = arith.index_cast %swap3A_901 : i32 to index
      %swap3A_904 = arith.constant 112 : index
      %swap3A_905 = tpu.vector_load %arg19[%swap3A_902, %swap3A_903, %swap3A_904] {strides = array<i32>} : memref<2x2x128xi32, #tpu.memory_space<vmem>>, vector<16xi32>,
      tpu.vector_store %arg19[%swap3A_902, %swap3A_903, %swap3A_904], %add3A_899 {strides = array<i32>} : memref<2x2x128xi32, #tpu.memory_space<vmem>>, vector<16xi32>,
      %add3A_906 = arith.constant 128 : i32
      %add3A_907 = arith.addi %select_n3A_809, %add3A_906 : i32
      %add3A_908 = arith.constant 0 : i32
      %add3A_909 = arith.addi %add3A_907, %add3A_908 : i32
      %add3A_910 = vector.broadcast %add3A_909 : i32 to vector<16xi32>
      %add3A_911 = arith.addi %add3A_910, %iota3A : vector<16xi32>
      %swap3A_912 = arith.constant 0 : i32
      %swap3A_913 = arith.constant 1 : i32
      %swap3A_914 = arith.index_cast %swap3A_912 : i32 to index
      %swap3A_915 = arith.index_cast %swap3A_913 : i32 to index
      %swap3A_916 = arith.constant 0 : index
      %swap3A_917 = tpu.vector_load %arg19[%swap3A_914, %swap3A_915, %swap3A_916] {strides = array<i32>} : memref<2x2x128xi32, #tpu.memory_space<vmem>>, vector<16xi32>,
      tpu.vector_store %arg19[%swap3A_914, %swap3A_915, %swap3A_916], %add3A_911 {strides = array<i32>} : memref<2x2x128xi32, #tpu.memory_space<vmem>>, vector<16xi32>,
      %add3A_918 = arith.constant 128 : i32
      %add3A_919 = arith.addi %select_n3A_809, %add3A_918 : i32
      %add3A_920 = arith.constant 16 : i32
      %add3A_921 = arith.addi %add3A_919, %add3A_920 : i32
      %add3A_922 = vector.broadcast %add3A_921 : i32 to vector<16xi32>
      %add3A_923 = arith.addi %add3A_922, %iota3A : vector<16xi32>
      %swap3A_924 = arith.constant 0 : i32
      %swap3A_925 = arith.constant 1 : i32
      %swap3A_926 = arith.index_cast %swap3A_924 : i32 to index
      %swap3A_927 = arith.index_cast %swap3A_925 : i32 to index
      %swap3A_928 = arith.constant 16 : index
      %swap3A_929 = tpu.vector_load %arg19[%swap3A_926, %swap3A_927, %swap3A_928] {strides = array<i32>} : memref<2x2x128xi32, #tpu.memory_space<vmem>>, vector<16xi32>,
      tpu.vector_store %arg19[%swap3A_926, %swap3A_927, %swap3A_928], %add3A_923 {strides = array<i32>} : memref<2x2x128xi32, #tpu.memory_space<vmem>>, vector<16xi32>,
      %add3A_930 = arith.constant 128 : i32
      %add3A_931 = arith.addi %select_n3A_809, %add3A_930 : i32
      %add3A_932 = arith.constant 32 : i32
      %add3A_933 = arith.addi %add3A_931, %add3A_932 : i32
      %add3A_934 = vector.broadcast %add3A_933 : i32 to vector<16xi32>
      %add3A_935 = arith.addi %add3A_934, %iota3A : vector<16xi32>
      %swap3A_936 = arith.constant 0 : i32
      %swap3A_937 = arith.constant 1 : i32
      %swap3A_938 = arith.index_cast %swap3A_936 : i32 to index
      %swap3A_939 = arith.index_cast %swap3A_937 : i32 to index
      %swap3A_940 = arith.constant 32 : index
      %swap3A_941 = tpu.vector_load %arg19[%swap3A_938, %swap3A_939, %swap3A_940] {strides = array<i32>} : memref<2x2x128xi32, #tpu.memory_space<vmem>>, vector<16xi32>,
      tpu.vector_store %arg19[%swap3A_938, %swap3A_939, %swap3A_940], %add3A_935 {strides = array<i32>} : memref<2x2x128xi32, #tpu.memory_space<vmem>>, vector<16xi32>,
      %add3A_942 = arith.constant 128 : i32
      %add3A_943 = arith.addi %select_n3A_809, %add3A_942 : i32
      %add3A_944 = arith.constant 48 : i32
      %add3A_945 = arith.addi %add3A_943, %add3A_944 : i32
      %add3A_946 = vector.broadcast %add3A_945 : i32 to vector<16xi32>
      %add3A_947 = arith.addi %add3A_946, %iota3A : vector<16xi32>
      %swap3A_948 = arith.constant 0 : i32
      %swap3A_949 = arith.constant 1 : i32
      %swap3A_950 = arith.index_cast %swap3A_948 : i32 to index
      %swap3A_951 = arith.index_cast %swap3A_949 : i32 to index
      %swap3A_952 = arith.constant 48 : index
      %swap3A_953 = tpu.vector_load %arg19[%swap3A_950, %swap3A_951, %swap3A_952] {strides = array<i32>} : memref<2x2x128xi32, #tpu.memory_space<vmem>>, vector<16xi32>,
      tpu.vector_store %arg19[%swap3A_950, %swap3A_951, %swap3A_952], %add3A_947 {strides = array<i32>} : memref<2x2x128xi32, #tpu.memory_space<vmem>>, vector<16xi32>,
      %add3A_954 = arith.constant 128 : i32
      %add3A_955 = arith.addi %select_n3A_809, %add3A_954 : i32
      %add3A_956 = arith.constant 64 : i32
      %add3A_957 = arith.addi %add3A_955, %add3A_956 : i32
      %add3A_958 = vector.broadcast %add3A_957 : i32 to vector<16xi32>
      %add3A_959 = arith.addi %add3A_958, %iota3A : vector<16xi32>
      %swap3A_960 = arith.constant 0 : i32
      %swap3A_961 = arith.constant 1 : i32
      %swap3A_962 = arith.index_cast %swap3A_960 : i32 to index
      %swap3A_963 = arith.index_cast %swap3A_961 : i32 to index
      %swap3A_964 = arith.constant 64 : index
      %swap3A_965 = tpu.vector_load %arg19[%swap3A_962, %swap3A_963, %swap3A_964] {strides = array<i32>} : memref<2x2x128xi32, #tpu.memory_space<vmem>>, vector<16xi32>,
      tpu.vector_store %arg19[%swap3A_962, %swap3A_963, %swap3A_964], %add3A_959 {strides = array<i32>} : memref<2x2x128xi32, #tpu.memory_space<vmem>>, vector<16xi32>,
      %add3A_966 = arith.constant 128 : i32
      %add3A_967 = arith.addi %select_n3A_809, %add3A_966 : i32
      %add3A_968 = arith.constant 80 : i32
      %add3A_969 = arith.addi %add3A_967, %add3A_968 : i32
      %add3A_970 = vector.broadcast %add3A_969 : i32 to vector<16xi32>
      %add3A_971 = arith.addi %add3A_970, %iota3A : vector<16xi32>
      %swap3A_972 = arith.constant 0 : i32
      %swap3A_973 = arith.constant 1 : i32
      %swap3A_974 = arith.index_cast %swap3A_972 : i32 to index
      %swap3A_975 = arith.index_cast %swap3A_973 : i32 to index
      %swap3A_976 = arith.constant 80 : index
      %swap3A_977 = tpu.vector_load %arg19[%swap3A_974, %swap3A_975, %swap3A_976] {strides = array<i32>} : memref<2x2x128xi32, #tpu.memory_space<vmem>>, vector<16xi32>,
      tpu.vector_store %arg19[%swap3A_974, %swap3A_975, %swap3A_976], %add3A_971 {strides = array<i32>} : memref<2x2x128xi32, #tpu.memory_space<vmem>>, vector<16xi32>,
      %add3A_978 = arith.constant 128 : i32
      %add3A_979 = arith.addi %select_n3A_809, %add3A_978 : i32
      %add3A_980 = arith.constant 96 : i32
      %add3A_981 = arith.addi %add3A_979, %add3A_980 : i32
      %add3A_982 = vector.broadcast %add3A_981 : i32 to vector<16xi32>
      %add3A_983 = arith.addi %add3A_982, %iota3A : vector<16xi32>
      %swap3A_984 = arith.constant 0 : i32
      %swap3A_985 = arith.constant 1 : i32
      %swap3A_986 = arith.index_cast %swap3A_984 : i32 to index
      %swap3A_987 = arith.index_cast %swap3A_985 : i32 to index
      %swap3A_988 = arith.constant 96 : index
      %swap3A_989 = tpu.vector_load %arg19[%swap3A_986, %swap3A_987, %swap3A_988] {strides = array<i32>} : memref<2x2x128xi32, #tpu.memory_space<vmem>>, vector<16xi32>,
      tpu.vector_store %arg19[%swap3A_986, %swap3A_987, %swap3A_988], %add3A_983 {strides = array<i32>} : memref<2x2x128xi32, #tpu.memory_space<vmem>>, vector<16xi32>,
      %add3A_990 = arith.constant 128 : i32
      %add3A_991 = arith.addi %select_n3A_809, %add3A_990 : i32
      %add3A_992 = arith.constant 112 : i32
      %add3A_993 = arith.addi %add3A_991, %add3A_992 : i32
      %add3A_994 = vector.broadcast %add3A_993 : i32 to vector<16xi32>
      %add3A_995 = arith.addi %add3A_994, %iota3A : vector<16xi32>
      %swap3A_996 = arith.constant 0 : i32
      %swap3A_997 = arith.constant 1 : i32
      %swap3A_998 = arith.index_cast %swap3A_996 : i32 to index
      %swap3A_999 = arith.index_cast %swap3A_997 : i32 to index
      %swap3A_1000 = arith.constant 112 : index
      %swap3A_1001 = tpu.vector_load %arg19[%swap3A_998, %swap3A_999, %swap3A_1000] {strides = array<i32>} : memref<2x2x128xi32, #tpu.memory_space<vmem>>, vector<16xi32>,
      tpu.vector_store %arg19[%swap3A_998, %swap3A_999, %swap3A_1000], %add3A_995 {strides = array<i32>} : memref<2x2x128xi32, #tpu.memory_space<vmem>>, vector<16xi32>,
      %dma_start3A_1002 = arith.constant 0 : i32
      %dma_start3A_1003 = arith.constant 0 : i32
      %dma_start3A_1004 = arith.constant 0 : i32
      %dma_start3A_1005 = arith.constant 0 : i32
      %dma_start3A_1006 = tpu.memref_slice %arg16[%dma_start3A_1004, %dma_start3A_1005] : memref<256x128xf32, #tpu.memory_space<vmem>> -> memref<128x128xf32, #tpu.memory_space<vmem>>
      %dma_start3A_1007 = arith.constant 0 : i32
      %dma_start3A_1008 = tpu.memref_slice %arg19[%dma_start3A_1002, %dma_start3A_1003, %dma_start3A_1007] : memref<2x2x128xi32, #tpu.memory_space<vmem>> -> memref<1x1x128xi32, #tpu.memory_space<vmem>>
      %dma_start3A_1009 = tpu.memref_squeeze %dma_start3A_1008 : memref<1x1x128xi32, #tpu.memory_space<vmem>> -> memref<128xi32, #tpu.memory_space<vmem>>
      %dma_start3A_1010 = arith.constant 0 : i32
      %dma_start3A_1011 = arith.constant 0 : i32
      %dma_start3A_1012 = tpu.memref_slice %arg6[%dma_start3A_1010, %dma_start3A_1011] : memref<524288x128xf32, #tpu.memory_space<hbm>> -> memref<524288x128xf32, #tpu.memory_space<hbm>>
      tpu.enqueue_indirect_dma source(%dma_start3A_1006 : memref<128x128xf32, #tpu.memory_space<vmem>>) target(%dma_start3A_1012 : memref<524288x128xf32, #tpu.memory_space<hbm>>) offsets(%dma_start3A_1009 : memref<128xi32, #tpu.memory_space<vmem>>) semaphore(%arg22 : memref<!tpu.dma_semaphore, #tpu.memory_space<semaphore_mem>>)
      %dma_start3A_1013 = arith.constant 0 : i32
      %dma_start3A_1014 = arith.constant 1 : i32
      %dma_start3A_1015 = arith.constant 128 : i32
      %dma_start3A_1016 = arith.constant 0 : i32
      %dma_start3A_1017 = tpu.memref_slice %arg16[%dma_start3A_1015, %dma_start3A_1016] : memref<256x128xf32, #tpu.memory_space<vmem>> -> memref<128x128xf32, #tpu.memory_space<vmem>>
      %dma_start3A_1018 = arith.constant 0 : i32
      %dma_start3A_1019 = tpu.memref_slice %arg19[%dma_start3A_1013, %dma_start3A_1014, %dma_start3A_1018] : memref<2x2x128xi32, #tpu.memory_space<vmem>> -> memref<1x1x128xi32, #tpu.memory_space<vmem>>
      %dma_start3A_1020 = tpu.memref_squeeze %dma_start3A_1019 : memref<1x1x128xi32, #tpu.memory_space<vmem>> -> memref<128xi32, #tpu.memory_space<vmem>>
      %dma_start3A_1021 = arith.constant 0 : i32
      %dma_start3A_1022 = arith.constant 0 : i32
      %dma_start3A_1023 = tpu.memref_slice %arg6[%dma_start3A_1021, %dma_start3A_1022] : memref<524288x128xf32, #tpu.memory_space<hbm>> -> memref<524288x128xf32, #tpu.memory_space<hbm>>
      tpu.enqueue_indirect_dma source(%dma_start3A_1017 : memref<128x128xf32, #tpu.memory_space<vmem>>) target(%dma_start3A_1023 : memref<524288x128xf32, #tpu.memory_space<hbm>>) offsets(%dma_start3A_1020 : memref<128xi32, #tpu.memory_space<vmem>>) semaphore(%arg22 : memref<!tpu.dma_semaphore, #tpu.memory_space<semaphore_mem>>)
      %mul3A_1024 = arith.constant 2 : i32
      %mul3A_1025 = arith.muli %mul3A_1024, %scan3A_747 : i32
      %add3A_1026 = arith.constant 1 : i32
      %add3A_1027 = arith.addi %mul3A_1025, %add3A_1026 : i32
      %dma_wait3A_1028 = arith.constant 1 : i32
      %dma_wait3A_1029 = arith.constant 0 : i32
      %dma_wait3A_1030 = arith.constant 0 : i32
      %dma_wait3A_1031 = tpu.memref_slice %arg18[%dma_wait3A_1028, %dma_wait3A_1029, %dma_wait3A_1030] : memref<2x1x32xi32, #tpu.memory_space<vmem>> -> memref<1x1x32xi32, #tpu.memory_space<vmem>>
      %dma_wait3A_1032 = tpu.memref_squeeze %dma_wait3A_1031 : memref<1x1x32xi32, #tpu.memory_space<vmem>> -> memref<32xi32, #tpu.memory_space<vmem>>
      %dma_wait3A_1033 = arith.constant 0 : i32
      %dma_wait3A_1034 = arith.constant 0 : i32
      %dma_wait3A_1035 = tpu.memref_slice %arg2[%dma_wait3A_1033, %dma_wait3A_1034] : memref<65536x128xi32, #tpu.memory_space<hbm>> -> memref<65536x128xi32, #tpu.memory_space<hbm>>
      tpu.wait_indirect_dma semaphore(%arg21 : memref<!tpu.dma_semaphore, #tpu.memory_space<semaphore_mem>>) src(%dma_wait3A_1035 : memref<65536x128xi32, #tpu.memory_space<hbm>>) dst(%arg8 : memref<32x128xi32, #tpu.memory_space<vmem>>)
      %dma_wait3A_1036 = arith.constant 1 : i32
      %dma_wait3A_1037 = arith.constant 0 : i32
      %dma_wait3A_1038 = arith.constant 0 : i32
      %dma_wait3A_1039 = tpu.memref_slice %arg18[%dma_wait3A_1036, %dma_wait3A_1037, %dma_wait3A_1038] : memref<2x1x32xi32, #tpu.memory_space<vmem>> -> memref<1x1x32xi32, #tpu.memory_space<vmem>>
      %dma_wait3A_1040 = tpu.memref_squeeze %dma_wait3A_1039 : memref<1x1x32xi32, #tpu.memory_space<vmem>> -> memref<32xi32, #tpu.memory_space<vmem>>
      %dma_wait3A_1041 = arith.constant 0 : i32
      %dma_wait3A_1042 = arith.constant 0 : i32
      %dma_wait3A_1043 = tpu.memref_slice %arg3[%dma_wait3A_1041, %dma_wait3A_1042] : memref<65536x128xi32, #tpu.memory_space<hbm>> -> memref<65536x128xi32, #tpu.memory_space<hbm>>
      tpu.wait_indirect_dma semaphore(%arg21 : memref<!tpu.dma_semaphore, #tpu.memory_space<semaphore_mem>>) src(%dma_wait3A_1043 : memref<65536x128xi32, #tpu.memory_space<hbm>>) dst(%arg10 : memref<32x128xi32, #tpu.memory_space<vmem>>)
      %parallel_loop3A_1044 = arith.constant 0 : i32
      %parallel_loop3A_1045 = arith.constant 256 : i32
      %parallel_loop3A_1046 = arith.constant 1 : i32
      scf.for %parallel_loop3A_1307 = %parallel_loop3A_1044 to %parallel_loop3A_1045 step %parallel_loop3A_1046  : i32 {
        %parallel_loop3A_1308 = arith.constant 3 : i32
        %parallel_loop3A_1309 = arith.shrsi %parallel_loop3A_1307, %parallel_loop3A_1308 : i32
        %parallel_loop3A_1310 = arith.constant 7 : i32
        %parallel_loop3A_1311 = arith.andi %parallel_loop3A_1307, %parallel_loop3A_1310 : i32
        %parallel_loop3A_1312 = arith.constant 16 : i32
        %parallel_loop3A_1313 = arith.muli %parallel_loop3A_1311, %parallel_loop3A_1312 : i32
        %parallel_loop3A_1314 = arith.index_cast %parallel_loop3A_1309 : i32 to index
        %parallel_loop3A_1315 = arith.index_cast %parallel_loop3A_1313 : i32 to index
        %parallel_loop3A_1316 = tpu.vector_load %arg8[%parallel_loop3A_1314, %parallel_loop3A_1315] {strides = array<i32>} : memref<32x128xi32, #tpu.memory_space<vmem>>, vector<16xi32>,
        %parallel_loop3A_1317 = arith.index_cast %parallel_loop3A_1309 : i32 to index
        %parallel_loop3A_1318 = arith.index_cast %parallel_loop3A_1313 : i32 to index
        %parallel_loop3A_1319 = tpu.vector_load %arg10[%parallel_loop3A_1317, %parallel_loop3A_1318] {strides = array<i32>} : memref<32x128xi32, #tpu.memory_space<vmem>>, vector<16xi32>,
        %parallel_loop3A_1320 = arith.constant 7 : i32
        %parallel_loop3A_1321 = vector.broadcast %parallel_loop3A_1320 : i32 to vector<16xi32>
        %parallel_loop3A_1322 = arith.muli %parallel_loop3A_1316, %parallel_loop3A_1321 : vector<16xi32>
        %parallel_loop3A_1323 = arith.addi %parallel_loop3A_1322, %parallel_loop3A_1319 : vector<16xi32>
        %parallel_loop3A_1324 = arith.constant 128 : i32
        %parallel_loop3A_1325 = vector.broadcast %parallel_loop3A_1324 : i32 to vector<16xi32>
        %parallel_loop3A_1326 = arith.muli %parallel_loop3A_1323, %parallel_loop3A_1325 : vector<16xi32>
        %parallel_loop3A_1327 = arith.constant 16 : i32
        %parallel_loop3A_1328 = arith.muli %parallel_loop3A_1327, %parallel_loop3A_1307 : i32
        %parallel_loop3A_1329 = arith.index_cast %parallel_loop3A_1328 : i32 to index
        %parallel_loop3A_1330 = tpu.vector_load %arg15[%parallel_loop3A_1329] {strides = array<i32>} : memref<4096xi32, #tpu.memory_space<vmem>>, vector<16xi32>,
        tpu.vector_store %arg15[%parallel_loop3A_1329], %parallel_loop3A_1326 {strides = array<i32>} : memref<4096xi32, #tpu.memory_space<vmem>>, vector<16xi32>,
      } {sc.loop_unroll_factor = 8 : i64, sc.parallel_access}
      %add3A_1047 = arith.constant 2 : i32
      %add3A_1048 = arith.addi %add3A_1027, %add3A_1047 : i32
      %lt3A_1049 = arith.constant 64 : i32
      %lt3A_1050 = arith.cmpi slt, %add3A_1048, %lt3A_1049 : i32
      %convert_element_type3A_1051 = arith.extui %lt3A_1050 : i1 to i32
      %cond3A_1052 = arith.constant 0 : i32
      %cond3A_1053 = arith.cmpi ne, %convert_element_type3A_1051, %cond3A_1052 : i32
      scf.if %cond3A_1053 {
        %add3A_1307 = arith.constant 2 : i32
        %add3A_1308 = arith.addi %add3A_1027, %add3A_1307 : i32
        %mul3A_1309 = arith.constant 262144 : i32
        %mul3A_1310 = arith.muli %add3A, %mul3A_1309 : i32
        %mul3A_1311 = arith.constant 4096 : i32
        %mul3A_1312 = arith.muli %add3A_1308, %mul3A_1311 : i32
        %add3A_1313 = arith.addi %mul3A_1310, %mul3A_1312 : i32
        %jit3A_1314 = arith.constant 128 : i32
        %div3A_1315 = arith.divsi %add3A_1313, %jit3A_1314 : i32
        %sign3A_1316 = arith.constant 0 : i32
        %sign3A_1317 = arith.cmpi sgt, %add3A_1313, %sign3A_1316 : i32
        %sign3A_1318 = arith.extui %sign3A_1317 : i1 to i32
        %sign3A_1319 = arith.constant 0 : i32
        %sign3A_1320 = arith.cmpi slt, %add3A_1313, %sign3A_1319 : i32
        %sign3A_1321 = arith.extui %sign3A_1320 : i1 to i32
        %sign3A_1322 = arith.subi %sign3A_1318, %sign3A_1321 : i32
        %sign3A_1323 = arith.constant 0 : i32
        %sign3A_1324 = arith.cmpi sgt, %jit3A_1314, %sign3A_1323 : i32
        %sign3A_1325 = arith.extui %sign3A_1324 : i1 to i32
        %sign3A_1326 = arith.constant 0 : i32
        %sign3A_1327 = arith.cmpi slt, %jit3A_1314, %sign3A_1326 : i32
        %sign3A_1328 = arith.extui %sign3A_1327 : i1 to i32
        %sign3A_1329 = arith.subi %sign3A_1325, %sign3A_1328 : i32
        %ne3A_1330 = arith.cmpi ne, %sign3A_1322, %sign3A_1329 : i32
        %rem3A_1331 = arith.remsi %add3A_1313, %jit3A_1314 : i32
        %ne3A_1332 = arith.constant 0 : i32
        %ne3A_1333 = arith.cmpi ne, %rem3A_1331, %ne3A_1332 : i32
        %and3A_1334 = arith.andi %ne3A_1330, %ne3A_1333 : i1
        %sub3A_1335 = arith.constant 1 : i32
        %sub3A_1336 = arith.subi %div3A_1315, %sub3A_1335 : i32
        %select_n3A_1337 = arith.select %and3A_1334, %sub3A_1336, %div3A_1315 : i32
        %add3A_1338 = arith.constant 0 : i32
        %add3A_1339 = arith.addi %select_n3A_1337, %add3A_1338 : i32
        %add3A_1340 = vector.broadcast %add3A_1339 : i32 to vector<16xi32>
        %add3A_1341 = arith.addi %add3A_1340, %iota3A : vector<16xi32>
        %swap3A_1342 = arith.constant 1 : i32
        %swap3A_1343 = arith.constant 0 : i32
        %swap3A_1344 = arith.index_cast %swap3A_1342 : i32 to index
        %swap3A_1345 = arith.index_cast %swap3A_1343 : i32 to index
        %swap3A_1346 = arith.constant 0 : index
        %swap3A_1347 = tpu.vector_load %arg18[%swap3A_1344, %swap3A_1345, %swap3A_1346] {strides = array<i32>} : memref<2x1x32xi32, #tpu.memory_space<vmem>>, vector<16xi32>,
        tpu.vector_store %arg18[%swap3A_1344, %swap3A_1345, %swap3A_1346], %add3A_1341 {strides = array<i32>} : memref<2x1x32xi32, #tpu.memory_space<vmem>>, vector<16xi32>,
        %add3A_1348 = arith.constant 16 : i32
        %add3A_1349 = arith.addi %select_n3A_1337, %add3A_1348 : i32
        %add3A_1350 = vector.broadcast %add3A_1349 : i32 to vector<16xi32>
        %add3A_1351 = arith.addi %add3A_1350, %iota3A : vector<16xi32>
        %swap3A_1352 = arith.constant 1 : i32
        %swap3A_1353 = arith.constant 0 : i32
        %swap3A_1354 = arith.index_cast %swap3A_1352 : i32 to index
        %swap3A_1355 = arith.index_cast %swap3A_1353 : i32 to index
        %swap3A_1356 = arith.constant 16 : index
        %swap3A_1357 = tpu.vector_load %arg18[%swap3A_1354, %swap3A_1355, %swap3A_1356] {strides = array<i32>} : memref<2x1x32xi32, #tpu.memory_space<vmem>>, vector<16xi32>,
        tpu.vector_store %arg18[%swap3A_1354, %swap3A_1355, %swap3A_1356], %add3A_1351 {strides = array<i32>} : memref<2x1x32xi32, #tpu.memory_space<vmem>>, vector<16xi32>,
        %dma_start3A_1358 = arith.constant 1 : i32
        %dma_start3A_1359 = arith.constant 0 : i32
        %dma_start3A_1360 = arith.constant 0 : i32
        %dma_start3A_1361 = tpu.memref_slice %arg18[%dma_start3A_1358, %dma_start3A_1359, %dma_start3A_1360] : memref<2x1x32xi32, #tpu.memory_space<vmem>> -> memref<1x1x32xi32, #tpu.memory_space<vmem>>
        %dma_start3A_1362 = tpu.memref_squeeze %dma_start3A_1361 : memref<1x1x32xi32, #tpu.memory_space<vmem>> -> memref<32xi32, #tpu.memory_space<vmem>>
        %dma_start3A_1363 = arith.constant 0 : i32
        %dma_start3A_1364 = arith.constant 0 : i32
        %dma_start3A_1365 = tpu.memref_slice %arg2[%dma_start3A_1363, %dma_start3A_1364] : memref<65536x128xi32, #tpu.memory_space<hbm>> -> memref<65536x128xi32, #tpu.memory_space<hbm>>
        tpu.enqueue_indirect_dma source(%dma_start3A_1365 : memref<65536x128xi32, #tpu.memory_space<hbm>>) target(%arg8 : memref<32x128xi32, #tpu.memory_space<vmem>>) offsets(%dma_start3A_1362 : memref<32xi32, #tpu.memory_space<vmem>>) semaphore(%arg21 : memref<!tpu.dma_semaphore, #tpu.memory_space<semaphore_mem>>)
        %dma_start3A_1366 = arith.constant 1 : i32
        %dma_start3A_1367 = arith.constant 0 : i32
        %dma_start3A_1368 = arith.constant 0 : i32
        %dma_start3A_1369 = tpu.memref_slice %arg18[%dma_start3A_1366, %dma_start3A_1367, %dma_start3A_1368] : memref<2x1x32xi32, #tpu.memory_space<vmem>> -> memref<1x1x32xi32, #tpu.memory_space<vmem>>
        %dma_start3A_1370 = tpu.memref_squeeze %dma_start3A_1369 : memref<1x1x32xi32, #tpu.memory_space<vmem>> -> memref<32xi32, #tpu.memory_space<vmem>>
        %dma_start3A_1371 = arith.constant 0 : i32
        %dma_start3A_1372 = arith.constant 0 : i32
        %dma_start3A_1373 = tpu.memref_slice %arg3[%dma_start3A_1371, %dma_start3A_1372] : memref<65536x128xi32, #tpu.memory_space<hbm>> -> memref<65536x128xi32, #tpu.memory_space<hbm>>
        tpu.enqueue_indirect_dma source(%dma_start3A_1373 : memref<65536x128xi32, #tpu.memory_space<hbm>>) target(%arg10 : memref<32x128xi32, #tpu.memory_space<vmem>>) offsets(%dma_start3A_1370 : memref<32xi32, #tpu.memory_space<vmem>>) semaphore(%arg21 : memref<!tpu.dma_semaphore, #tpu.memory_space<semaphore_mem>>)
      } else {
      }
      %ge3A_1054 = arith.constant 2 : i32
      %ge3A_1055 = arith.cmpi sge, %add3A_1027, %ge3A_1054 : i32
      %convert_element_type3A_1056 = arith.extui %ge3A_1055 : i1 to i32
      %cond3A_1057 = arith.constant 0 : i32
      %cond3A_1058 = arith.cmpi ne, %convert_element_type3A_1056, %cond3A_1057 : i32
      scf.if %cond3A_1058 {
        %dma_wait3A_1307 = arith.constant 1 : i32
        %dma_wait3A_1308 = arith.constant 0 : i32
        %dma_wait3A_1309 = arith.constant 0 : i32
        %dma_wait3A_1310 = arith.constant 0 : i32
        %dma_wait3A_1311 = tpu.memref_slice %arg17[%dma_wait3A_1309, %dma_wait3A_1310] : memref<256x128xf32, #tpu.memory_space<vmem>> -> memref<128x128xf32, #tpu.memory_space<vmem>>
        %dma_wait3A_1312 = arith.constant 0 : i32
        %dma_wait3A_1313 = tpu.memref_slice %arg19[%dma_wait3A_1307, %dma_wait3A_1308, %dma_wait3A_1312] : memref<2x2x128xi32, #tpu.memory_space<vmem>> -> memref<1x1x128xi32, #tpu.memory_space<vmem>>
        %dma_wait3A_1314 = tpu.memref_squeeze %dma_wait3A_1313 : memref<1x1x128xi32, #tpu.memory_space<vmem>> -> memref<128xi32, #tpu.memory_space<vmem>>
        %dma_wait3A_1315 = arith.constant 0 : i32
        %dma_wait3A_1316 = arith.constant 0 : i32
        %dma_wait3A_1317 = tpu.memref_slice %arg6[%dma_wait3A_1315, %dma_wait3A_1316] : memref<524288x128xf32, #tpu.memory_space<hbm>> -> memref<524288x128xf32, #tpu.memory_space<hbm>>
        tpu.wait_indirect_dma semaphore(%arg23 : memref<!tpu.dma_semaphore, #tpu.memory_space<semaphore_mem>>) src(%dma_wait3A_1311 : memref<128x128xf32, #tpu.memory_space<vmem>>) dst(%dma_wait3A_1317 : memref<524288x128xf32, #tpu.memory_space<hbm>>)
        %dma_wait3A_1318 = arith.constant 1 : i32
        %dma_wait3A_1319 = arith.constant 1 : i32
        %dma_wait3A_1320 = arith.constant 128 : i32
        %dma_wait3A_1321 = arith.constant 0 : i32
        %dma_wait3A_1322 = tpu.memref_slice %arg17[%dma_wait3A_1320, %dma_wait3A_1321] : memref<256x128xf32, #tpu.memory_space<vmem>> -> memref<128x128xf32, #tpu.memory_space<vmem>>
        %dma_wait3A_1323 = arith.constant 0 : i32
        %dma_wait3A_1324 = tpu.memref_slice %arg19[%dma_wait3A_1318, %dma_wait3A_1319, %dma_wait3A_1323] : memref<2x2x128xi32, #tpu.memory_space<vmem>> -> memref<1x1x128xi32, #tpu.memory_space<vmem>>
        %dma_wait3A_1325 = tpu.memref_squeeze %dma_wait3A_1324 : memref<1x1x128xi32, #tpu.memory_space<vmem>> -> memref<128xi32, #tpu.memory_space<vmem>>
        %dma_wait3A_1326 = arith.constant 0 : i32
        %dma_wait3A_1327 = arith.constant 0 : i32
        %dma_wait3A_1328 = tpu.memref_slice %arg6[%dma_wait3A_1326, %dma_wait3A_1327] : memref<524288x128xf32, #tpu.memory_space<hbm>> -> memref<524288x128xf32, #tpu.memory_space<hbm>>
        tpu.wait_indirect_dma semaphore(%arg23 : memref<!tpu.dma_semaphore, #tpu.memory_space<semaphore_mem>>) src(%dma_wait3A_1322 : memref<128x128xf32, #tpu.memory_space<vmem>>) dst(%dma_wait3A_1328 : memref<524288x128xf32, #tpu.memory_space<hbm>>)
      } else {
      }
      %parallel_loop3A_1059 = arith.constant 0 : i32
      %parallel_loop3A_1060 = arith.constant 256 : i32
      %parallel_loop3A_1061 = arith.constant 1 : i32
      scf.for %parallel_loop3A_1307 = %parallel_loop3A_1059 to %parallel_loop3A_1060 step %parallel_loop3A_1061  : i32 {
        %parallel_loop3A_1308 = arith.constant 16 : i32
        %parallel_loop3A_1309 = arith.muli %parallel_loop3A_1308, %parallel_loop3A_1307 : i32
        %parallel_loop3A_1310 = arith.index_cast %parallel_loop3A_1309 : i32 to index
        %parallel_loop3A_1311 = tpu.vector_load %arg15[%parallel_loop3A_1310] {strides = array<i32>} : memref<4096xi32, #tpu.memory_space<vmem>>, vector<16xi32>,
        %parallel_loop3A_1312 = arith.constant 3 : i32
        %parallel_loop3A_1313 = arith.shrsi %parallel_loop3A_1307, %parallel_loop3A_1312 : i32
        %parallel_loop3A_1314 = arith.constant 8 : i32
        %parallel_loop3A_1315 = arith.muli %parallel_loop3A_1313, %parallel_loop3A_1314 : i32
        %parallel_loop3A_1316 = arith.constant 7 : i32
        %parallel_loop3A_1317 = arith.andi %parallel_loop3A_1307, %parallel_loop3A_1316 : i32
        %parallel_loop3A_1318 = arith.constant 16 : i32
        %parallel_loop3A_1319 = arith.muli %parallel_loop3A_1317, %parallel_loop3A_1318 : i32
        %parallel_loop3A_1320 = arith.constant 0 : i32
        %parallel_loop3A_1321 = vector.broadcast %parallel_loop3A_1320 : i32 to vector<16xi32>
        %parallel_loop3A_1322 = arith.addi %parallel_loop3A_1311, %parallel_loop3A_1321 : vector<16xi32>
        %parallel_loop3A_1323 = arith.addi %parallel_loop3A_1322, %iota3A : vector<16xi32>
        %parallel_loop3A_1324 = tpu.vector_load_idx %arg14[%parallel_loop3A_1323] : memref<4480xf32, #tpu.memory_space<vmem>>[vector<16xi32>], vector<16xf32>,
        %parallel_loop3A_1325 = arith.constant 0 : i32
        %parallel_loop3A_1326 = arith.addi %parallel_loop3A_1315, %parallel_loop3A_1325 : i32
        %parallel_loop3A_1327 = arith.index_cast %parallel_loop3A_1326 : i32 to index
        %parallel_loop3A_1328 = arith.index_cast %parallel_loop3A_1319 : i32 to index
        %parallel_loop3A_1329 = tpu.vector_load %arg17[%parallel_loop3A_1327, %parallel_loop3A_1328] {strides = array<i32>} : memref<256x128xf32, #tpu.memory_space<vmem>>, vector<16xf32>,
        tpu.vector_store %arg17[%parallel_loop3A_1327, %parallel_loop3A_1328], %parallel_loop3A_1324 {strides = array<i32>} : memref<256x128xf32, #tpu.memory_space<vmem>>, vector<16xf32>,
        %parallel_loop3A_1330 = arith.constant 16 : i32
        %parallel_loop3A_1331 = vector.broadcast %parallel_loop3A_1330 : i32 to vector<16xi32>
        %parallel_loop3A_1332 = arith.addi %parallel_loop3A_1311, %parallel_loop3A_1331 : vector<16xi32>
        %parallel_loop3A_1333 = arith.addi %parallel_loop3A_1332, %iota3A : vector<16xi32>
        %parallel_loop3A_1334 = tpu.vector_load_idx %arg14[%parallel_loop3A_1333] : memref<4480xf32, #tpu.memory_space<vmem>>[vector<16xi32>], vector<16xf32>,
        %parallel_loop3A_1335 = arith.constant 1 : i32
        %parallel_loop3A_1336 = arith.addi %parallel_loop3A_1315, %parallel_loop3A_1335 : i32
        %parallel_loop3A_1337 = arith.index_cast %parallel_loop3A_1336 : i32 to index
        %parallel_loop3A_1338 = arith.index_cast %parallel_loop3A_1319 : i32 to index
        %parallel_loop3A_1339 = tpu.vector_load %arg17[%parallel_loop3A_1337, %parallel_loop3A_1338] {strides = array<i32>} : memref<256x128xf32, #tpu.memory_space<vmem>>, vector<16xf32>,
        tpu.vector_store %arg17[%parallel_loop3A_1337, %parallel_loop3A_1338], %parallel_loop3A_1334 {strides = array<i32>} : memref<256x128xf32, #tpu.memory_space<vmem>>, vector<16xf32>,
        %parallel_loop3A_1340 = arith.constant 32 : i32
        %parallel_loop3A_1341 = vector.broadcast %parallel_loop3A_1340 : i32 to vector<16xi32>
        %parallel_loop3A_1342 = arith.addi %parallel_loop3A_1311, %parallel_loop3A_1341 : vector<16xi32>
        %parallel_loop3A_1343 = arith.addi %parallel_loop3A_1342, %iota3A : vector<16xi32>
        %parallel_loop3A_1344 = tpu.vector_load_idx %arg14[%parallel_loop3A_1343] : memref<4480xf32, #tpu.memory_space<vmem>>[vector<16xi32>], vector<16xf32>,
        %parallel_loop3A_1345 = arith.constant 2 : i32
        %parallel_loop3A_1346 = arith.addi %parallel_loop3A_1315, %parallel_loop3A_1345 : i32
        %parallel_loop3A_1347 = arith.index_cast %parallel_loop3A_1346 : i32 to index
        %parallel_loop3A_1348 = arith.index_cast %parallel_loop3A_1319 : i32 to index
        %parallel_loop3A_1349 = tpu.vector_load %arg17[%parallel_loop3A_1347, %parallel_loop3A_1348] {strides = array<i32>} : memref<256x128xf32, #tpu.memory_space<vmem>>, vector<16xf32>,
        tpu.vector_store %arg17[%parallel_loop3A_1347, %parallel_loop3A_1348], %parallel_loop3A_1344 {strides = array<i32>} : memref<256x128xf32, #tpu.memory_space<vmem>>, vector<16xf32>,
        %parallel_loop3A_1350 = arith.constant 48 : i32
        %parallel_loop3A_1351 = vector.broadcast %parallel_loop3A_1350 : i32 to vector<16xi32>
        %parallel_loop3A_1352 = arith.addi %parallel_loop3A_1311, %parallel_loop3A_1351 : vector<16xi32>
        %parallel_loop3A_1353 = arith.addi %parallel_loop3A_1352, %iota3A : vector<16xi32>
        %parallel_loop3A_1354 = tpu.vector_load_idx %arg14[%parallel_loop3A_1353] : memref<4480xf32, #tpu.memory_space<vmem>>[vector<16xi32>], vector<16xf32>,
        %parallel_loop3A_1355 = arith.constant 3 : i32
        %parallel_loop3A_1356 = arith.addi %parallel_loop3A_1315, %parallel_loop3A_1355 : i32
        %parallel_loop3A_1357 = arith.index_cast %parallel_loop3A_1356 : i32 to index
        %parallel_loop3A_1358 = arith.index_cast %parallel_loop3A_1319 : i32 to index
        %parallel_loop3A_1359 = tpu.vector_load %arg17[%parallel_loop3A_1357, %parallel_loop3A_1358] {strides = array<i32>} : memref<256x128xf32, #tpu.memory_space<vmem>>, vector<16xf32>,
        tpu.vector_store %arg17[%parallel_loop3A_1357, %parallel_loop3A_1358], %parallel_loop3A_1354 {strides = array<i32>} : memref<256x128xf32, #tpu.memory_space<vmem>>, vector<16xf32>,
        %parallel_loop3A_1360 = arith.constant 64 : i32
        %parallel_loop3A_1361 = vector.broadcast %parallel_loop3A_1360 : i32 to vector<16xi32>
        %parallel_loop3A_1362 = arith.addi %parallel_loop3A_1311, %parallel_loop3A_1361 : vector<16xi32>
        %parallel_loop3A_1363 = arith.addi %parallel_loop3A_1362, %iota3A : vector<16xi32>
        %parallel_loop3A_1364 = tpu.vector_load_idx %arg14[%parallel_loop3A_1363] : memref<4480xf32, #tpu.memory_space<vmem>>[vector<16xi32>], vector<16xf32>,
        %parallel_loop3A_1365 = arith.constant 4 : i32
        %parallel_loop3A_1366 = arith.addi %parallel_loop3A_1315, %parallel_loop3A_1365 : i32
        %parallel_loop3A_1367 = arith.index_cast %parallel_loop3A_1366 : i32 to index
        %parallel_loop3A_1368 = arith.index_cast %parallel_loop3A_1319 : i32 to index
        %parallel_loop3A_1369 = tpu.vector_load %arg17[%parallel_loop3A_1367, %parallel_loop3A_1368] {strides = array<i32>} : memref<256x128xf32, #tpu.memory_space<vmem>>, vector<16xf32>,
        tpu.vector_store %arg17[%parallel_loop3A_1367, %parallel_loop3A_1368], %parallel_loop3A_1364 {strides = array<i32>} : memref<256x128xf32, #tpu.memory_space<vmem>>, vector<16xf32>,
        %parallel_loop3A_1370 = arith.constant 80 : i32
        %parallel_loop3A_1371 = vector.broadcast %parallel_loop3A_1370 : i32 to vector<16xi32>
        %parallel_loop3A_1372 = arith.addi %parallel_loop3A_1311, %parallel_loop3A_1371 : vector<16xi32>
        %parallel_loop3A_1373 = arith.addi %parallel_loop3A_1372, %iota3A : vector<16xi32>
        %parallel_loop3A_1374 = tpu.vector_load_idx %arg14[%parallel_loop3A_1373] : memref<4480xf32, #tpu.memory_space<vmem>>[vector<16xi32>], vector<16xf32>,
        %parallel_loop3A_1375 = arith.constant 5 : i32
        %parallel_loop3A_1376 = arith.addi %parallel_loop3A_1315, %parallel_loop3A_1375 : i32
        %parallel_loop3A_1377 = arith.index_cast %parallel_loop3A_1376 : i32 to index
        %parallel_loop3A_1378 = arith.index_cast %parallel_loop3A_1319 : i32 to index
        %parallel_loop3A_1379 = tpu.vector_load %arg17[%parallel_loop3A_1377, %parallel_loop3A_1378] {strides = array<i32>} : memref<256x128xf32, #tpu.memory_space<vmem>>, vector<16xf32>,
        tpu.vector_store %arg17[%parallel_loop3A_1377, %parallel_loop3A_1378], %parallel_loop3A_1374 {strides = array<i32>} : memref<256x128xf32, #tpu.memory_space<vmem>>, vector<16xf32>,
        %parallel_loop3A_1380 = arith.constant 96 : i32
        %parallel_loop3A_1381 = vector.broadcast %parallel_loop3A_1380 : i32 to vector<16xi32>
        %parallel_loop3A_1382 = arith.addi %parallel_loop3A_1311, %parallel_loop3A_1381 : vector<16xi32>
        %parallel_loop3A_1383 = arith.addi %parallel_loop3A_1382, %iota3A : vector<16xi32>
        %parallel_loop3A_1384 = tpu.vector_load_idx %arg14[%parallel_loop3A_1383] : memref<4480xf32, #tpu.memory_space<vmem>>[vector<16xi32>], vector<16xf32>,
        %parallel_loop3A_1385 = arith.constant 6 : i32
        %parallel_loop3A_1386 = arith.addi %parallel_loop3A_1315, %parallel_loop3A_1385 : i32
        %parallel_loop3A_1387 = arith.index_cast %parallel_loop3A_1386 : i32 to index
        %parallel_loop3A_1388 = arith.index_cast %parallel_loop3A_1319 : i32 to index
        %parallel_loop3A_1389 = tpu.vector_load %arg17[%parallel_loop3A_1387, %parallel_loop3A_1388] {strides = array<i32>} : memref<256x128xf32, #tpu.memory_space<vmem>>, vector<16xf32>,
        tpu.vector_store %arg17[%parallel_loop3A_1387, %parallel_loop3A_1388], %parallel_loop3A_1384 {strides = array<i32>} : memref<256x128xf32, #tpu.memory_space<vmem>>, vector<16xf32>,
        %parallel_loop3A_1390 = arith.constant 112 : i32
        %parallel_loop3A_1391 = vector.broadcast %parallel_loop3A_1390 : i32 to vector<16xi32>
        %parallel_loop3A_1392 = arith.addi %parallel_loop3A_1311, %parallel_loop3A_1391 : vector<16xi32>
        %parallel_loop3A_1393 = arith.addi %parallel_loop3A_1392, %iota3A : vector<16xi32>
        %parallel_loop3A_1394 = tpu.vector_load_idx %arg14[%parallel_loop3A_1393] : memref<4480xf32, #tpu.memory_space<vmem>>[vector<16xi32>], vector<16xf32>,
        %parallel_loop3A_1395 = arith.constant 7 : i32
        %parallel_loop3A_1396 = arith.addi %parallel_loop3A_1315, %parallel_loop3A_1395 : i32
        %parallel_loop3A_1397 = arith.index_cast %parallel_loop3A_1396 : i32 to index
        %parallel_loop3A_1398 = arith.index_cast %parallel_loop3A_1319 : i32 to index
        %parallel_loop3A_1399 = tpu.vector_load %arg17[%parallel_loop3A_1397, %parallel_loop3A_1398] {strides = array<i32>} : memref<256x128xf32, #tpu.memory_space<vmem>>, vector<16xf32>,
        tpu.vector_store %arg17[%parallel_loop3A_1397, %parallel_loop3A_1398], %parallel_loop3A_1394 {strides = array<i32>} : memref<256x128xf32, #tpu.memory_space<vmem>>, vector<16xf32>,
      } {sc.loop_unroll_factor = 8 : i64, sc.parallel_access}
      %mul3A_1062 = arith.constant 262144 : i32
      %mul3A_1063 = arith.muli %add3A, %mul3A_1062 : i32
      %mul3A_1064 = arith.constant 4096 : i32
      %mul3A_1065 = arith.muli %add3A_1027, %mul3A_1064 : i32
      %add3A_1066 = arith.addi %mul3A_1063, %mul3A_1065 : i32
      %mul3A_1067 = arith.constant 8 : i32
      %mul3A_1068 = arith.muli %add3A_1066, %mul3A_1067 : i32
      %jit3A_1069 = arith.constant 128 : i32
      %div3A_1070 = arith.divsi %mul3A_1068, %jit3A_1069 : i32
      %sign3A_1071 = arith.constant 0 : i32
      %sign3A_1072 = arith.cmpi sgt, %mul3A_1068, %sign3A_1071 : i32
      %sign3A_1073 = arith.extui %sign3A_1072 : i1 to i32
      %sign3A_1074 = arith.constant 0 : i32
      %sign3A_1075 = arith.cmpi slt, %mul3A_1068, %sign3A_1074 : i32
      %sign3A_1076 = arith.extui %sign3A_1075 : i1 to i32
      %sign3A_1077 = arith.subi %sign3A_1073, %sign3A_1076 : i32
      %sign3A_1078 = arith.constant 0 : i32
      %sign3A_1079 = arith.cmpi sgt, %jit3A_1069, %sign3A_1078 : i32
      %sign3A_1080 = arith.extui %sign3A_1079 : i1 to i32
      %sign3A_1081 = arith.constant 0 : i32
      %sign3A_1082 = arith.cmpi slt, %jit3A_1069, %sign3A_1081 : i32
      %sign3A_1083 = arith.extui %sign3A_1082 : i1 to i32
      %sign3A_1084 = arith.subi %sign3A_1080, %sign3A_1083 : i32
      %ne3A_1085 = arith.cmpi ne, %sign3A_1077, %sign3A_1084 : i32
      %rem3A_1086 = arith.remsi %mul3A_1068, %jit3A_1069 : i32
      %ne3A_1087 = arith.constant 0 : i32
      %ne3A_1088 = arith.cmpi ne, %rem3A_1086, %ne3A_1087 : i32
      %and3A_1089 = arith.andi %ne3A_1085, %ne3A_1088 : i1
      %sub3A_1090 = arith.constant 1 : i32
      %sub3A_1091 = arith.subi %div3A_1070, %sub3A_1090 : i32
      %select_n3A_1092 = arith.select %and3A_1089, %sub3A_1091, %div3A_1070 : i32
      %add3A_1093 = arith.constant 0 : i32
      %add3A_1094 = arith.addi %select_n3A_1092, %add3A_1093 : i32
      %add3A_1095 = arith.constant 0 : i32
      %add3A_1096 = arith.addi %add3A_1094, %add3A_1095 : i32
      %add3A_1097 = vector.broadcast %add3A_1096 : i32 to vector<16xi32>
      %add3A_1098 = arith.addi %add3A_1097, %iota3A : vector<16xi32>
      %swap3A_1099 = arith.constant 1 : i32
      %swap3A_1100 = arith.constant 0 : i32
      %swap3A_1101 = arith.index_cast %swap3A_1099 : i32 to index
      %swap3A_1102 = arith.index_cast %swap3A_1100 : i32 to index
      %swap3A_1103 = arith.constant 0 : index
      %swap3A_1104 = tpu.vector_load %arg19[%swap3A_1101, %swap3A_1102, %swap3A_1103] {strides = array<i32>} : memref<2x2x128xi32, #tpu.memory_space<vmem>>, vector<16xi32>,
      tpu.vector_store %arg19[%swap3A_1101, %swap3A_1102, %swap3A_1103], %add3A_1098 {strides = array<i32>} : memref<2x2x128xi32, #tpu.memory_space<vmem>>, vector<16xi32>,
      %add3A_1105 = arith.constant 0 : i32
      %add3A_1106 = arith.addi %select_n3A_1092, %add3A_1105 : i32
      %add3A_1107 = arith.constant 16 : i32
      %add3A_1108 = arith.addi %add3A_1106, %add3A_1107 : i32
      %add3A_1109 = vector.broadcast %add3A_1108 : i32 to vector<16xi32>
      %add3A_1110 = arith.addi %add3A_1109, %iota3A : vector<16xi32>
      %swap3A_1111 = arith.constant 1 : i32
      %swap3A_1112 = arith.constant 0 : i32
      %swap3A_1113 = arith.index_cast %swap3A_1111 : i32 to index
      %swap3A_1114 = arith.index_cast %swap3A_1112 : i32 to index
      %swap3A_1115 = arith.constant 16 : index
      %swap3A_1116 = tpu.vector_load %arg19[%swap3A_1113, %swap3A_1114, %swap3A_1115] {strides = array<i32>} : memref<2x2x128xi32, #tpu.memory_space<vmem>>, vector<16xi32>,
      tpu.vector_store %arg19[%swap3A_1113, %swap3A_1114, %swap3A_1115], %add3A_1110 {strides = array<i32>} : memref<2x2x128xi32, #tpu.memory_space<vmem>>, vector<16xi32>,
      %add3A_1117 = arith.constant 0 : i32
      %add3A_1118 = arith.addi %select_n3A_1092, %add3A_1117 : i32
      %add3A_1119 = arith.constant 32 : i32
      %add3A_1120 = arith.addi %add3A_1118, %add3A_1119 : i32
      %add3A_1121 = vector.broadcast %add3A_1120 : i32 to vector<16xi32>
      %add3A_1122 = arith.addi %add3A_1121, %iota3A : vector<16xi32>
      %swap3A_1123 = arith.constant 1 : i32
      %swap3A_1124 = arith.constant 0 : i32
      %swap3A_1125 = arith.index_cast %swap3A_1123 : i32 to index
      %swap3A_1126 = arith.index_cast %swap3A_1124 : i32 to index
      %swap3A_1127 = arith.constant 32 : index
      %swap3A_1128 = tpu.vector_load %arg19[%swap3A_1125, %swap3A_1126, %swap3A_1127] {strides = array<i32>} : memref<2x2x128xi32, #tpu.memory_space<vmem>>, vector<16xi32>,
      tpu.vector_store %arg19[%swap3A_1125, %swap3A_1126, %swap3A_1127], %add3A_1122 {strides = array<i32>} : memref<2x2x128xi32, #tpu.memory_space<vmem>>, vector<16xi32>,
      %add3A_1129 = arith.constant 0 : i32
      %add3A_1130 = arith.addi %select_n3A_1092, %add3A_1129 : i32
      %add3A_1131 = arith.constant 48 : i32
      %add3A_1132 = arith.addi %add3A_1130, %add3A_1131 : i32
      %add3A_1133 = vector.broadcast %add3A_1132 : i32 to vector<16xi32>
      %add3A_1134 = arith.addi %add3A_1133, %iota3A : vector<16xi32>
      %swap3A_1135 = arith.constant 1 : i32
      %swap3A_1136 = arith.constant 0 : i32
      %swap3A_1137 = arith.index_cast %swap3A_1135 : i32 to index
      %swap3A_1138 = arith.index_cast %swap3A_1136 : i32 to index
      %swap3A_1139 = arith.constant 48 : index
      %swap3A_1140 = tpu.vector_load %arg19[%swap3A_1137, %swap3A_1138, %swap3A_1139] {strides = array<i32>} : memref<2x2x128xi32, #tpu.memory_space<vmem>>, vector<16xi32>,
      tpu.vector_store %arg19[%swap3A_1137, %swap3A_1138, %swap3A_1139], %add3A_1134 {strides = array<i32>} : memref<2x2x128xi32, #tpu.memory_space<vmem>>, vector<16xi32>,
      %add3A_1141 = arith.constant 0 : i32
      %add3A_1142 = arith.addi %select_n3A_1092, %add3A_1141 : i32
      %add3A_1143 = arith.constant 64 : i32
      %add3A_1144 = arith.addi %add3A_1142, %add3A_1143 : i32
      %add3A_1145 = vector.broadcast %add3A_1144 : i32 to vector<16xi32>
      %add3A_1146 = arith.addi %add3A_1145, %iota3A : vector<16xi32>
      %swap3A_1147 = arith.constant 1 : i32
      %swap3A_1148 = arith.constant 0 : i32
      %swap3A_1149 = arith.index_cast %swap3A_1147 : i32 to index
      %swap3A_1150 = arith.index_cast %swap3A_1148 : i32 to index
      %swap3A_1151 = arith.constant 64 : index
      %swap3A_1152 = tpu.vector_load %arg19[%swap3A_1149, %swap3A_1150, %swap3A_1151] {strides = array<i32>} : memref<2x2x128xi32, #tpu.memory_space<vmem>>, vector<16xi32>,
      tpu.vector_store %arg19[%swap3A_1149, %swap3A_1150, %swap3A_1151], %add3A_1146 {strides = array<i32>} : memref<2x2x128xi32, #tpu.memory_space<vmem>>, vector<16xi32>,
      %add3A_1153 = arith.constant 0 : i32
      %add3A_1154 = arith.addi %select_n3A_1092, %add3A_1153 : i32
      %add3A_1155 = arith.constant 80 : i32
      %add3A_1156 = arith.addi %add3A_1154, %add3A_1155 : i32
      %add3A_1157 = vector.broadcast %add3A_1156 : i32 to vector<16xi32>
      %add3A_1158 = arith.addi %add3A_1157, %iota3A : vector<16xi32>
      %swap3A_1159 = arith.constant 1 : i32
      %swap3A_1160 = arith.constant 0 : i32
      %swap3A_1161 = arith.index_cast %swap3A_1159 : i32 to index
      %swap3A_1162 = arith.index_cast %swap3A_1160 : i32 to index
      %swap3A_1163 = arith.constant 80 : index
      %swap3A_1164 = tpu.vector_load %arg19[%swap3A_1161, %swap3A_1162, %swap3A_1163] {strides = array<i32>} : memref<2x2x128xi32, #tpu.memory_space<vmem>>, vector<16xi32>,
      tpu.vector_store %arg19[%swap3A_1161, %swap3A_1162, %swap3A_1163], %add3A_1158 {strides = array<i32>} : memref<2x2x128xi32, #tpu.memory_space<vmem>>, vector<16xi32>,
      %add3A_1165 = arith.constant 0 : i32
      %add3A_1166 = arith.addi %select_n3A_1092, %add3A_1165 : i32
      %add3A_1167 = arith.constant 96 : i32
      %add3A_1168 = arith.addi %add3A_1166, %add3A_1167 : i32
      %add3A_1169 = vector.broadcast %add3A_1168 : i32 to vector<16xi32>
      %add3A_1170 = arith.addi %add3A_1169, %iota3A : vector<16xi32>
      %swap3A_1171 = arith.constant 1 : i32
      %swap3A_1172 = arith.constant 0 : i32
      %swap3A_1173 = arith.index_cast %swap3A_1171 : i32 to index
      %swap3A_1174 = arith.index_cast %swap3A_1172 : i32 to index
      %swap3A_1175 = arith.constant 96 : index
      %swap3A_1176 = tpu.vector_load %arg19[%swap3A_1173, %swap3A_1174, %swap3A_1175] {strides = array<i32>} : memref<2x2x128xi32, #tpu.memory_space<vmem>>, vector<16xi32>,
      tpu.vector_store %arg19[%swap3A_1173, %swap3A_1174, %swap3A_1175], %add3A_1170 {strides = array<i32>} : memref<2x2x128xi32, #tpu.memory_space<vmem>>, vector<16xi32>,
      %add3A_1177 = arith.constant 0 : i32
      %add3A_1178 = arith.addi %select_n3A_1092, %add3A_1177 : i32
      %add3A_1179 = arith.constant 112 : i32
      %add3A_1180 = arith.addi %add3A_1178, %add3A_1179 : i32
      %add3A_1181 = vector.broadcast %add3A_1180 : i32 to vector<16xi32>
      %add3A_1182 = arith.addi %add3A_1181, %iota3A : vector<16xi32>
      %swap3A_1183 = arith.constant 1 : i32
      %swap3A_1184 = arith.constant 0 : i32
      %swap3A_1185 = arith.index_cast %swap3A_1183 : i32 to index
      %swap3A_1186 = arith.index_cast %swap3A_1184 : i32 to index
      %swap3A_1187 = arith.constant 112 : index
      %swap3A_1188 = tpu.vector_load %arg19[%swap3A_1185, %swap3A_1186, %swap3A_1187] {strides = array<i32>} : memref<2x2x128xi32, #tpu.memory_space<vmem>>, vector<16xi32>,
      tpu.vector_store %arg19[%swap3A_1185, %swap3A_1186, %swap3A_1187], %add3A_1182 {strides = array<i32>} : memref<2x2x128xi32, #tpu.memory_space<vmem>>, vector<16xi32>,
      %add3A_1189 = arith.constant 128 : i32
      %add3A_1190 = arith.addi %select_n3A_1092, %add3A_1189 : i32
      %add3A_1191 = arith.constant 0 : i32
      %add3A_1192 = arith.addi %add3A_1190, %add3A_1191 : i32
      %add3A_1193 = vector.broadcast %add3A_1192 : i32 to vector<16xi32>
      %add3A_1194 = arith.addi %add3A_1193, %iota3A : vector<16xi32>
      %swap3A_1195 = arith.constant 1 : i32
      %swap3A_1196 = arith.constant 1 : i32
      %swap3A_1197 = arith.index_cast %swap3A_1195 : i32 to index
      %swap3A_1198 = arith.index_cast %swap3A_1196 : i32 to index
      %swap3A_1199 = arith.constant 0 : index
      %swap3A_1200 = tpu.vector_load %arg19[%swap3A_1197, %swap3A_1198, %swap3A_1199] {strides = array<i32>} : memref<2x2x128xi32, #tpu.memory_space<vmem>>, vector<16xi32>,
      tpu.vector_store %arg19[%swap3A_1197, %swap3A_1198, %swap3A_1199], %add3A_1194 {strides = array<i32>} : memref<2x2x128xi32, #tpu.memory_space<vmem>>, vector<16xi32>,
      %add3A_1201 = arith.constant 128 : i32
      %add3A_1202 = arith.addi %select_n3A_1092, %add3A_1201 : i32
      %add3A_1203 = arith.constant 16 : i32
      %add3A_1204 = arith.addi %add3A_1202, %add3A_1203 : i32
      %add3A_1205 = vector.broadcast %add3A_1204 : i32 to vector<16xi32>
      %add3A_1206 = arith.addi %add3A_1205, %iota3A : vector<16xi32>
      %swap3A_1207 = arith.constant 1 : i32
      %swap3A_1208 = arith.constant 1 : i32
      %swap3A_1209 = arith.index_cast %swap3A_1207 : i32 to index
      %swap3A_1210 = arith.index_cast %swap3A_1208 : i32 to index
      %swap3A_1211 = arith.constant 16 : index
      %swap3A_1212 = tpu.vector_load %arg19[%swap3A_1209, %swap3A_1210, %swap3A_1211] {strides = array<i32>} : memref<2x2x128xi32, #tpu.memory_space<vmem>>, vector<16xi32>,
      tpu.vector_store %arg19[%swap3A_1209, %swap3A_1210, %swap3A_1211], %add3A_1206 {strides = array<i32>} : memref<2x2x128xi32, #tpu.memory_space<vmem>>, vector<16xi32>,
      %add3A_1213 = arith.constant 128 : i32
      %add3A_1214 = arith.addi %select_n3A_1092, %add3A_1213 : i32
      %add3A_1215 = arith.constant 32 : i32
      %add3A_1216 = arith.addi %add3A_1214, %add3A_1215 : i32
      %add3A_1217 = vector.broadcast %add3A_1216 : i32 to vector<16xi32>
      %add3A_1218 = arith.addi %add3A_1217, %iota3A : vector<16xi32>
      %swap3A_1219 = arith.constant 1 : i32
      %swap3A_1220 = arith.constant 1 : i32
      %swap3A_1221 = arith.index_cast %swap3A_1219 : i32 to index
      %swap3A_1222 = arith.index_cast %swap3A_1220 : i32 to index
      %swap3A_1223 = arith.constant 32 : index
      %swap3A_1224 = tpu.vector_load %arg19[%swap3A_1221, %swap3A_1222, %swap3A_1223] {strides = array<i32>} : memref<2x2x128xi32, #tpu.memory_space<vmem>>, vector<16xi32>,
      tpu.vector_store %arg19[%swap3A_1221, %swap3A_1222, %swap3A_1223], %add3A_1218 {strides = array<i32>} : memref<2x2x128xi32, #tpu.memory_space<vmem>>, vector<16xi32>,
      %add3A_1225 = arith.constant 128 : i32
      %add3A_1226 = arith.addi %select_n3A_1092, %add3A_1225 : i32
      %add3A_1227 = arith.constant 48 : i32
      %add3A_1228 = arith.addi %add3A_1226, %add3A_1227 : i32
      %add3A_1229 = vector.broadcast %add3A_1228 : i32 to vector<16xi32>
      %add3A_1230 = arith.addi %add3A_1229, %iota3A : vector<16xi32>
      %swap3A_1231 = arith.constant 1 : i32
      %swap3A_1232 = arith.constant 1 : i32
      %swap3A_1233 = arith.index_cast %swap3A_1231 : i32 to index
      %swap3A_1234 = arith.index_cast %swap3A_1232 : i32 to index
      %swap3A_1235 = arith.constant 48 : index
      %swap3A_1236 = tpu.vector_load %arg19[%swap3A_1233, %swap3A_1234, %swap3A_1235] {strides = array<i32>} : memref<2x2x128xi32, #tpu.memory_space<vmem>>, vector<16xi32>,
      tpu.vector_store %arg19[%swap3A_1233, %swap3A_1234, %swap3A_1235], %add3A_1230 {strides = array<i32>} : memref<2x2x128xi32, #tpu.memory_space<vmem>>, vector<16xi32>,
      %add3A_1237 = arith.constant 128 : i32
      %add3A_1238 = arith.addi %select_n3A_1092, %add3A_1237 : i32
      %add3A_1239 = arith.constant 64 : i32
      %add3A_1240 = arith.addi %add3A_1238, %add3A_1239 : i32
      %add3A_1241 = vector.broadcast %add3A_1240 : i32 to vector<16xi32>
      %add3A_1242 = arith.addi %add3A_1241, %iota3A : vector<16xi32>
      %swap3A_1243 = arith.constant 1 : i32
      %swap3A_1244 = arith.constant 1 : i32
      %swap3A_1245 = arith.index_cast %swap3A_1243 : i32 to index
      %swap3A_1246 = arith.index_cast %swap3A_1244 : i32 to index
      %swap3A_1247 = arith.constant 64 : index
      %swap3A_1248 = tpu.vector_load %arg19[%swap3A_1245, %swap3A_1246, %swap3A_1247] {strides = array<i32>} : memref<2x2x128xi32, #tpu.memory_space<vmem>>, vector<16xi32>,
      tpu.vector_store %arg19[%swap3A_1245, %swap3A_1246, %swap3A_1247], %add3A_1242 {strides = array<i32>} : memref<2x2x128xi32, #tpu.memory_space<vmem>>, vector<16xi32>,
      %add3A_1249 = arith.constant 128 : i32
      %add3A_1250 = arith.addi %select_n3A_1092, %add3A_1249 : i32
      %add3A_1251 = arith.constant 80 : i32
      %add3A_1252 = arith.addi %add3A_1250, %add3A_1251 : i32
      %add3A_1253 = vector.broadcast %add3A_1252 : i32 to vector<16xi32>
      %add3A_1254 = arith.addi %add3A_1253, %iota3A : vector<16xi32>
      %swap3A_1255 = arith.constant 1 : i32
      %swap3A_1256 = arith.constant 1 : i32
      %swap3A_1257 = arith.index_cast %swap3A_1255 : i32 to index
      %swap3A_1258 = arith.index_cast %swap3A_1256 : i32 to index
      %swap3A_1259 = arith.constant 80 : index
      %swap3A_1260 = tpu.vector_load %arg19[%swap3A_1257, %swap3A_1258, %swap3A_1259] {strides = array<i32>} : memref<2x2x128xi32, #tpu.memory_space<vmem>>, vector<16xi32>,
      tpu.vector_store %arg19[%swap3A_1257, %swap3A_1258, %swap3A_1259], %add3A_1254 {strides = array<i32>} : memref<2x2x128xi32, #tpu.memory_space<vmem>>, vector<16xi32>,
      %add3A_1261 = arith.constant 128 : i32
      %add3A_1262 = arith.addi %select_n3A_1092, %add3A_1261 : i32
      %add3A_1263 = arith.constant 96 : i32
      %add3A_1264 = arith.addi %add3A_1262, %add3A_1263 : i32
      %add3A_1265 = vector.broadcast %add3A_1264 : i32 to vector<16xi32>
      %add3A_1266 = arith.addi %add3A_1265, %iota3A : vector<16xi32>
      %swap3A_1267 = arith.constant 1 : i32
      %swap3A_1268 = arith.constant 1 : i32
      %swap3A_1269 = arith.index_cast %swap3A_1267 : i32 to index
      %swap3A_1270 = arith.index_cast %swap3A_1268 : i32 to index
      %swap3A_1271 = arith.constant 96 : index
      %swap3A_1272 = tpu.vector_load %arg19[%swap3A_1269, %swap3A_1270, %swap3A_1271] {strides = array<i32>} : memref<2x2x128xi32, #tpu.memory_space<vmem>>, vector<16xi32>,
      tpu.vector_store %arg19[%swap3A_1269, %swap3A_1270, %swap3A_1271], %add3A_1266 {strides = array<i32>} : memref<2x2x128xi32, #tpu.memory_space<vmem>>, vector<16xi32>,
      %add3A_1273 = arith.constant 128 : i32
      %add3A_1274 = arith.addi %select_n3A_1092, %add3A_1273 : i32
      %add3A_1275 = arith.constant 112 : i32
      %add3A_1276 = arith.addi %add3A_1274, %add3A_1275 : i32
      %add3A_1277 = vector.broadcast %add3A_1276 : i32 to vector<16xi32>
      %add3A_1278 = arith.addi %add3A_1277, %iota3A : vector<16xi32>
      %swap3A_1279 = arith.constant 1 : i32
      %swap3A_1280 = arith.constant 1 : i32
      %swap3A_1281 = arith.index_cast %swap3A_1279 : i32 to index
      %swap3A_1282 = arith.index_cast %swap3A_1280 : i32 to index
      %swap3A_1283 = arith.constant 112 : index
      %swap3A_1284 = tpu.vector_load %arg19[%swap3A_1281, %swap3A_1282, %swap3A_1283] {strides = array<i32>} : memref<2x2x128xi32, #tpu.memory_space<vmem>>, vector<16xi32>,
      tpu.vector_store %arg19[%swap3A_1281, %swap3A_1282, %swap3A_1283], %add3A_1278 {strides = array<i32>} : memref<2x2x128xi32, #tpu.memory_space<vmem>>, vector<16xi32>,
      %dma_start3A_1285 = arith.constant 1 : i32
      %dma_start3A_1286 = arith.constant 0 : i32
      %dma_start3A_1287 = arith.constant 0 : i32
      %dma_start3A_1288 = arith.constant 0 : i32
      %dma_start3A_1289 = tpu.memref_slice %arg17[%dma_start3A_1287, %dma_start3A_1288] : memref<256x128xf32, #tpu.memory_space<vmem>> -> memref<128x128xf32, #tpu.memory_space<vmem>>
      %dma_start3A_1290 = arith.constant 0 : i32
      %dma_start3A_1291 = tpu.memref_slice %arg19[%dma_start3A_1285, %dma_start3A_1286, %dma_start3A_1290] : memref<2x2x128xi32, #tpu.memory_space<vmem>> -> memref<1x1x128xi32, #tpu.memory_space<vmem>>
      %dma_start3A_1292 = tpu.memref_squeeze %dma_start3A_1291 : memref<1x1x128xi32, #tpu.memory_space<vmem>> -> memref<128xi32, #tpu.memory_space<vmem>>
      %dma_start3A_1293 = arith.constant 0 : i32
      %dma_start3A_1294 = arith.constant 0 : i32
      %dma_start3A_1295 = tpu.memref_slice %arg6[%dma_start3A_1293, %dma_start3A_1294] : memref<524288x128xf32, #tpu.memory_space<hbm>> -> memref<524288x128xf32, #tpu.memory_space<hbm>>
      tpu.enqueue_indirect_dma source(%dma_start3A_1289 : memref<128x128xf32, #tpu.memory_space<vmem>>) target(%dma_start3A_1295 : memref<524288x128xf32, #tpu.memory_space<hbm>>) offsets(%dma_start3A_1292 : memref<128xi32, #tpu.memory_space<vmem>>) semaphore(%arg23 : memref<!tpu.dma_semaphore, #tpu.memory_space<semaphore_mem>>)
      %dma_start3A_1296 = arith.constant 1 : i32
      %dma_start3A_1297 = arith.constant 1 : i32
      %dma_start3A_1298 = arith.constant 128 : i32
      %dma_start3A_1299 = arith.constant 0 : i32
      %dma_start3A_1300 = tpu.memref_slice %arg17[%dma_start3A_1298, %dma_start3A_1299] : memref<256x128xf32, #tpu.memory_space<vmem>> -> memref<128x128xf32, #tpu.memory_space<vmem>>
      %dma_start3A_1301 = arith.constant 0 : i32
      %dma_start3A_1302 = tpu.memref_slice %arg19[%dma_start3A_1296, %dma_start3A_1297, %dma_start3A_1301] : memref<2x2x128xi32, #tpu.memory_space<vmem>> -> memref<1x1x128xi32, #tpu.memory_space<vmem>>
      %dma_start3A_1303 = tpu.memref_squeeze %dma_start3A_1302 : memref<1x1x128xi32, #tpu.memory_space<vmem>> -> memref<128xi32, #tpu.memory_space<vmem>>
      %dma_start3A_1304 = arith.constant 0 : i32
      %dma_start3A_1305 = arith.constant 0 : i32
      %dma_start3A_1306 = tpu.memref_slice %arg6[%dma_start3A_1304, %dma_start3A_1305] : memref<524288x128xf32, #tpu.memory_space<hbm>> -> memref<524288x128xf32, #tpu.memory_space<hbm>>
      tpu.enqueue_indirect_dma source(%dma_start3A_1300 : memref<128x128xf32, #tpu.memory_space<vmem>>) target(%dma_start3A_1306 : memref<524288x128xf32, #tpu.memory_space<hbm>>) offsets(%dma_start3A_1303 : memref<128xi32, #tpu.memory_space<vmem>>) semaphore(%arg23 : memref<!tpu.dma_semaphore, #tpu.memory_space<semaphore_mem>>)
    }
    %scan3A_703 = arith.constant 32 : i32
    %dma_wait3A = arith.constant 0 : i32
    %dma_wait3A_704 = arith.constant 0 : i32
    %dma_wait3A_705 = arith.constant 0 : i32
    %dma_wait3A_706 = arith.constant 0 : i32
    %dma_wait3A_707 = tpu.memref_slice %arg16[%dma_wait3A_705, %dma_wait3A_706] : memref<256x128xf32, #tpu.memory_space<vmem>> -> memref<128x128xf32, #tpu.memory_space<vmem>>
    %dma_wait3A_708 = arith.constant 0 : i32
    %dma_wait3A_709 = tpu.memref_slice %arg19[%dma_wait3A, %dma_wait3A_704, %dma_wait3A_708] : memref<2x2x128xi32, #tpu.memory_space<vmem>> -> memref<1x1x128xi32, #tpu.memory_space<vmem>>
    %dma_wait3A_710 = tpu.memref_squeeze %dma_wait3A_709 : memref<1x1x128xi32, #tpu.memory_space<vmem>> -> memref<128xi32, #tpu.memory_space<vmem>>
    %dma_wait3A_711 = arith.constant 0 : i32
    %dma_wait3A_712 = arith.constant 0 : i32
    %dma_wait3A_713 = tpu.memref_slice %arg6[%dma_wait3A_711, %dma_wait3A_712] : memref<524288x128xf32, #tpu.memory_space<hbm>> -> memref<524288x128xf32, #tpu.memory_space<hbm>>
    tpu.wait_indirect_dma semaphore(%arg22 : memref<!tpu.dma_semaphore, #tpu.memory_space<semaphore_mem>>) src(%dma_wait3A_707 : memref<128x128xf32, #tpu.memory_space<vmem>>) dst(%dma_wait3A_713 : memref<524288x128xf32, #tpu.memory_space<hbm>>)
    %dma_wait3A_714 = arith.constant 0 : i32
    %dma_wait3A_715 = arith.constant 1 : i32
    %dma_wait3A_716 = arith.constant 128 : i32
    %dma_wait3A_717 = arith.constant 0 : i32
    %dma_wait3A_718 = tpu.memref_slice %arg16[%dma_wait3A_716, %dma_wait3A_717] : memref<256x128xf32, #tpu.memory_space<vmem>> -> memref<128x128xf32, #tpu.memory_space<vmem>>
    %dma_wait3A_719 = arith.constant 0 : i32
    %dma_wait3A_720 = tpu.memref_slice %arg19[%dma_wait3A_714, %dma_wait3A_715, %dma_wait3A_719] : memref<2x2x128xi32, #tpu.memory_space<vmem>> -> memref<1x1x128xi32, #tpu.memory_space<vmem>>
    %dma_wait3A_721 = tpu.memref_squeeze %dma_wait3A_720 : memref<1x1x128xi32, #tpu.memory_space<vmem>> -> memref<128xi32, #tpu.memory_space<vmem>>
    %dma_wait3A_722 = arith.constant 0 : i32
    %dma_wait3A_723 = arith.constant 0 : i32
    %dma_wait3A_724 = tpu.memref_slice %arg6[%dma_wait3A_722, %dma_wait3A_723] : memref<524288x128xf32, #tpu.memory_space<hbm>> -> memref<524288x128xf32, #tpu.memory_space<hbm>>
    tpu.wait_indirect_dma semaphore(%arg22 : memref<!tpu.dma_semaphore, #tpu.memory_space<semaphore_mem>>) src(%dma_wait3A_718 : memref<128x128xf32, #tpu.memory_space<vmem>>) dst(%dma_wait3A_724 : memref<524288x128xf32, #tpu.memory_space<hbm>>)
    %dma_wait3A_725 = arith.constant 1 : i32
    %dma_wait3A_726 = arith.constant 0 : i32
    %dma_wait3A_727 = arith.constant 0 : i32
    %dma_wait3A_728 = arith.constant 0 : i32
    %dma_wait3A_729 = tpu.memref_slice %arg17[%dma_wait3A_727, %dma_wait3A_728] : memref<256x128xf32, #tpu.memory_space<vmem>> -> memref<128x128xf32, #tpu.memory_space<vmem>>
    %dma_wait3A_730 = arith.constant 0 : i32
    %dma_wait3A_731 = tpu.memref_slice %arg19[%dma_wait3A_725, %dma_wait3A_726, %dma_wait3A_730] : memref<2x2x128xi32, #tpu.memory_space<vmem>> -> memref<1x1x128xi32, #tpu.memory_space<vmem>>
    %dma_wait3A_732 = tpu.memref_squeeze %dma_wait3A_731 : memref<1x1x128xi32, #tpu.memory_space<vmem>> -> memref<128xi32, #tpu.memory_space<vmem>>
    %dma_wait3A_733 = arith.constant 0 : i32
    %dma_wait3A_734 = arith.constant 0 : i32
    %dma_wait3A_735 = tpu.memref_slice %arg6[%dma_wait3A_733, %dma_wait3A_734] : memref<524288x128xf32, #tpu.memory_space<hbm>> -> memref<524288x128xf32, #tpu.memory_space<hbm>>
    tpu.wait_indirect_dma semaphore(%arg23 : memref<!tpu.dma_semaphore, #tpu.memory_space<semaphore_mem>>) src(%dma_wait3A_729 : memref<128x128xf32, #tpu.memory_space<vmem>>) dst(%dma_wait3A_735 : memref<524288x128xf32, #tpu.memory_space<hbm>>)
    %dma_wait3A_736 = arith.constant 1 : i32
    %dma_wait3A_737 = arith.constant 1 : i32
    %dma_wait3A_738 = arith.constant 128 : i32
    %dma_wait3A_739 = arith.constant 0 : i32
    %dma_wait3A_740 = tpu.memref_slice %arg17[%dma_wait3A_738, %dma_wait3A_739] : memref<256x128xf32, #tpu.memory_space<vmem>> -> memref<128x128xf32, #tpu.memory_space<vmem>>
    %dma_wait3A_741 = arith.constant 0 : i32
    %dma_wait3A_742 = tpu.memref_slice %arg19[%dma_wait3A_736, %dma_wait3A_737, %dma_wait3A_741] : memref<2x2x128xi32, #tpu.memory_space<vmem>> -> memref<1x1x128xi32, #tpu.memory_space<vmem>>
    %dma_wait3A_743 = tpu.memref_squeeze %dma_wait3A_742 : memref<1x1x128xi32, #tpu.memory_space<vmem>> -> memref<128xi32, #tpu.memory_space<vmem>>
    %dma_wait3A_744 = arith.constant 0 : i32
    %dma_wait3A_745 = arith.constant 0 : i32
    %dma_wait3A_746 = tpu.memref_slice %arg6[%dma_wait3A_744, %dma_wait3A_745] : memref<524288x128xf32, #tpu.memory_space<hbm>> -> memref<524288x128xf32, #tpu.memory_space<hbm>>
    tpu.wait_indirect_dma semaphore(%arg23 : memref<!tpu.dma_semaphore, #tpu.memory_space<semaphore_mem>>) src(%dma_wait3A_740 : memref<128x128xf32, #tpu.memory_space<vmem>>) dst(%dma_wait3A_746 : memref<524288x128xf32, #tpu.memory_space<hbm>>)
    return
  }
}

</mosaic_0001>

<sc_bundles>
// kernel: _sc_call.3.cloned.1.call-start
scs
__scs_entry_jumppad:
0x0: {  	(pc) =	sbr.rel $0x88, $3  }
0x1: {  	(tag) =	ssettag $0x0;
	lr =	simm.s32 $0x1  }
0x2: {  	[smem:$0x3F9D] =	sst lr;
	_ =	strace $0xD0000000  }
0x3: {  	_ = 	snop  }
0x4: {  	_ = 	snop  }
0x5: {  	_ = 	snop  }
0x6: {  	_ = 	snop  }
0x7: {  	_ = 	snop  }
__scs_overlays_trampoline_lowered:
0x8: {  	[smem:$0x3FAC] =	sst s0  }
0x9: {  	[smem:$0x3FAD] =	sst s1  }
0xa: {  	[smem:$0x3FAE] =	sst s2  }
0xb: {  	[smem:$0x3FAF] =	sst s3  }
0xc: {  	[smem:$0x3FB0] =	sst s4  }
0xd: {  	[smem:$0x3FB1] =	sst s5  }
0xe: {  	[smem:$0x3FB2] =	sst s6  }
0xf: {  	[smem:$0x3FB3] =	sst s7  }
0x10: {  	[smem:$0x3FB4] =	sst s8  }
0x11: {  	[smem:$0x3FB5] =	sst s9;
	s0 =	simm.s32 @!p0 $0x0  }
0x12: {  	s1 =	sld [smem:$0x3F9B];
	s0 =	simm.s32 @p0 $0x1  }
0x13: {  	[smem:$0x3FB6] =	sst s0;
	s0 =	simm.s32 @!p1 $0x0  }
0x14: {  	s2 =	sld [smem:$0x3F9A];
	s0 =	simm.s32 @p1 $0x1  }
0x15: {  	[smem:$0x3FB7] =	sst s0;
	s0 =	simm.s32 @!p2 $0x0  }
0x16: {  	s3 =	sld [smem:$0x3FDB];
	s0 =	simm.s32 @p2 $0x1  }
0x17: {  	s4 =	simm.s32 $0x1BF5;
	[smem:$0x3FB9] =	sst s0  }
0x18: {  	s0 =	sld [smem:$0x3F9C];
	_ =	swait.ge [sflag:s4], $0x0  }
0x19: {  	s7 =	sld [smem:$0x3F9D]  }
0x1a: {  	s8 =	sadd.s32 $0xFFFFE003, lr  }
0x1b: {  	s9 =	sadd.s32 $0xFFFFFEF7, lr;
	s5 =	simm.s32 $0xFFFFFFFF;
	p2 =	slt.u32 s8, $0xFFFFF086  }
0x1c: {  	p1 =	slt.u32 s9, $0xF7A;
	s5 =	simm.s32 @!p2 $0x0  }
0x1d: {  	s5 =	simm.s32 @p1 $0x1;
	p0 =	seq.s32 s7, s2  }
0x1e: {  	s7 =	smul.u32 @!p0 $0xF7A, s2;
	p2 =	seq.s32 @!p0 s5, $0x0  }
0x1f: {  	s9 =	smul.u32 $0xF7A, s1;
	s8 =	simm.s32 @!p0 $0x1BF5;
	p2 =	por !p2, p0  }
0x20: {  	[sflag:s8] =	ssyncset.s32 @!p0 $0xFFFFF086;
	s6 =	sadd.s32 @!p0 s3, s7;
	s7 =	simm.s32 @!p0 $0x108  }
0x21: {  	s3 =	sadd.s32 s3, s9;
	s6 =	sadd.s32 @!p0 $0x88, s6;
	s7 =	simm.s32 @p2 $0x1082  }
0x22: {  	[simem:s7], [sflag:s8] =	dma.local @!p0 [hbm:s6], $0xF7A  }
0x23: {  	s9 =	sor.u32 $0xD0000000, s2;
	s6 =	simm.s32 $0x108;
	_ =	swait.ge @!p0 [sflag:s8], $0x0  }
0x24: {  	s3 =	sadd.s32 $0x88, s3;
	s6 =	simm.s32 @!p1 $0x1082;
	[sflag:s4] =	ssyncset.s32 $0xFFFFF086  }
0x25: {  	[simem:s6], [sflag:s4] =	dma.local [hbm:s3], $0xF7A  }
0x26: {  	[smem:$0x3F9D] =	sst s1;
	(tag) =	ssettag s2;
	_ =	strace s9  }
0x27: {  	s1 =	sld [smem:$0x3FAD]  }
0x28: {  	s2 =	sld [smem:$0x3FAE]  }
0x29: {  	s4 =	sld [smem:$0x3FB0]  }
0x2a: {  	p0 =	seq.s32 s5, $0x0;
	s5 =	sld [smem:$0x3FB1]  }
0x2b: {  	s6 =	sld [smem:$0x3FB2]  }
0x2c: {  	s7 =	sld [smem:$0x3FB3]  }
0x2d: {  	s3 =	simm.s32 $0x108;
	s8 =	sld [smem:$0x3FB4]  }
0x2e: {  	s3 =	simm.s32 @!p0 $0x1082;
	s9 =	sld [smem:$0x3FB5]  }
0x2f: {  	lr =	sadd.s32 s0, s3;
	s0 =	sld [smem:$0x3FAC]  }
0x30: {  	s3 =	sld [smem:$0x3FAF]  }
0x31: {  	[smem:$0x3FB8] =	sst s10  }
0x32: {  	s10 =	sld [smem:$0x3FB6];
	_ =	sdelay $0x3  }
0x33: {  	p0 =	seq.s32 s10, $0x1;
	s10 =	sld [smem:$0x3FB8];
	_ =	sdelay $0x3  }
0x34: {  	[smem:$0x3FB8] =	sst s10  }
0x35: {  	s10 =	sld [smem:$0x3FB7];
	_ =	sdelay $0x3  }
0x36: {  	p1 =	seq.s32 s10, $0x1;
	s10 =	sld [smem:$0x3FB8];
	_ =	sdelay $0x3  }
0x37: {  	[smem:$0x3FB8] =	sst s10  }
0x38: {  	s10 =	sld [smem:$0x3FB9]  }
0x39: {  	_ = 	snop;
	(pc) =	sbr.ind lr, $3  }
0x3a: {  	_ = 	snop  }
0x3b: {  	_ = 	snop  }
0x3c: {  	p2 =	seq.s32 s10, $0x1;
	s10 =	sld [smem:$0x3FB8]  }
0x3d: {  	_ =	shalt  }
0x3e: {  	_ =	shalt  }
0x3f: {  	_ =	shalt  }
0x40: {  	_ =	shalt  }
0x41: {  	_ =	shalt  }
0x42: {  	_ =	shalt  }
0x43: {  	_ =	shalt  }
0x44: {  	_ =	shalt  }
0x45: {  	_ =	shalt  }
0x46: {  	_ =	shalt  }
0x47: {  	_ =	shalt  }
0x48: {  	_ =	shalt  }
0x49: {  	_ =	shalt  }
0x4a: {  	_ =	shalt  }
0x4b: {  	_ =	shalt  }
0x4c: {  	_ =	shalt  }
0x4d: {  	_ =	shalt  }
0x4e: {  	_ =	shalt  }
0x4f: {  	_ =	shalt  }
0x50: {  	_ =	shalt  }
0x51: {  	_ =	shalt  }
0x52: {  	_ =	shalt  }
0x53: {  	_ =	shalt  }
0x54: {  	_ =	shalt  }
0x55: {  	_ =	shalt  }
0x56: {  	_ =	shalt  }
0x57: {  	_ =	shalt  }
0x58: {  	_ =	shalt  }
0x59: {  	_ =	shalt  }
0x5a: {  	_ =	shalt  }
0x5b: {  	_ =	shalt  }
0x5c: {  	_ =	shalt  }
0x5d: {  	_ =	shalt  }
0x5e: {  	_ =	shalt  }
0x5f: {  	_ =	shalt  }
0x60: {  	_ =	shalt  }
0x61: {  	_ =	shalt  }
0x62: {  	_ =	shalt  }
0x63: {  	_ =	shalt  }
0x64: {  	_ =	shalt  }
0x65: {  	_ =	shalt  }
0x66: {  	_ =	shalt  }
0x67: {  	_ =	shalt  }
0x68: {  	_ =	shalt  }
0x69: {  	_ =	shalt  }
0x6a: {  	_ =	shalt  }
0x6b: {  	_ =	shalt  }
0x6c: {  	_ =	shalt  }
0x6d: {  	_ =	shalt  }
0x6e: {  	_ =	shalt  }
0x6f: {  	_ =	shalt  }
0x70: {  	_ =	shalt  }
0x71: {  	_ =	shalt  }
0x72: {  	_ =	shalt  }
0x73: {  	_ =	shalt  }
0x74: {  	_ =	shalt  }
0x75: {  	_ =	shalt  }
0x76: {  	_ =	shalt  }
0x77: {  	_ =	shalt  }
0x78: {  	_ =	shalt  }
0x79: {  	_ =	shalt  }
0x7a: {  	_ =	shalt  }
0x7b: {  	_ =	shalt  }
0x7c: {  	_ =	shalt  }
0x7d: {  	_ =	shalt  }
0x7e: {  	_ =	shalt  }
0x7f: {  	_ =	shalt  }
0x80: {  	_ =	shalt  }
0x81: {  	_ =	shalt  }
0x82: {  	_ =	shalt  }
0x83: {  	_ =	shalt  }
0x84: {  	_ =	shalt  }
0x85: {  	_ =	shalt  }
0x86: {  	_ =	shalt  }
0x87: {  	_ =	shalt  }
.Lfunc_end0:
.L_simem_size_0:
called_computation_lowered:
.L_overlay_start_0:
0x88: {  	s2 =	sld [smem:$0x3FD9]  }
0x89: {  	s3 =	sld [smem:$0x3FFE];
	_ =	sdelay $0x1  }
0x8a: {  	s1 =	srdreg.scid  }
0x8b: {  	s0 =	sand.u32 $0x1, s1  }
0x8c: {  	s18 =	sshll.u32 s0, $0xA;
	s2 =	sadd.s32 s3, s2  }
0x8d: {  	s2 =	sadd.s32 s2, s18  }
0x8e: {  	[smem:$0x3FC4] =	sst s2  }
0x8f: {  	_ = 	snop  }
0x90: {  	s2 =	sld [smem:$0x3FC9]  }
0x91: {  	s19 =	sld [smem:$0x3FC8]  }
0x92: {  	s4 =	sld [smem:$0x3FC7]  }
0x93: {  	s5 =	sld [smem:$0x3FC6]  }
0x94: {  	s6 =	sld [smem:$0x3FD0];
	(tm) =	ssettm $0x1  }
0x95: {  	s7 =	sld [smem:$0x3FFB];
	_ =	sdelay $0x3  }
0x96: {  	_ =	strace s7  }
0x97: {  	s7 =	sld [smem:$0x3FFC];
	_ =	sdelay $0x3  }
0x98: {  	_ =	strace s7  }
0x99: {  	s7 =	sld [smem:$0x3FFD];
	_ =	sdelay $0x3  }
0x9a: {  	_ =	strace s7  }
0x9b: {  	_ =	strace $0x8FFFFFFF  }
0x9c: {  	s20 =	sld [smem:$0x3FDB];
	_ =	sdelay $0x1  }
0x9d: {  	s8 =	simm.s32 $_scs_section_size  }
0x9e: {  	s9 =	simm.s32 $_size__tile_overlayer_lowered;
	s10 =	simm.s32 $_tile_overlayer_lowered  }
0x9f: {  	s23 =	simm.s32 $0x1BFF;
	s22 =	sshll.u32 s10, $0x1;
	s7 =	sadd.s32 s8, s20  }
0xa0: {  	s11 =	simm.s32 $0x0;
	s21 =	sshll.u32 s9, $0x1;
	s9 =	sadd.s32 s22, s7  }
0xa1: {  	[timem:s11], [sflag:s23] =	dma.local [hbm:s9], s21  }
0xa2: {  	_ =	swait.ge [sflag:s23], s21  }
0xa3: {  	s8 =	ssub.s32 $0x0, s21;
	[sflag:s23] =	ssyncset.done $0x0  }
0xa4: {  	[sflag:s23] =	ssyncadd.s32 s8;
	_ =	sdelay $0x1  }
0xa5: {  	s24 =	simm.s32 $0x1B8B  }
0xa6: {  	_ =	swait.ge [sflag:s24], $0x1  }
0xa7: {  	[sflag:s24] =	ssyncset.done $0x0  }
0xa8: {  	s25 =	simm.s32 $0x1B8E;
	[sflag:s24] =	ssyncadd.s32 $0xFFFFFFFF  }
0xa9: {  	s26 =	simm.s32 $execute0_lowered;
	[smem:$0x3FD2] =	sst s25  }
0xaa: {  	s8 =	sshll.u32 s26, $0x1;
	_ =	strace $0x80000046;
	[dreg:$0x1] =	wrdreg $0xFFFFFFFF  }
0xab: {  	s28 =	simm.s32 $_size_execute0_lowered;
	s7 =	sadd.s32 s7, s8;
	[dreg:$0x0] =	wrdreg $0x0  }
0xac: {  	s8 =	sshll.u32 s28, $0x1;
	[dreg:$0x2] =	wrdreg s7  }
0xad: {  	[dreg:$0x3] =	wrdreg s8  }
0xae: {  	[dreg:$0x4] =	wrdreg $0xC0  }
0xaf: {  	_ =	task [dreg:s11], $0x5FFFF  }
0xb0: {  	[dreg:$0x1] =	wrdreg $0xFFFFFFFF  }
0xb1: {  	[dreg:$0x0] =	wrdreg $0x60  }
0xb2: {  	[dreg:$0x2] =	wrdreg s2  }
0xb3: {  	[dreg:$0x3] =	wrdreg s19  }
0xb4: {  	[dreg:$0x4] =	wrdreg s4  }
0xb5: {  	[dreg:$0x5] =	wrdreg s5  }
0xb6: {  	[dreg:$0x6] =	wrdreg s6  }
0xb7: {  	[dreg:$0x7] =	wrdreg $0x9  }
0xb8: {  	_ =	task.clear_ibuf [dreg:s11], $0x8FFFF;
	_ =	strace $0x90000046  }
0xb9: {  	s29 =	simm.s32 $0x9;
	_ =	strace $0x80000048  }
0xba: {  	_ =	swait.ge [sflag:s29], $0x1  }
0xbb: {  	[sflag:s29] =	ssyncadd.s32 $0xFFFFFFFF  }
0xbc: {  	_ =	strace $0x90000048  }
0xbd: {  	_ =	sfence  }
0xbe: {  	s30 =	sld [smem:$0x0];
	_ =	sdelay $0x2  }
0xbf: {  	s31 =	sshll.u32 s1, $0xD;
	s1 =	sshrl.u32 s1, $0x2  }
0xc0: {  	s3 =	sand.u32 $0x4000, s31;
	s1 =	sadd.s32 s1, s30  }
0xc1: {  	s0 =	sor.u32 s3, s0;
	s1 =	sshll.u32 s1, $0x11  }
0xc2: {  	s0 =	sor.u32 s1, s0  }
0xc3: {  	s0 =	sadd.s32 $0x8F2B, s0  }
0xc4: {  	[sflag:s0] =	ssyncadd.remote.s32 $0x1  }
0xc5: {  	_ =	sfence.sel $0xFFFF  }
0xc6: {  	[dreg:$0x0] =	wrdreg $0xFFFFFFFF;
	(pc) =	sbr.abs _section_cstart, $3  }
0xc7: {  	[dreg:$0x1] =	wrdreg $0xFFFFFFFF  }
0xc8: {  	_ =	task.clear_ibuf [dreg:s11], $0x2FFFF;
	_ =	strace $0x9FFFFFFF  }
0xc9: {  	(tm) =	ssettm $0x7FFFFFFF  }
tec
execute0_lowered:
.L_overlay_start_1:
0x0: {  	(tag) =	ssettag $0x1  }
0x1: {  	s2 =	srdreg.scid  }
0x2: {  	s4 =	stileid.u32;
	v2 =	vimm.s32 $0x76543210;
	s2 =	sand.u32 $0x1, s2  }
0x3: {  	v3 =	vimm.s32 $0x33323130;
	v4 =	vimm.s32 $0x37363534;
	s4 =	sshll.u32 s4, $0x13;
	v5 =	vunpack.c.l.s4.s8 v2;
	s3 =	ssub.s32 $0x2, s2;
	s2 =	sshll.u32 s2, $0x12  }
0x4: {  	v6 =	vunpack.c.0.s8.s32 v3;
	v7 =	vunpack.c.0.s8.s32 v4;
	s2 =	sor.u32 s2, s4  }
0x5: {  	s0 =	rddreg [dreg:$0x0];
	v0 =	vlaneseq.u32;
	vm0 =	vcmask $0x1F10;
	v8 =	vunpack.c.0.s8.s32 v5;
	s4 =	sshrl.u32 s2, $0x7  }
0x6: {  	s1 =	rddreg [dreg:$0x1];
	v9 =	vsel vm0, v7, v6;
	s25 =	sor.u32 $0x10, s4;
	v1 =	vor.u32 s4, v0  }
0x7: {  	s6 =	rddreg [dreg:$0x4];
	_ =	strace $0x80000047;
	v2 =	vcombine.low v9, v8;
	[tilespmem:$0x1FF30] =	vst v1;
	v1 =	vor.u32 s25, v0  }
0x8: {  	s11 =	sor.u32 $0x20, s4;
	[tilespmem:$0x1FF40] =	vst v1  }
0x9: {  	s12 =	sor.u32 $0x30, s4;
	v1 =	vor.u32 s11, v0;
	[tilespmem:$0x1FF70] =	vst v2  }
0xa: {  	[tilespmem:$0x1FF50] =	vst v1;
	v1 =	vor.u32 s12, v0  }
0xb: {  	s13 =	simm.s32 $0x4000;
	s14 =	simm.s32 $0x5;
	[tilespmem:$0x1FF60] =	vst v1;
	v1 =	vand.u32 $0x7, v0  }
0xc: {  	s15 =	simm.s32 $0x4080;
	s22 =	simm.s32 $0x1;
	s23 =	simm.s32 $0x4280;
	v2 =	vor.u32 $0x8, v1;
	[tilespmem:$0x1FFE0] =	vst v1  }
0xd: {  	s24 =	simm.s32 $0x80;
	s28 =	simm.s32 $0x16580;
	s29 =	simm.s32 $0xA400;
	[tilespmem:$0x1FF80] =	vst v2;
	v2 =	vadd.s32 $0x8, v0  }
0xe: {  	s30 =	simm.s32 $0x2;
	s31 =	simm.s32 $0x16600;
	s5 =	sshrl.u32 s3, $0x1;
	[tilespmem:$0x1FF90] =	vst v2;
	v2 =	vadd.s32 $0x18, v0  }
0xf: {  	s18 =	simm.s32 $0x4;
	s20 =	simm.s32 $0x0;
	s3 =	ssub.s32 s3, s5;
	[tilespmem:$0x1FFA0] =	vst v2;
	v2 =	vadd.s32 $0x28, v0  }
0x10: {  	v16 =	vor.u32 $0x30, v0;
	s7 =	sor.u32 $0x1000, s2;
	s8 =	sor.u32 $0x2000, s2;
	s9 =	sshll.u32 s2, $0x3;
	[tilespmem:$0x1FFB0] =	vst v2;
	v2 =	vor.u32 $0x10, v1  }
0x11: {  	v17 =	vor.u32 $0x40, v0;
	s10 =	sor.u32 $0x3000, s2;
	s5 =	simm.s32 $0xE400;
	s2 =	simm.s32 $0x16680;
	[tilespmem:$0x1FFC0] =	vst v2;
	v2 =	vor.u32 $0x18, v1  }
0x12: {  	v18 =	vor.u32 $0x50, v0;
	v19 =	vor.u32 $0x60, v0;
	s26 =	smax.u32 s3, $0x1;
	s3 =	simm.s32 $0x12400;
	s4 =	simm.s32 $0x3;
	v1 =	vor.u32 $0x20, v1;
	[tilespmem:$0x1FFD0] =	vst v2  }
0x13: {  	v20 =	vor.u32 $0x70, v0;
	v6 =	vor.u32 $0x10, v0;
	v7 =	vor.u32 $0x20, v0;
	[dreg:$0x6] =	wrdreg s26;
	s25 =	simm.s32 $0x16500;
	s26 =	simm.s32 $0x6400;
	[tilespmem:$0x1FFF0] =	vst v1  }
.LBB2_1:
0x14: {  	s11 =	rddreg [dreg:$0x2];
	s12 =	simm.s32 $0x0  }
0x15: {  	[tilespmem:s13], [sflag:$0x5] =	stream.linear.gather [hbm4b:s11+s12], $0x28, $0x38;
	[tilespmem:$0x16700] =	vst v63  }
0x16: {  	_ =	swait.ge [sflag:s14], $0x28  }
0x17: {  	[sflag:s14] =	ssyncset.done $0x0  }
0x18: {  	[sflag:s14] =	ssyncadd.s32 $0xFFFFFFD8  }
0x19: {  	s19 =	rddreg [dreg:$0x3]  }
0x1a: {  	[tilespmem:s15], [sflag:$0x5] =	stream.linear.gather [hbm4b:s19+s12], $0x38, $0x38;
	[tilespmem:$0x16700] =	vst v63  }
0x1b: {  	_ =	swait.ge [sflag:s14], $0x38  }
0x1c: {  	v1 =	vld [tilespmem:$0x1FFE0];
	_ =	sdelay $0x4  }
0x1d: {  	[sflag:s14] =	ssyncset.done $0x0  }
0x1e: {  	[sflag:s14] =	ssyncadd.s32 $0xFFFFFFC8  }
0x1f: {  	v22 =	vld.idx.msk [tilespmem:v0+s15+$0x0], $0xffff  }
0x20: {  	v21 =	vld.idx.msk [tilespmem:v1+s13+$0x0], $0xffff;
	_ =	sdelay $0x4  }
0x21: {  	v21 =	vadd.f32 v22, v21;
	_ =	sdelay $0x1  }
0x22: {  	[tilespmem:$0x4100] =	vst v21  }
0x23: {  	v21 =	vld.idx.msk [tilespmem:v1+s13+$0x0], $0xffff  }
0x24: {  	v22 =	vld.idx.msk [tilespmem:v6+s15+$0x0], $0xffff;
	_ =	sdelay $0x4  }
0x25: {  	v21 =	vadd.f32 v22, v21;
	_ =	sdelay $0x1  }
0x26: {  	[tilespmem:$0x4110] =	vst v21  }
0x27: {  	v21 =	vld.idx.msk [tilespmem:v1+s13+$0x0], $0xffff  }
0x28: {  	v22 =	vld.idx.msk [tilespmem:v7+s15+$0x0], $0xffff  }
0x29: {  	v1 =	vld [tilespmem:$0x1FF70];
	_ =	sdelay $0x3  }
0x2a: {  	v21 =	vadd.f32 v22, v21;
	_ =	sdelay $0x1  }
0x2b: {  	v2 =	vld [tilespmem:$0x1FF80];
	[tilespmem:$0x4120] =	vst v21  }
0x2c: {  	v21 =	vld.idx.msk [tilespmem:v0+s13+$0x0], $0xffff  }
0x2d: {  	v22 =	vld.idx.msk [tilespmem:v1+s15+$0x0], $0xffff  }
0x2e: {  	v3 =	vld [tilespmem:$0x1FF90];
	_ =	sdelay $0x3  }
0x2f: {  	v21 =	vadd.f32 v22, v21;
	_ =	sdelay $0x1  }
0x30: {  	[tilespmem:$0x4130] =	vst v21  }
0x31: {  	v21 =	vld.idx.msk [tilespmem:v2+s13+$0x0], $0xffff  }
0x32: {  	v22 =	vld.idx.msk [tilespmem:v3+s15+$0x0], $0xffff  }
0x33: {  	v4 =	vld [tilespmem:$0x1FFA0];
	_ =	sdelay $0x3  }
0x34: {  	v21 =	vadd.f32 v22, v21;
	_ =	sdelay $0x1  }
0x35: {  	[tilespmem:$0x4140] =	vst v21  }
0x36: {  	v21 =	vld.idx.msk [tilespmem:v2+s13+$0x0], $0xffff  }
0x37: {  	v22 =	vld.idx.msk [tilespmem:v4+s15+$0x0], $0xffff;
	_ =	sdelay $0x4  }
0x38: {  	v21 =	vadd.f32 v22, v21;
	_ =	sdelay $0x1  }
0x39: {  	[tilespmem:$0x4150] =	vst v21  }
0x3a: {  	v21 =	vld.idx.msk [tilespmem:v2+s13+$0x0], $0xffff  }
0x3b: {  	v2 =	vld [tilespmem:$0x1FFB0];
	_ =	sdelay $0x6  }
0x3c: {  	v5 =	vld [tilespmem:$0x1FFC0]  }
0x3d: {  	v22 =	vld.idx.msk [tilespmem:v2+s15+$0x0], $0xffff;
	_ =	sdelay $0x4  }
0x3e: {  	v21 =	vadd.f32 v22, v21;
	_ =	sdelay $0x1  }
0x3f: {  	[tilespmem:$0x4160] =	vst v21  }
0x40: {  	v21 =	vld.idx.msk [tilespmem:v5+s13+$0x0], $0xffff  }
0x41: {  	v22 =	vld.idx.msk [tilespmem:v0+s15+$0x0], $0xffff;
	_ =	sdelay $0x4  }
0x42: {  	v21 =	vadd.f32 v22, v21;
	_ =	sdelay $0x1  }
0x43: {  	[tilespmem:$0x4170] =	vst v21  }
0x44: {  	v21 =	vld.idx.msk [tilespmem:v5+s13+$0x0], $0xffff  }
0x45: {  	v22 =	vld.idx.msk [tilespmem:v6+s15+$0x0], $0xffff;
	_ =	sdelay $0x4  }
0x46: {  	v21 =	vadd.f32 v22, v21;
	_ =	sdelay $0x1  }
0x47: {  	[tilespmem:$0x4180] =	vst v21  }
0x48: {  	v21 =	vld.idx.msk [tilespmem:v5+s13+$0x0], $0xffff  }
0x49: {  	v22 =	vld.idx.msk [tilespmem:v7+s15+$0x0], $0xffff;
	_ =	sdelay $0x4  }
0x4a: {  	v21 =	vadd.f32 v22, v21;
	_ =	sdelay $0x1  }
0x4b: {  	v5 =	vld [tilespmem:$0x1FFD0];
	[tilespmem:$0x4190] =	vst v21  }
0x4c: {  	v21 =	vld.idx.msk [tilespmem:v6+s13+$0x0], $0xffff  }
0x4d: {  	v22 =	vld.idx.msk [tilespmem:v1+s15+$0x0], $0xffff;
	_ =	sdelay $0x4  }
0x4e: {  	v21 =	vadd.f32 v22, v21;
	_ =	sdelay $0x1  }
0x4f: {  	[tilespmem:$0x41A0] =	vst v21  }
0x50: {  	v21 =	vld.idx.msk [tilespmem:v5+s13+$0x0], $0xffff  }
0x51: {  	v22 =	vld.idx.msk [tilespmem:v3+s15+$0x0], $0xffff;
	_ =	sdelay $0x4  }
0x52: {  	v21 =	vadd.f32 v22, v21;
	_ =	sdelay $0x1  }
0x53: {  	[tilespmem:$0x41B0] =	vst v21  }
0x54: {  	v21 =	vld.idx.msk [tilespmem:v5+s13+$0x0], $0xffff  }
0x55: {  	v22 =	vld.idx.msk [tilespmem:v4+s15+$0x0], $0xffff;
	_ =	sdelay $0x4  }
0x56: {  	v21 =	vadd.f32 v22, v21;
	_ =	sdelay $0x1  }
0x57: {  	[tilespmem:$0x41C0] =	vst v21  }
0x58: {  	v21 =	vld.idx.msk [tilespmem:v5+s13+$0x0], $0xffff  }
0x59: {  	v22 =	vld.idx.msk [tilespmem:v2+s15+$0x0], $0xffff  }
0x5a: {  	v2 =	vld [tilespmem:$0x1FFF0];
	_ =	sdelay $0x4  }
0x5b: {  	v21 =	vadd.f32 v22, v21;
	_ =	sdelay $0x1  }
0x5c: {  	[tilespmem:$0x41D0] =	vst v21  }
0x5d: {  	v21 =	vld.idx.msk [tilespmem:v2+s13+$0x0], $0xffff  }
0x5e: {  	v22 =	vld.idx.msk [tilespmem:v0+s15+$0x0], $0xffff;
	_ =	sdelay $0x4  }
0x5f: {  	v21 =	vadd.f32 v22, v21;
	_ =	sdelay $0x1  }
0x60: {  	[tilespmem:$0x41E0] =	vst v21  }
0x61: {  	v21 =	vld.idx.msk [tilespmem:v2+s13+$0x0], $0xffff  }
0x62: {  	v22 =	vld.idx.msk [tilespmem:v6+s15+$0x0], $0xffff;
	_ =	sdelay $0x4  }
0x63: {  	v21 =	vadd.f32 v22, v21;
	_ =	sdelay $0x1  }
0x64: {  	[tilespmem:$0x41F0] =	vst v21  }
0x65: {  	v21 =	vld.idx.msk [tilespmem:v2+s13+$0x0], $0xffff  }
0x66: {  	v22 =	vld.idx.msk [tilespmem:v7+s15+$0x0], $0xffff;
	_ =	sdelay $0x4  }
0x67: {  	v21 =	vadd.f32 v22, v21;
	_ =	sdelay $0x1  }
0x68: {  	[tilespmem:$0x4200] =	vst v21  }
0x69: {  	v21 =	vld.idx.msk [tilespmem:v7+s13+$0x0], $0xffff  }
0x6a: {  	v22 =	vld.idx.msk [tilespmem:v1+s15+$0x0], $0xffff;
	_ =	sdelay $0x4  }
0x6b: {  	v21 =	vadd.f32 v22, v21;
	_ =	sdelay $0x1  }
0x6c: {  	s21 =	simm.s32 $0x0;
	[tilespmem:$0x4210] =	vst v21  }
0x6d: {  	v21 =	vld.msk [tilespmem:s21+$0x4100 ss:$0x0], $0xffff;
	_ =	sdelay $0x4  }
0x6e: {  	s16 =	simm.s32 $0x1;
	s11 =	simm.s32 $0x4280;
	s12 =	simm.s32 $0x8;
	[tilespmem:s23+$0x0] =	vst v21  }
.LBB2_2:
0x6f: {  	p0 =	sne.s32 s12, $0x45C;
	v21 =	vld.msk [tilespmem:s16+$0x4100 ss:$0x0], $0xffff;
	_ =	sdelay $0x1  }
.Ltmp0:
0x70: {  	(pc) =	sbr.rel @p0 .LBB2_2-.Ltmp0, $3  }
0x71: {  	_ =	sdelay $0x1  }
0x72: {  	s11 =	sadd.s32 $0x10, s11  }
0x73: {  	s16 =	sshra.s32 s12, $0x2;
	s12 =	sadd.s32 $0x4, s12;
	[tilespmem:s11+$0x0] =	vst v21  }
0x74: {  	v21 =	vld.msk [tilespmem:s16+$0x4100 ss:$0x0], $0xffff  }
0x75: {  	v1 =	vld [tilespmem:$0x1FF30];
	_ =	sdelay $0x2  }
0x76: {  	s11 =	sadd.s32 $0x10, s11  }
0x77: {  	[tilespmem:s11+$0x0] =	vst v21  }
0x78: {  	[tilespmem:$0x16400] =	vst v1;
	v1 =	vld [tilespmem:$0x1FF40];
	_ =	sdelay $0x4  }
0x79: {  	[tilespmem:$0x16410] =	vst v1;
	v1 =	vld [tilespmem:$0x1FF50]  }
0x7a: {  	s21 =	simm.s32 $0x0;
	s12 =	simm.s32 $0x16400;
	s11 =	simm.s32 $0x20  }
0x7b: {  	[tilespmem:s21], [sflag:$0x1] =	stream.indirect.gather [hbm4b:s0+s11], $0x80, s12, s11, $0xb8;
	[tilespmem:$0x16700] =	vst v63  }
0x7c: {  	s19 =	simm.s32 $0x2000  }
0x7d: {  	[tilespmem:s19], [sflag:$0x1] =	stream.indirect.gather [hbm4b:s1+s11], $0x80, s12, s11, $0xb8;
	[tilespmem:$0x16700] =	vst v63  }
0x7e: {  	[tilespmem:$0x16480] =	vst v1;
	v1 =	vld [tilespmem:$0x1FF60];
	_ =	sdelay $0x4  }
0x7f: {  	s17 =	simm.s32 $0x1000;
	s12 =	simm.s32 $0x16480;
	[tilespmem:$0x16490] =	vst v1  }
0x80: {  	[tilespmem:s17], [sflag:$0x2] =	stream.indirect.gather [hbm4b:s0+s11], $0x80, s12, s11, $0xb8;
	[tilespmem:$0x16700] =	vst v63  }
0x81: {  	s19 =	simm.s32 $0x3000  }
0x82: {  	[tilespmem:s19], [sflag:$0x2] =	stream.indirect.gather [hbm4b:s1+s11], $0x80, s12, s11, $0xb8;
	[tilespmem:$0x16700] =	vst v63  }
.LBB2_4:
0x83: {  	_ =	swait.ge [sflag:s22], $0x1000  }
0x84: {  	[sflag:s22] =	ssyncset.done $0x0  }
0x85: {  	[sflag:s22] =	ssyncadd.s32 $0xFFFFF000  }
0x86: {  	_ =	swait.ge [sflag:s22], $0x1000  }
0x87: {  	[sflag:s22] =	ssyncset.done $0x0  }
0x88: {  	s11 =	simm.s32 $0x40;
	[sflag:s22] =	ssyncadd.s32 $0xFFFFF000  }
0x89: {  	v21 =	vld [tilespmem:s11+$0x30]  }
0x8a: {  	s12 =	simm.s32 $0x2040;
	v22 =	vld [tilespmem:s11+$0xFFFFFFD0]  }
0x8b: {  	v23 =	vld [tilespmem:s12+$0x30]  }
0x8c: {  	v24 =	vld [tilespmem:s11+$0xFFFFFFE0]  }
0x8d: {  	v25 =	vld [tilespmem:s11+$0xFFFFFFF0]  }
0x8e: {  	v26 =	vld [tilespmem:s11+$0x0]  }
0x8f: {  	v27 =	vld [tilespmem:s11+$0x10]  }
0x90: {  	v31 =	vld [tilespmem:s11+$0x20]  }
0x91: {  	v28 =	vld [tilespmem:s11+$0xFFFFFFC0]  }
0x92: {  	v32 =	vld [tilespmem:s12+$0xFFFFFFC0]  }
0x93: {  	v33 =	vld [tilespmem:s12+$0xFFFFFFD0]  }
0x94: {  	v30 =	vld [tilespmem:s12+$0xFFFFFFE0];
	v21 =	vmul.u32 $0x7, v21  }
0x95: {  	v29 =	vld [tilespmem:s12+$0xFFFFFFF0];
	v34 =	vmul.u32 $0x7, v22;
	v24 =	vmul.u32 $0x7, v24  }
0x96: {  	v35 =	vmul.u32 $0x7, v28;
	v28 =	vld [tilespmem:s12+$0x0];
	v25 =	vmul.u32 $0x7, v25;
	v21 =	vadd.s32 v23, v21  }
0x97: {  	s11 =	simm.s32 $0x5440;
	v22 =	vmul.u32 $0x7, v27;
	v23 =	vmul.u32 $0x7, v26;
	v26 =	vld [tilespmem:s12+$0x10];
	v21 =	vshll.u32 v21, $0x7  }
0x98: {  	s16 =	simm.s32 $0x0;
	s17 =	simm.s32 $0xC0;
	v27 =	vld [tilespmem:s12+$0x20];
	[tilespmem:s11+$0x30] =	vst v21;
	v21 =	vmul.u32 $0x7, v31;
	v31 =	vadd.s32 v32, v35;
	v32 =	vadd.s32 v33, v34  }
.LBB2_5:
0x99: {  	v33 =	vld [tilespmem:s17+$0x30];
	s16 =	sadd.s32 $0x8, s16;
	v31 =	vshll.u32 v31, $0x7;
	v32 =	vshll.u32 v32, $0x7;
	v24 =	vadd.s32 v30, v24  }
0x9a: {  	s12 =	sadd.s32 $0x80, s12;
	v30 =	vld [tilespmem:s17+$0xFFFFFFD0];
	p0 =	slt.u32 s16, $0xF8;
	[tilespmem:s11+$0xFFFFFFC0] =	vst v31;
	v24 =	vshll.u32 v24, $0x7;
	v25 =	vadd.s32 v29, v25  }
0x9b: {  	v29 =	vld [tilespmem:s12+$0x30];
	[tilespmem:s11+$0xFFFFFFD0] =	vst v32;
	v25 =	vshll.u32 v25, $0x7;
	v23 =	vadd.s32 v28, v23  }
0x9c: {  	v28 =	vld [tilespmem:s17+$0xFFFFFFE0];
	[tilespmem:s11+$0xFFFFFFE0] =	vst v24;
	v23 =	vshll.u32 v23, $0x7;
	v22 =	vadd.s32 v26, v22  }
0x9d: {  	v26 =	vld [tilespmem:s17+$0xFFFFFFF0];
	[tilespmem:s11+$0xFFFFFFF0] =	vst v25;
	v22 =	vshll.u32 v22, $0x7;
	v21 =	vadd.s32 v27, v21  }
0x9e: {  	v27 =	vld [tilespmem:s17+$0x0];
	v24 =	vmul.u32 $0x7, v33;
	[tilespmem:s11+$0x0] =	vst v23;
	v21 =	vshll.u32 v21, $0x7  }
0x9f: {  	v32 =	vmul.u32 $0x7, v30;
	v31 =	vld [tilespmem:s17+$0x10];
	[tilespmem:s11+$0x10] =	vst v22  }
0xa0: {  	v33 =	vld [tilespmem:s17+$0x20];
	v22 =	vadd.s32 v29, v24;
	[tilespmem:s11+$0x20] =	vst v21  }
0xa1: {  	s11 =	sadd.s32 $0x80, s11;
	v34 =	vld [tilespmem:s17+$0xFFFFFFC0];
	v24 =	vmul.u32 $0x7, v28;
	v21 =	vshll.u32 v22, $0x7  }
0xa2: {  	v35 =	vld [tilespmem:s12+$0xFFFFFFC0];
	v25 =	vmul.u32 $0x7, v26;
	[tilespmem:s11+$0x30] =	vst v21  }
0xa3: {  	v36 =	vld [tilespmem:s12+$0xFFFFFFD0];
	v23 =	vmul.u32 $0x7, v27  }
.Ltmp1:
0xa4: {  	v30 =	vld [tilespmem:s12+$0xFFFFFFE0];
	v22 =	vmul.u32 $0x7, v31;
	(pc) =	sbr.rel @p0 .LBB2_5-.Ltmp1, $4  }
0xa5: {  	v29 =	vld [tilespmem:s12+$0xFFFFFFF0];
	v21 =	vmul.u32 $0x7, v33  }
0xa6: {  	v27 =	vmul.u32 $0x7, v34;
	v28 =	vld [tilespmem:s12+$0x0]  }
0xa7: {  	v26 =	vld [tilespmem:s12+$0x10]  }
0xa8: {  	s17 =	sadd.s32 $0x80, s17;
	v31 =	vadd.s32 v35, v27;
	v32 =	vadd.s32 v36, v32;
	v27 =	vld [tilespmem:s12+$0x20]  }
0xa9: {  	v31 =	vshll.u32 v31, $0x7  }
0xaa: {  	v32 =	vshll.u32 v32, $0x7;
	v24 =	vadd.s32 v30, v24;
	[tilespmem:s11+$0xFFFFFFC0] =	vst v31  }
0xab: {  	v24 =	vshll.u32 v24, $0x7;
	v25 =	vadd.s32 v29, v25;
	[tilespmem:s11+$0xFFFFFFD0] =	vst v32  }
0xac: {  	p0 =	seq.s32 s21, $0x1F;
	v25 =	vshll.u32 v25, $0x7;
	v23 =	vadd.s32 v28, v23;
	[tilespmem:s11+$0xFFFFFFE0] =	vst v24  }
0xad: {  	s12 =	sshll.u32 @!p0 s21, $0xD;
	v23 =	vshll.u32 v23, $0x7;
	v22 =	vadd.s32 v26, v22;
	[tilespmem:s11+$0xFFFFFFF0] =	vst v25  }
0xae: {  	s16 =	sadd.s32 @!p0 s12, s8;
	v22 =	vshll.u32 v22, $0x7;
	v21 =	vadd.s32 v27, v21;
	[tilespmem:s11+$0x0] =	vst v23  }
0xaf: {  	s16 =	sshrl.u32 @!p0 s16, $0x7;
	v21 =	vshll.u32 v21, $0x7;
	[tilespmem:s11+$0x10] =	vst v22;
	v22 =	vlaneseq.u32 @!p0  }
0xb0: {  	[tilespmem:s11+$0x20] =	vst v21;
	v21 =	vor.u32 @!p0 s16, v22;
	s11 =	sor.u32 @!p0 $0x10, s16  }
0xb1: {  	s17 =	simm.s32 @!p0 $0x0;
	[tilespmem:$0x16400] =	vst @!p0 v21;
	v21 =	vor.u32 @!p0 s11, v22  }
0xb2: {  	p1 =	seq.s32 @!p0 s21, $0x0;
	s16 =	simm.s32 @!p0 $0x16400;
	s11 =	simm.s32 @!p0 $0x20;
	[tilespmem:$0x16410] =	vst @!p0 v21  }
0xb3: {  	[tilespmem:s17], [sflag:$0x1] =	stream.indirect.gather @!p0 [hbm4b:s0+s11], $0x80, s16, s11, $0xb8;
	[tilespmem:$0x16700] =	vst v63  }
0xb4: {  	p1 =	por p0, !p1;
	s17 =	simm.s32 @!p0 $0x2000  }
0xb5: {  	[tilespmem:s17], [sflag:$0x1] =	stream.indirect.gather @!p0 [hbm4b:s1+s11], $0x80, s16, s11, $0xb8;
	[tilespmem:$0x16700] =	vst v63  }
0xb6: {  	_ =	swait.ge @p1 [sflag:s4], $0x4000  }
0xb7: {  	[sflag:s4] =	ssyncset.done @p1 $0x0  }
0xb8: {  	[sflag:s4] =	ssyncadd.s32 @p1 $0xFFFFC000  }
0xb9: {  	_ =	swait.ge @p1 [sflag:s4], $0x4000  }
0xba: {  	[sflag:s4] =	ssyncset.done @p1 $0x0  }
0xbb: {  	s17 =	simm.s32 $0x5440;
	[sflag:s4] =	ssyncadd.s32 @p1 $0xFFFFC000  }
0xbc: {  	v28 =	vld [tilespmem:s17+$0x30]  }
0xbd: {  	v26 =	vld [tilespmem:s17+$0xFFFFFFD0]  }
0xbe: {  	v25 =	vld [tilespmem:s17+$0xFFFFFFE0]  }
0xbf: {  	v24 =	vld [tilespmem:s17+$0xFFFFFFF0]  }
0xc0: {  	v23 =	vld [tilespmem:s17+$0x0]  }
0xc1: {  	v21 =	vld [tilespmem:s17+$0x10];
	v29 =	vadd.s32 v0, v28  }
0xc2: {  	v22 =	vld [tilespmem:s17+$0x20];
	v30 =	vadd.s32 v0, v26  }
0xc3: {  	v27 =	vld [tilespmem:s17+$0xFFFFFFC0];
	v31 =	vadd.s32 v0, v25  }
0xc4: {  	v9 =	vadd.s32 v0, v24  }
0xc5: {  	v33 =	vadd.s32 v0, v23  }
0xc6: {  	v34 =	vadd.s32 v0, v21;
	v29 =	vld.idx.msk [tilespmem:v29+s23+$0x0], $0xffff  }
0xc7: {  	v35 =	vadd.s32 v0, v22;
	v30 =	vld.idx.msk [tilespmem:v30+s23+$0x0], $0xffff  }
0xc8: {  	v37 =	vadd.s32 v0, v27;
	v31 =	vld.idx.msk [tilespmem:v31+s23+$0x0], $0xffff  }
0xc9: {  	v36 =	vadd.s32 v6, v28;
	v32 =	vld.idx.msk [tilespmem:v9+s23+$0x0], $0xffff  }
0xca: {  	v38 =	vadd.s32 v6, v26;
	v33 =	vld.idx.msk [tilespmem:v33+s23+$0x0], $0xffff  }
0xcb: {  	s17 =	simm.s32 $0x6600;
	v39 =	vadd.s32 v6, v25;
	v34 =	vld.idx.msk [tilespmem:v34+s23+$0x0], $0xffff  }
0xcc: {  	v40 =	vadd.s32 v6, v24;
	v35 =	vld.idx.msk [tilespmem:v35+s23+$0x0], $0xffff;
	[tilespmem:s17+$0xFFFFFE70] =	vst v29  }
0xcd: {  	v41 =	vadd.s32 v6, v21;
	[tilespmem:s17+$0xFFFFFE10] =	vst v30;
	v30 =	vld.idx.msk [tilespmem:v37+s23+$0x0], $0xffff  }
0xce: {  	v29 =	vadd.s32 v6, v23;
	[tilespmem:s17+$0xFFFFFE20] =	vst v31;
	v36 =	vld.idx.msk [tilespmem:v36+s23+$0x0], $0xffff  }
0xcf: {  	v11 =	vadd.s32 v6, v27;
	[tilespmem:s17+$0xFFFFFE30] =	vst v32;
	v31 =	vld.idx.msk [tilespmem:v38+s23+$0x0], $0xffff  }
0xd0: {  	v13 =	vadd.s32 v6, v22;
	[tilespmem:s17+$0xFFFFFE40] =	vst v33;
	v12 =	vld.idx.msk [tilespmem:v39+s23+$0x0], $0xffff  }
0xd1: {  	v10 =	vadd.s32 v7, v28;
	[tilespmem:s17+$0xFFFFFE50] =	vst v34;
	v14 =	vld.idx.msk [tilespmem:v40+s23+$0x0], $0xffff  }
0xd2: {  	v44 =	vadd.s32 v7, v26;
	[tilespmem:s17+$0xFFFFFE60] =	vst v35;
	v41 =	vld.idx.msk [tilespmem:v41+s23+$0x0], $0xffff  }
0xd3: {  	v45 =	vadd.s32 v7, v25;
	v29 =	vld.idx.msk [tilespmem:v29+s23+$0x0], $0xffff;
	[tilespmem:s17+$0xFFFFFE00] =	vst v30  }
0xd4: {  	v46 =	vadd.s32 v7, v24;
	[tilespmem:s17+$0xFFFFFEF0] =	vst v36;
	v48 =	vld.idx.msk [tilespmem:v11+s23+$0x0], $0xffff  }
0xd5: {  	v47 =	vadd.s32 v7, v23;
	[tilespmem:s17+$0xFFFFFE90] =	vst v31;
	v31 =	vld.idx.msk [tilespmem:v13+s23+$0x0], $0xffff  }
0xd6: {  	v52 =	vadd.s32 v7, v21;
	[tilespmem:s17+$0xFFFFFEA0] =	vst v12;
	v30 =	vld.idx.msk [tilespmem:v10+s23+$0x0], $0xffff  }
0xd7: {  	v50 =	vadd.s32 v7, v27;
	[tilespmem:s17+$0xFFFFFEB0] =	vst v14;
	v51 =	vld.idx.msk [tilespmem:v44+s23+$0x0], $0xffff  }
0xd8: {  	v54 =	vadd.s32 v7, v22;
	[tilespmem:s17+$0xFFFFFED0] =	vst v41;
	v53 =	vld.idx.msk [tilespmem:v45+s23+$0x0], $0xffff  }
0xd9: {  	v49 =	vadd.s32 v16, v28;
	[tilespmem:s17+$0xFFFFFEC0] =	vst v29;
	v29 =	vld.idx.msk [tilespmem:v46+s23+$0x0], $0xffff  }
0xda: {  	v55 =	vadd.s32 v16, v26;
	v37 =	vld.idx.msk [tilespmem:v47+s23+$0x0], $0xffff;
	[tilespmem:s17+$0xFFFFFE80] =	vst v48  }
0xdb: {  	v57 =	vadd.s32 v16, v24;
	[tilespmem:s17+$0xFFFFFEE0] =	vst v31;
	v31 =	vld.idx.msk [tilespmem:v52+s23+$0x0], $0xffff  }
0xdc: {  	[tilespmem:s17+$0xFFFFFF70] =	vst v30;
	v30 =	vadd.s32 v16, v25;
	v39 =	vld.idx.msk [tilespmem:v50+s23+$0x0], $0xffff  }
0xdd: {  	v61 =	vadd.s32 v16, v23;
	[tilespmem:s17+$0xFFFFFF10] =	vst v51;
	v60 =	vld.idx.msk [tilespmem:v54+s23+$0x0], $0xffff  }
0xde: {  	v63 =	vadd.s32 v16, v21;
	[tilespmem:s17+$0xFFFFFF20] =	vst v53;
	v56 =	vld.idx.msk [tilespmem:v49+s23+$0x0], $0xffff  }
0xdf: {  	v59 =	vadd.s32 v16, v27;
	v62 =	vld.idx.msk [tilespmem:v55+s23+$0x0], $0xffff;
	[tilespmem:s17+$0xFFFFFF30] =	vst v29  }
0xe0: {  	v58 =	vadd.s32 v17, v28;
	v38 =	vld.idx.msk [tilespmem:v57+s23+$0x0], $0xffff;
	[tilespmem:s17+$0xFFFFFF40] =	vst v37  }
0xe1: {  	[tilespmem:s17+$0xFFFFFF50] =	vst v31;
	v29 =	vld.idx.msk [tilespmem:v30+s23+$0x0], $0xffff;
	v30 =	vadd.s32 v16, v22  }
0xe2: {  	v9 =	vadd.s32 v17, v26;
	[tilespmem:s17+$0xFFFFFF00] =	vst v39;
	v31 =	vld.idx.msk [tilespmem:v61+s23+$0x0], $0xffff  }
0xe3: {  	v45 =	vadd.s32 v17, v24;
	[tilespmem:s17+$0xFFFFFF60] =	vst v60;
	v44 =	vld.idx.msk [tilespmem:v63+s23+$0x0], $0xffff  }
0xe4: {  	v11 =	vadd.s32 v17, v25;
	[tilespmem:s17+$0xFFFFFFF0] =	vst v56;
	v12 =	vld.idx.msk [tilespmem:v59+s23+$0x0], $0xffff  }
0xe5: {  	v46 =	vadd.s32 v17, v23;
	[tilespmem:s17+$0xFFFFFF90] =	vst v62;
	v10 =	vld.idx.msk [tilespmem:v58+s23+$0x0], $0xffff  }
0xe6: {  	v14 =	vadd.s32 v17, v27;
	[tilespmem:s17+$0xFFFFFFB0] =	vst v38;
	v30 =	vld.idx.msk [tilespmem:v30+s23+$0x0], $0xffff  }
0xe7: {  	v13 =	vadd.s32 v18, v28;
	[tilespmem:s17+$0xFFFFFFA0] =	vst v29;
	v29 =	vld.idx.msk [tilespmem:v9+s23+$0x0], $0xffff  }
0xe8: {  	v47 =	vadd.s32 v17, v21;
	[tilespmem:s17+$0xFFFFFFC0] =	vst v31;
	v31 =	vld.idx.msk [tilespmem:v45+s23+$0x0], $0xffff  }
0xe9: {  	v48 =	vadd.s32 v17, v22;
	[tilespmem:s17+$0xFFFFFFD0] =	vst v44;
	v40 =	vld.idx.msk [tilespmem:v11+s23+$0x0], $0xffff  }
0xea: {  	v49 =	vadd.s32 v18, v26;
	[tilespmem:s17+$0xFFFFFF80] =	vst v12;
	v53 =	vld.idx.msk [tilespmem:v46+s23+$0x0], $0xffff  }
0xeb: {  	v55 =	vadd.s32 v18, v24;
	[tilespmem:s17+$0x70] =	vst v10;
	v50 =	vld.idx.msk [tilespmem:v14+s23+$0x0], $0xffff  }
0xec: {  	v54 =	vadd.s32 v18, v25;
	v34 =	vld.idx.msk [tilespmem:v13+s23+$0x0], $0xffff;
	[tilespmem:s17+$0xFFFFFFE0] =	vst v30  }
0xed: {  	v52 =	vadd.s32 v18, v27;
	v30 =	vld.idx.msk [tilespmem:v47+s23+$0x0], $0xffff;
	[tilespmem:s17+$0x10] =	vst v29  }
0xee: {  	v51 =	vadd.s32 v19, v28;
	[tilespmem:s17+$0x30] =	vst v31;
	v29 =	vld.idx.msk [tilespmem:v48+s23+$0x0], $0xffff  }
0xef: {  	v56 =	vadd.s32 v18, v23;
	v37 =	vld.idx.msk [tilespmem:v49+s23+$0x0], $0xffff;
	[tilespmem:s17+$0x20] =	vst v40  }
0xf0: {  	v57 =	vadd.s32 v18, v21;
	[tilespmem:s17+$0x40] =	vst v53;
	v61 =	vld.idx.msk [tilespmem:v55+s23+$0x0], $0xffff  }
0xf1: {  	v58 =	vadd.s32 v18, v22;
	[tilespmem:s17+$0x0] =	vst v50;
	v31 =	vld.idx.msk [tilespmem:v54+s23+$0x0], $0xffff  }
0xf2: {  	v62 =	vadd.s32 v19, v26;
	[tilespmem:s17+$0xF0] =	vst v34;
	v59 =	vld.idx.msk [tilespmem:v52+s23+$0x0], $0xffff  }
0xf3: {  	v63 =	vadd.s32 v19, v25;
	v36 =	vld.idx.msk [tilespmem:v51+s23+$0x0], $0xffff;
	[tilespmem:s17+$0x50] =	vst v30  }
0xf4: {  	v60 =	vadd.s32 v19, v27;
	v30 =	vld.idx.msk [tilespmem:v56+s23+$0x0], $0xffff;
	[tilespmem:s17+$0x60] =	vst v29  }
0xf5: {  	v28 =	vadd.s32 v20, v28;
	v29 =	vld.idx.msk [tilespmem:v57+s23+$0x0], $0xffff;
	[tilespmem:s17+$0x90] =	vst v37  }
0xf6: {  	v9 =	vadd.s32 v19, v24;
	[tilespmem:s17+$0xB0] =	vst v61;
	v38 =	vld.idx.msk [tilespmem:v58+s23+$0x0], $0xffff  }
0xf7: {  	v10 =	vadd.s32 v19, v23;
	[tilespmem:s17+$0xA0] =	vst v31;
	v31 =	vld.idx.msk [tilespmem:v62+s23+$0x0], $0xffff  }
0xf8: {  	v12 =	vadd.s32 v19, v22;
	[tilespmem:s17+$0x80] =	vst v59;
	v13 =	vld.idx.msk [tilespmem:v63+s23+$0x0], $0xffff  }
0xf9: {  	v26 =	vadd.s32 v20, v26;
	[tilespmem:s17+$0x170] =	vst v36;
	v33 =	vld.idx.msk [tilespmem:v60+s23+$0x0], $0xffff  }
0xfa: {  	v11 =	vld.idx.msk [tilespmem:v28+s23+$0x0], $0xffff;
	[tilespmem:s17+$0xC0] =	vst v30  }
0xfb: {  	v25 =	vadd.s32 v20, v25;
	v30 =	vld.idx.msk [tilespmem:v9+s23+$0x0], $0xffff;
	[tilespmem:s17+$0xD0] =	vst v29  }
0xfc: {  	v29 =	vld.idx.msk [tilespmem:v10+s23+$0x0], $0xffff;
	[tilespmem:s17+$0xE0] =	vst v38  }
0xfd: {  	v28 =	vadd.s32 v19, v21;
	[tilespmem:s17+$0x110] =	vst v31;
	v44 =	vld.idx.msk [tilespmem:v12+s23+$0x0], $0xffff  }
0xfe: {  	s19 =	simm.s32 $0x54C0;
	v27 =	vadd.s32 v20, v27;
	v31 =	vld.idx.msk [tilespmem:v26+s23+$0x0], $0xffff  }
0xff: {  	[tilespmem:s17+$0x120] =	vst v13;
	v26 =	vld [tilespmem:s19+$0xFFFFFFF0]  }
0x100: {  	v32 =	vld.idx.msk [tilespmem:v25+s23+$0x0], $0xffff  }
0x101: {  	v25 =	vld [tilespmem:s19+$0x0]  }
0x102: {  	v24 =	vadd.s32 v20, v24;
	[tilespmem:s17+$0x100] =	vst v33;
	v14 =	vld.idx.msk [tilespmem:v28+s23+$0x0], $0xffff  }
0x103: {  	v45 =	vld.idx.msk [tilespmem:v27+s23+$0x0], $0xffff  }
0x104: {  	[tilespmem:s17+$0x130] =	vst v30;
	v30 =	vld [tilespmem:s19+$0x30]  }
0x105: {  	v23 =	vadd.s32 v20, v23;
	v28 =	vld [tilespmem:s19+$0xFFFFFFD0]  }
0x106: {  	v27 =	vld [tilespmem:s19+$0xFFFFFFE0]  }
0x107: {  	v21 =	vadd.s32 v20, v21;
	v46 =	vld.idx.msk [tilespmem:v24+s23+$0x0], $0xffff  }
0x108: {  	v48 =	vadd.s32 v20, v22;
	v24 =	vld [tilespmem:s19+$0x20]  }
0x109: {  	[tilespmem:s17+$0x140] =	vst v29;
	v29 =	vld [tilespmem:s19+$0xFFFFFFC0];
	v52 =	vadd.s32 v0, v26  }
0x10a: {  	v47 =	vld.idx.msk [tilespmem:v23+s23+$0x0], $0xffff;
	v42 =	vadd.s32 v0, v25  }
0x10b: {  	v23 =	vld [tilespmem:s19+$0x10];
	v49 =	vadd.s32 v0, v30;
	[tilespmem:s17+$0x150] =	vst v14  }
0x10c: {  	[tilespmem:s17+$0x160] =	vst v44;
	v50 =	vadd.s32 v0, v28;
	v22 =	vld.idx.msk [tilespmem:v21+s23+$0x0], $0xffff  }
0x10d: {  	v51 =	vadd.s32 v0, v27;
	v21 =	vld.idx.msk [tilespmem:v48+s23+$0x0], $0xffff  }
0x10e: {  	[tilespmem:s17+$0x1F0] =	vst v11;
	v55 =	vadd.s32 v0, v24;
	v33 =	vld.idx.msk [tilespmem:v52+s23+$0x0], $0xffff  }
0x10f: {  	[tilespmem:s17+$0x190] =	vst v31;
	v57 =	vadd.s32 v0, v29;
	v59 =	vld.idx.msk [tilespmem:v42+s23+$0x0], $0xffff  }
0x110: {  	[tilespmem:s17+$0x1A0] =	vst v32;
	v53 =	vadd.s32 v0, v23;
	v39 =	vld.idx.msk [tilespmem:v49+s23+$0x0], $0xffff  }
0x111: {  	v61 =	vadd.s32 v6, v26;
	[tilespmem:s17+$0x180] =	vst v45;
	v54 =	vld.idx.msk [tilespmem:v50+s23+$0x0], $0xffff  }
0x112: {  	s19 =	simm.s32 $0x6A00;
	v62 =	vadd.s32 v6, v25;
	[tilespmem:s17+$0x1B0] =	vst v46;
	v31 =	vld.idx.msk [tilespmem:v51+s23+$0x0], $0xffff  }
0x113: {  	v58 =	vadd.s32 v6, v28;
	v40 =	vld.idx.msk [tilespmem:v55+s23+$0x0], $0xffff;
	[tilespmem:s19+$0xFFFFFE30] =	vst v33  }
0x114: {  	v56 =	vadd.s32 v6, v30;
	v32 =	vld.idx.msk [tilespmem:v57+s23+$0x0], $0xffff;
	[tilespmem:s19+$0xFFFFFE40] =	vst v59  }
0x115: {  	v60 =	vadd.s32 v6, v27;
	v38 =	vld.idx.msk [tilespmem:v53+s23+$0x0], $0xffff;
	[tilespmem:s19+$0xFFFFFE70] =	vst v39  }
0x116: {  	v10 =	vadd.s32 v6, v29;
	v42 =	vld.idx.msk [tilespmem:v61+s23+$0x0], $0xffff;
	[tilespmem:s19+$0xFFFFFE10] =	vst v54  }
0x117: {  	v63 =	vadd.s32 v6, v23;
	[tilespmem:s19+$0xFFFFFE20] =	vst v31;
	v39 =	vld.idx.msk [tilespmem:v62+s23+$0x0], $0xffff  }
0x118: {  	v11 =	vadd.s32 v6, v24;
	v31 =	vld.idx.msk [tilespmem:v58+s23+$0x0], $0xffff;
	[tilespmem:s19+$0xFFFFFE60] =	vst v40  }
0x119: {  	v14 =	vadd.s32 v7, v26;
	v34 =	vld.idx.msk [tilespmem:v56+s23+$0x0], $0xffff;
	[tilespmem:s19+$0xFFFFFE00] =	vst v32  }
0x11a: {  	v46 =	vadd.s32 v7, v25;
	v37 =	vld.idx.msk [tilespmem:v60+s23+$0x0], $0xffff;
	[tilespmem:s19+$0xFFFFFE50] =	vst v38  }
0x11b: {  	v9 =	vadd.s32 v7, v30;
	v36 =	vld.idx.msk [tilespmem:v10+s23+$0x0], $0xffff;
	[tilespmem:s19+$0xFFFFFEB0] =	vst v42  }
0x11c: {  	v12 =	vadd.s32 v7, v28;
	v35 =	vld.idx.msk [tilespmem:v63+s23+$0x0], $0xffff;
	[tilespmem:s19+$0xFFFFFEC0] =	vst v39  }
0x11d: {  	v13 =	vadd.s32 v7, v27;
	[tilespmem:s19+$0xFFFFFE90] =	vst v31;
	v31 =	vld.idx.msk [tilespmem:v11+s23+$0x0], $0xffff  }
0x11e: {  	v48 =	vadd.s32 v7, v29;
	[tilespmem:s19+$0xFFFFFEF0] =	vst v34;
	v34 =	vld.idx.msk [tilespmem:v14+s23+$0x0], $0xffff  }
0x11f: {  	[tilespmem:s17+$0x1C0] =	vst v47;
	v49 =	vadd.s32 v7, v23;
	v33 =	vld.idx.msk [tilespmem:v46+s23+$0x0], $0xffff  }
0x120: {  	v50 =	vadd.s32 v7, v24;
	[tilespmem:s19+$0xFFFFFEA0] =	vst v37;
	v45 =	vld.idx.msk [tilespmem:v9+s23+$0x0], $0xffff  }
0x121: {  	v54 =	vadd.s32 v16, v26;
	v38 =	vld.idx.msk [tilespmem:v12+s23+$0x0], $0xffff;
	[tilespmem:s19+$0xFFFFFE80] =	vst v36  }
0x122: {  	v47 =	vadd.s32 v16, v30;
	v40 =	vld.idx.msk [tilespmem:v13+s23+$0x0], $0xffff;
	[tilespmem:s19+$0xFFFFFED0] =	vst v35  }
0x123: {  	v51 =	vadd.s32 v16, v28;
	v41 =	vld.idx.msk [tilespmem:v48+s23+$0x0], $0xffff;
	[tilespmem:s19+$0xFFFFFEE0] =	vst v31  }
0x124: {  	v52 =	vadd.s32 v16, v27;
	v31 =	vld.idx.msk [tilespmem:v49+s23+$0x0], $0xffff;
	[tilespmem:s19+$0xFFFFFF30] =	vst v34  }
0x125: {  	v56 =	vadd.s32 v16, v29;
	[tilespmem:s19+$0xFFFFFF40] =	vst v33;
	v39 =	vld.idx.msk [tilespmem:v50+s23+$0x0], $0xffff  }
0x126: {  	v57 =	vadd.s32 v16, v25;
	[tilespmem:s19+$0xFFFFFF70] =	vst v45;
	v37 =	vld.idx.msk [tilespmem:v54+s23+$0x0], $0xffff  }
0x127: {  	v58 =	vadd.s32 v16, v23;
	[tilespmem:s19+$0xFFFFFF10] =	vst v38;
	v53 =	vld.idx.msk [tilespmem:v47+s23+$0x0], $0xffff  }
0x128: {  	v59 =	vadd.s32 v16, v24;
	[tilespmem:s19+$0xFFFFFF20] =	vst v40;
	v35 =	vld.idx.msk [tilespmem:v51+s23+$0x0], $0xffff  }
0x129: {  	v55 =	vadd.s32 v17, v30;
	v32 =	vld.idx.msk [tilespmem:v52+s23+$0x0], $0xffff;
	[tilespmem:s19+$0xFFFFFF00] =	vst v41  }
0x12a: {  	v60 =	vadd.s32 v17, v28;
	v42 =	vld.idx.msk [tilespmem:v56+s23+$0x0], $0xffff;
	[tilespmem:s19+$0xFFFFFF50] =	vst v31  }
0x12b: {  	v61 =	vadd.s32 v17, v27;
	v31 =	vld.idx.msk [tilespmem:v57+s23+$0x0], $0xffff;
	[tilespmem:s19+$0xFFFFFF60] =	vst v39  }
0x12c: {  	v63 =	vadd.s32 v17, v29;
	v34 =	vld.idx.msk [tilespmem:v58+s23+$0x0], $0xffff;
	[tilespmem:s19+$0xFFFFFFB0] =	vst v37  }
0x12d: {  	v9 =	vadd.s32 v17, v26;
	[tilespmem:s19+$0xFFFFFFF0] =	vst v53;
	v10 =	vld.idx.msk [tilespmem:v59+s23+$0x0], $0xffff  }
0x12e: {  	v11 =	vadd.s32 v17, v25;
	[tilespmem:s19+$0xFFFFFF90] =	vst v35;
	v38 =	vld.idx.msk [tilespmem:v55+s23+$0x0], $0xffff  }
0x12f: {  	v12 =	vadd.s32 v17, v23;
	[tilespmem:s19+$0xFFFFFFA0] =	vst v32;
	v36 =	vld.idx.msk [tilespmem:v60+s23+$0x0], $0xffff  }
0x130: {  	v62 =	vadd.s32 v18, v30;
	v41 =	vld.idx.msk [tilespmem:v61+s23+$0x0], $0xffff;
	[tilespmem:s19+$0xFFFFFF80] =	vst v42  }
0x131: {  	v13 =	vadd.s32 v17, v24;
	v40 =	vld.idx.msk [tilespmem:v63+s23+$0x0], $0xffff;
	[tilespmem:s19+$0xFFFFFFC0] =	vst v31  }
0x132: {  	v14 =	vadd.s32 v18, v28;
	v31 =	vld.idx.msk [tilespmem:v9+s23+$0x0], $0xffff;
	[tilespmem:s19+$0xFFFFFFD0] =	vst v34  }
0x133: {  	v46 =	vadd.s32 v18, v29;
	v33 =	vld.idx.msk [tilespmem:v11+s23+$0x0], $0xffff;
	[tilespmem:s19+$0xFFFFFFE0] =	vst v10  }
0x134: {  	v47 =	vadd.s32 v18, v27;
	v48 =	vld.idx.msk [tilespmem:v12+s23+$0x0], $0xffff;
	[tilespmem:s19+$0x70] =	vst v38  }
0x135: {  	v49 =	vadd.s32 v18, v26;
	[tilespmem:s19+$0x10] =	vst v36;
	v39 =	vld.idx.msk [tilespmem:v62+s23+$0x0], $0xffff  }
0x136: {  	v45 =	vadd.s32 v19, v30;
	[tilespmem:s19+$0x20] =	vst v41;
	v38 =	vld.idx.msk [tilespmem:v13+s23+$0x0], $0xffff  }
0x137: {  	v50 =	vadd.s32 v18, v25;
	v42 =	vld.idx.msk [tilespmem:v14+s23+$0x0], $0xffff;
	[tilespmem:s19+$0x0] =	vst v40  }
0x138: {  	v51 =	vadd.s32 v18, v23;
	v35 =	vld.idx.msk [tilespmem:v46+s23+$0x0], $0xffff;
	[tilespmem:s19+$0x30] =	vst v31  }
0x139: {  	v52 =	vadd.s32 v18, v24;
	v31 =	vld.idx.msk [tilespmem:v47+s23+$0x0], $0xffff;
	[tilespmem:s19+$0x40] =	vst v33  }
0x13a: {  	v55 =	vadd.s32 v19, v28;
	v54 =	vld.idx.msk [tilespmem:v49+s23+$0x0], $0xffff;
	[tilespmem:s19+$0xF0] =	vst v39  }
0x13b: {  	v53 =	vadd.s32 v19, v29;
	[tilespmem:s19+$0x50] =	vst v48;
	v34 =	vld.idx.msk [tilespmem:v45+s23+$0x0], $0xffff  }
0x13c: {  	v30 =	vadd.s32 v20, v30;
	v56 =	vld.idx.msk [tilespmem:v50+s23+$0x0], $0xffff;
	[tilespmem:s19+$0x60] =	vst v38  }
0x13d: {  	v57 =	vadd.s32 v19, v27;
	[tilespmem:s19+$0x90] =	vst v42;
	v39 =	vld.idx.msk [tilespmem:v51+s23+$0x0], $0xffff  }
0x13e: {  	v58 =	vadd.s32 v19, v26;
	v40 =	vld.idx.msk [tilespmem:v52+s23+$0x0], $0xffff;
	[tilespmem:s19+$0x80] =	vst v35  }
0x13f: {  	v59 =	vadd.s32 v19, v25;
	[tilespmem:s19+$0xA0] =	vst v31;
	v36 =	vld.idx.msk [tilespmem:v55+s23+$0x0], $0xffff  }
0x140: {  	v60 =	vadd.s32 v19, v23;
	v32 =	vld.idx.msk [tilespmem:v53+s23+$0x0], $0xffff;
	[tilespmem:s19+$0x170] =	vst v34  }
0x141: {  	v31 =	vadd.s32 v19, v24;
	[tilespmem:s19+$0xB0] =	vst v54;
	v30 =	vld.idx.msk [tilespmem:v30+s23+$0x0], $0xffff  }
0x142: {  	v28 =	vadd.s32 v20, v28;
	v38 =	vld.idx.msk [tilespmem:v57+s23+$0x0], $0xffff;
	[tilespmem:s19+$0xC0] =	vst v56  }
0x143: {  	v61 =	vadd.s32 v20, v29;
	v62 =	vld.idx.msk [tilespmem:v58+s23+$0x0], $0xffff;
	[tilespmem:s19+$0xD0] =	vst v39  }
0x144: {  	v63 =	vadd.s32 v20, v27;
	[tilespmem:s19+$0xE0] =	vst v40;
	v34 =	vld.idx.msk [tilespmem:v59+s23+$0x0], $0xffff  }
0x145: {  	v26 =	vadd.s32 v20, v26;
	v35 =	vld.idx.msk [tilespmem:v60+s23+$0x0], $0xffff;
	[tilespmem:s19+$0x110] =	vst v36  }
0x146: {  	v29 =	vld.idx.msk [tilespmem:v31+s23+$0x0], $0xffff;
	[tilespmem:s19+$0x1F0] =	vst v30;
	v30 =	vadd.s32 v20, v25  }
0x147: {  	[tilespmem:s19+$0x100] =	vst v32;
	v28 =	vld.idx.msk [tilespmem:v28+s23+$0x0], $0xffff  }
0x148: {  	[tilespmem:s19+$0x120] =	vst v38;
	v27 =	vld.idx.msk [tilespmem:v61+s23+$0x0], $0xffff  }
0x149: {  	v31 =	vld.idx.msk [tilespmem:v63+s23+$0x0], $0xffff;
	[tilespmem:s19+$0x130] =	vst v62  }
0x14a: {  	v26 =	vld.idx.msk [tilespmem:v26+s23+$0x0], $0xffff;
	[tilespmem:s19+$0x140] =	vst v34  }
0x14b: {  	s11 =	simm.s32 $0x8;
	s16 =	simm.s32 $0x5540;
	v24 =	vadd.s32 v20, v24;
	[tilespmem:s19+$0x150] =	vst v35;
	v25 =	vadd.s32 v20, v23;
	v30 =	vld.idx.msk [tilespmem:v30+s23+$0x0], $0xffff  }
.LBB2_7:
0x14c: {  	v23 =	vld [tilespmem:s16+$0x30];
	s11 =	sadd.s32 $0x8, s11;
	[tilespmem:s19+$0x160] =	vst v29  }
0x14d: {  	v34 =	vld [tilespmem:s16+$0xFFFFFFD0];
	p2 =	slt.u32 s11, $0xF8;
	[tilespmem:s19+$0x180] =	vst v27  }
0x14e: {  	v38 =	vld [tilespmem:s16+$0xFFFFFFE0];
	[tilespmem:s19+$0x190] =	vst v28  }
0x14f: {  	v39 =	vld [tilespmem:s16+$0xFFFFFFF0];
	[tilespmem:s19+$0x1A0] =	vst v31  }
0x150: {  	v40 =	vld [tilespmem:s16+$0x0];
	[tilespmem:s19+$0x1B0] =	vst v26  }
0x151: {  	v41 =	vld [tilespmem:s16+$0x10];
	v26 =	vadd.s32 v0, v23;
	[tilespmem:s19+$0x1C0] =	vst v30  }
0x152: {  	v27 =	vadd.s32 v0, v34;
	v28 =	vadd.s32 v6, v34;
	v30 =	vadd.s32 v7, v34;
	v42 =	vld [tilespmem:s16+$0x20];
	[tilespmem:s17+$0x1D0] =	vst v22  }
0x153: {  	v33 =	vld [tilespmem:s16+$0xFFFFFFC0];
	v29 =	vadd.s32 v0, v38;
	v31 =	vadd.s32 v6, v38;
	v43 =	vadd.s32 v7, v38;
	[tilespmem:s17+$0x1E0] =	vst v21;
	s17 =	smov.u32 s19  }
0x154: {  	v32 =	vadd.s32 v0, v39;
	v35 =	vadd.s32 v6, v39;
	v44 =	vadd.s32 v7, v39;
	v22 =	vld.idx.msk [tilespmem:v25+s23+$0x0], $0xffff  }
0x155: {  	v25 =	vadd.s32 v0, v40;
	v36 =	vadd.s32 v6, v40;
	v45 =	vadd.s32 v7, v40;
	v21 =	vld.idx.msk [tilespmem:v24+s23+$0x0], $0xffff  }
0x156: {  	v24 =	vadd.s32 v0, v41;
	v37 =	vadd.s32 v6, v41;
	v46 =	vadd.s32 v7, v41;
	v26 =	vld.idx.msk [tilespmem:v26+s23+$0x0], $0xffff  }
0x157: {  	v27 =	vld.idx.msk [tilespmem:v27+s23+$0x0], $0xffff;
	v47 =	vadd.s32 v0, v42;
	v48 =	vadd.s32 v6, v42;
	v49 =	vadd.s32 v7, v42  }
0x158: {  	v52 =	vadd.s32 v6, v23;
	v50 =	vadd.s32 v0, v33;
	v51 =	vadd.s32 v6, v33;
	v29 =	vld.idx.msk [tilespmem:v29+s23+$0x0], $0xffff  }
0x159: {  	v55 =	vadd.s32 v16, v34;
	v53 =	vadd.s32 v7, v33;
	v54 =	vadd.s32 v16, v33;
	v32 =	vld.idx.msk [tilespmem:v32+s23+$0x0], $0xffff  }
0x15a: {  	v56 =	vadd.s32 v16, v38;
	v57 =	vadd.s32 v16, v39;
	v58 =	vadd.s32 v16, v40;
	v25 =	vld.idx.msk [tilespmem:v25+s23+$0x0], $0xffff  }
0x15b: {  	s19 =	sadd.s32 $0x400, s19;
	v60 =	vadd.s32 v16, v41;
	v61 =	vadd.s32 v16, v42;
	v59 =	vadd.s32 v17, v33;
	v24 =	vld.idx.msk [tilespmem:v24+s23+$0x0], $0xffff  }
0x15c: {  	v62 =	vadd.s32 v17, v34;
	v63 =	vadd.s32 v17, v38;
	v47 =	vld.idx.msk [tilespmem:v47+s23+$0x0], $0xffff;
	[tilespmem:s19+$0xFFFFFE70] =	vst v26  }
0x15d: {  	v1 =	vadd.s32 v17, v39;
	v2 =	vadd.s32 v17, v40;
	[tilespmem:s19+$0xFFFFFE10] =	vst v27;
	v26 =	vld.idx.msk [tilespmem:v52+s23+$0x0], $0xffff  }
0x15e: {  	v3 =	vadd.s32 v17, v42;
	v52 =	vadd.s32 v17, v41;
	v50 =	vld.idx.msk [tilespmem:v50+s23+$0x0], $0xffff;
	[tilespmem:s19+$0xFFFFFE20] =	vst v29  }
0x15f: {  	v4 =	vadd.s32 v18, v33;
	v28 =	vld.idx.msk [tilespmem:v28+s23+$0x0], $0xffff;
	[tilespmem:s19+$0xFFFFFE30] =	vst v32;
	v32 =	vadd.s32 v7, v23  }
0x160: {  	v10 =	vadd.s32 v18, v34;
	v12 =	vadd.s32 v18, v38;
	v11 =	vld.idx.msk [tilespmem:v31+s23+$0x0], $0xffff;
	[tilespmem:s19+$0xFFFFFE40] =	vst v25  }
0x161: {  	v8 =	vadd.s32 v18, v39;
	v9 =	vadd.s32 v18, v40;
	v25 =	vld.idx.msk [tilespmem:v35+s23+$0x0], $0xffff;
	[tilespmem:s19+$0xFFFFFE50] =	vst v24  }
0x162: {  	v13 =	vadd.s32 v18, v41;
	v24 =	vld.idx.msk [tilespmem:v36+s23+$0x0], $0xffff;
	[tilespmem:s19+$0xFFFFFE60] =	vst v47;
	v47 =	vadd.s32 v18, v42  }
0x163: {  	v27 =	vadd.s32 v19, v34;
	v35 =	vadd.s32 v19, v33;
	v14 =	vld.idx.msk [tilespmem:v37+s23+$0x0], $0xffff;
	[tilespmem:s19+$0xFFFFFEF0] =	vst v26  }
0x164: {  	v29 =	vadd.s32 v19, v39;
	v36 =	vadd.s32 v19, v38;
	[tilespmem:s19+$0xFFFFFE00] =	vst v50;
	v50 =	vld.idx.msk [tilespmem:v32+s23+$0x0], $0xffff  }
0x165: {  	v31 =	vadd.s32 v19, v41;
	v37 =	vadd.s32 v19, v40;
	v51 =	vld.idx.msk [tilespmem:v51+s23+$0x0], $0xffff;
	[tilespmem:s19+$0xFFFFFE90] =	vst v28  }
0x166: {  	v32 =	vadd.s32 v19, v42;
	[tilespmem:s19+$0xFFFFFEA0] =	vst v11;
	v11 =	vld.idx.msk [tilespmem:v48+s23+$0x0], $0xffff;
	v48 =	vadd.s32 v16, v23  }
0x167: {  	v33 =	vadd.s32 v20, v33;
	v28 =	vadd.s32 v20, v34;
	v15 =	vld.idx.msk [tilespmem:v30+s23+$0x0], $0xffff;
	[tilespmem:s19+$0xFFFFFEB0] =	vst v25  }
0x168: {  	v26 =	vadd.s32 v20, v39;
	v34 =	vadd.s32 v20, v38;
	v43 =	vld.idx.msk [tilespmem:v43+s23+$0x0], $0xffff;
	[tilespmem:s19+$0xFFFFFEC0] =	vst v24  }
0x169: {  	v30 =	vadd.s32 v20, v40;
	v25 =	vadd.s32 v20, v41;
	v38 =	vld.idx.msk [tilespmem:v44+s23+$0x0], $0xffff;
	[tilespmem:s19+$0xFFFFFED0] =	vst v14  }
0x16a: {  	v24 =	vadd.s32 v20, v42;
	v14 =	vld.idx.msk [tilespmem:v45+s23+$0x0], $0xffff;
	[tilespmem:s19+$0xFFFFFF70] =	vst v50  }
0x16b: {  	[tilespmem:s19+$0xFFFFFE80] =	vst v51;
	v39 =	vld.idx.msk [tilespmem:v48+s23+$0x0], $0xffff  }
0x16c: {  	v40 =	vld.idx.msk [tilespmem:v53+s23+$0x0], $0xffff;
	[tilespmem:s19+$0xFFFFFEE0] =	vst v11  }
0x16d: {  	[tilespmem:s19+$0xFFFFFF10] =	vst v15;
	v11 =	vld.idx.msk [tilespmem:v46+s23+$0x0], $0xffff;
	v15 =	vadd.s32 v17, v23  }
0x16e: {  	[tilespmem:s19+$0xFFFFFF20] =	vst v43;
	v41 =	vld.idx.msk [tilespmem:v49+s23+$0x0], $0xffff  }
0x16f: {  	v42 =	vld.idx.msk [tilespmem:v55+s23+$0x0], $0xffff;
	[tilespmem:s19+$0xFFFFFF30] =	vst v38  }
0x170: {  	v38 =	vld.idx.msk [tilespmem:v56+s23+$0x0], $0xffff;
	[tilespmem:s19+$0xFFFFFF40] =	vst v14  }
0x171: {  	v14 =	vld.idx.msk [tilespmem:v57+s23+$0x0], $0xffff;
	[tilespmem:s19+$0xFFFFFFF0] =	vst v39  }
0x172: {  	[tilespmem:s19+$0xFFFFFF00] =	vst v40;
	v15 =	vld.idx.msk [tilespmem:v15+s23+$0x0], $0xffff  }
0x173: {  	v39 =	vld.idx.msk [tilespmem:v54+s23+$0x0], $0xffff;
	[tilespmem:s19+$0xFFFFFF50] =	vst v11  }
0x174: {  	v40 =	vadd.s32 v18, v23;
	v11 =	vld.idx.msk [tilespmem:v58+s23+$0x0], $0xffff;
	[tilespmem:s19+$0xFFFFFF60] =	vst v41  }
0x175: {  	[tilespmem:s19+$0xFFFFFF90] =	vst v42;
	v41 =	vld.idx.msk [tilespmem:v60+s23+$0x0], $0xffff  }
0x176: {  	[tilespmem:s19+$0xFFFFFFA0] =	vst v38;
	v38 =	vld.idx.msk [tilespmem:v61+s23+$0x0], $0xffff  }
0x177: {  	v42 =	vld.idx.msk [tilespmem:v62+s23+$0x0], $0xffff;
	[tilespmem:s19+$0xFFFFFFB0] =	vst v14  }
0x178: {  	v14 =	vld.idx.msk [tilespmem:v63+s23+$0x0], $0xffff;
	[tilespmem:s19+$0x70] =	vst v15  }
0x179: {  	[tilespmem:s19+$0xFFFFFF80] =	vst v39;
	v15 =	vld.idx.msk [tilespmem:v40+s23+$0x0], $0xffff  }
0x17a: {  	v39 =	vld.idx.msk [tilespmem:v59+s23+$0x0], $0xffff;
	[tilespmem:s19+$0xFFFFFFC0] =	vst v11  }
0x17b: {  	v11 =	vadd.s32 v19, v23;
	v1 =	vld.idx.msk [tilespmem:v1+s23+$0x0], $0xffff;
	[tilespmem:s19+$0xFFFFFFD0] =	vst v41  }
0x17c: {  	v2 =	vld.idx.msk [tilespmem:v2+s23+$0x0], $0xffff;
	[tilespmem:s19+$0xFFFFFFE0] =	vst v38  }
0x17d: {  	[tilespmem:s19+$0x10] =	vst v42;
	v38 =	vld.idx.msk [tilespmem:v52+s23+$0x0], $0xffff  }
0x17e: {  	[tilespmem:s19+$0x20] =	vst v14;
	v3 =	vld.idx.msk [tilespmem:v3+s23+$0x0], $0xffff  }
0x17f: {  	v10 =	vld.idx.msk [tilespmem:v10+s23+$0x0], $0xffff;
	[tilespmem:s19+$0xF0] =	vst v15  }
0x180: {  	[tilespmem:s19+$0x0] =	vst v39;
	v11 =	vld.idx.msk [tilespmem:v11+s23+$0x0], $0xffff  }
0x181: {  	v4 =	vld.idx.msk [tilespmem:v4+s23+$0x0], $0xffff;
	[tilespmem:s19+$0x30] =	vst v1  }
0x182: {  	v1 =	vld.idx.msk [tilespmem:v12+s23+$0x0], $0xffff;
	[tilespmem:s19+$0x40] =	vst v2;
	v2 =	vadd.s32 v20, v23  }
0x183: {  	v8 =	vld.idx.msk [tilespmem:v8+s23+$0x0], $0xffff;
	[tilespmem:s19+$0x50] =	vst v38  }
0x184: {  	v9 =	vld.idx.msk [tilespmem:v9+s23+$0x0], $0xffff;
	[tilespmem:s19+$0x60] =	vst v3  }
0x185: {  	[tilespmem:s19+$0x90] =	vst v10;
	v3 =	vld.idx.msk [tilespmem:v13+s23+$0x0], $0xffff  }
0x186: {  	v10 =	vld.idx.msk [tilespmem:v47+s23+$0x0], $0xffff;
	[tilespmem:s19+$0x170] =	vst v11  }
0x187: {  	[tilespmem:s19+$0x80] =	vst v4;
	v2 =	vld.idx.msk [tilespmem:v2+s23+$0x0], $0xffff  }
0x188: {  	v4 =	vld.idx.msk [tilespmem:v35+s23+$0x0], $0xffff;
	[tilespmem:s19+$0xA0] =	vst v1  }
0x189: {  	v1 =	vld.idx.msk [tilespmem:v27+s23+$0x0], $0xffff;
	[tilespmem:s19+$0xB0] =	vst v8  }
0x18a: {  	v8 =	vld.idx.msk [tilespmem:v36+s23+$0x0], $0xffff;
	[tilespmem:s19+$0xC0] =	vst v9  }
0x18b: {  	v9 =	vld.idx.msk [tilespmem:v29+s23+$0x0], $0xffff;
	[tilespmem:s19+$0xD0] =	vst v3  }
0x18c: {  	v3 =	vld.idx.msk [tilespmem:v37+s23+$0x0], $0xffff;
	[tilespmem:s19+$0xE0] =	vst v10  }
0x18d: {  	v10 =	vld.idx.msk [tilespmem:v31+s23+$0x0], $0xffff;
	[tilespmem:s19+$0x1F0] =	vst v2  }
0x18e: {  	[tilespmem:s19+$0x100] =	vst v4;
	v29 =	vld.idx.msk [tilespmem:v32+s23+$0x0], $0xffff  }
.Ltmp2:
0x18f: {  	v27 =	vld.idx.msk [tilespmem:v33+s23+$0x0], $0xffff;
	[tilespmem:s19+$0x110] =	vst v1;
	(pc) =	sbr.rel @p2 .LBB2_7-.Ltmp2, $4  }
0x190: {  	v28 =	vld.idx.msk [tilespmem:v28+s23+$0x0], $0xffff;
	[tilespmem:s19+$0x120] =	vst v8  }
0x191: {  	v31 =	vld.idx.msk [tilespmem:v34+s23+$0x0], $0xffff;
	[tilespmem:s19+$0x130] =	vst v9  }
0x192: {  	v26 =	vld.idx.msk [tilespmem:v26+s23+$0x0], $0xffff;
	[tilespmem:s19+$0x140] =	vst v3  }
0x193: {  	s16 =	sadd.s32 $0x80, s16;
	v30 =	vld.idx.msk [tilespmem:v30+s23+$0x0], $0xffff;
	[tilespmem:s19+$0x150] =	vst v10  }
0x194: {  	_ = 	snop  }
0x195: {  	[tilespmem:s19+$0x160] =	vst v29  }
0x196: {  	[tilespmem:s19+$0x180] =	vst v27  }
0x197: {  	[tilespmem:s17+$0x1D0] =	vst v22  }
0x198: {  	v1 =	vld.idx.msk [tilespmem:v25+s23+$0x0], $0xffff;
	[tilespmem:s17+$0x1E0] =	vst v21  }
0x199: {  	[tilespmem:s19+$0x190] =	vst v28;
	v2 =	vld.idx.msk [tilespmem:v24+s23+$0x0], $0xffff  }
0x19a: {  	[tilespmem:s19+$0x1A0] =	vst v31  }
0x19b: {  	s11 =	sshll.u32 s21, $0x10;
	[tilespmem:s19+$0x1B0] =	vst v26  }
0x19c: {  	s11 =	sadd.s32 s9, s11;
	[tilespmem:s19+$0x1C0] =	vst v30  }
0x19d: {  	s11 =	sshrl.u32 s11, $0x7;
	[tilespmem:s19+$0x1D0] =	vst v1  }
0x19e: {  	s16 =	sor.u32 $0x10, s11;
	v1 =	vor.u32 s11, v0;
	[tilespmem:s19+$0x1E0] =	vst v2  }
0x19f: {  	s17 =	sor.u32 $0x20, s11;
	[tilespmem:$0x16500] =	vst v1;
	v1 =	vadd.s32 s16, v0  }
0x1a0: {  	s19 =	sor.u32 $0x30, s11;
	[tilespmem:$0x16510] =	vst v1;
	v1 =	vadd.s32 s17, v0  }
0x1a1: {  	s17 =	sor.u32 $0x40, s11;
	[tilespmem:$0x16520] =	vst v1;
	v1 =	vadd.s32 s19, v0  }
0x1a2: {  	s19 =	sor.u32 $0x50, s11;
	[tilespmem:$0x16530] =	vst v1;
	v1 =	vadd.s32 s17, v0  }
0x1a3: {  	s17 =	sor.u32 $0x60, s11;
	[tilespmem:$0x16540] =	vst v1;
	v1 =	vadd.s32 s19, v0  }
0x1a4: {  	s19 =	sor.u32 $0x70, s11;
	[tilespmem:$0x16550] =	vst v1;
	v1 =	vadd.s32 s17, v0  }
0x1a5: {  	s17 =	sor.u32 $0x80, s11;
	[tilespmem:$0x16560] =	vst v1;
	v1 =	vadd.s32 s19, v0  }
0x1a6: {  	s19 =	sor.u32 $0x90, s11;
	[tilespmem:$0x16570] =	vst v1;
	v1 =	vadd.s32 s17, v0  }
0x1a7: {  	s17 =	sor.u32 $0xA0, s11;
	[tilespmem:$0x16580] =	vst v1;
	v1 =	vadd.s32 s19, v0  }
0x1a8: {  	s19 =	sor.u32 $0xB0, s11;
	[tilespmem:$0x16590] =	vst v1;
	v1 =	vadd.s32 s17, v0  }
0x1a9: {  	s17 =	sor.u32 $0xC0, s11;
	[tilespmem:$0x165A0] =	vst v1;
	v1 =	vadd.s32 s19, v0  }
0x1aa: {  	s19 =	sor.u32 $0xD0, s11;
	[tilespmem:$0x165B0] =	vst v1;
	v1 =	vadd.s32 s17, v0  }
0x1ab: {  	s17 =	sor.u32 $0xE0, s11;
	[tilespmem:$0x165C0] =	vst v1;
	v1 =	vadd.s32 s19, v0  }
0x1ac: {  	s11 =	sor.u32 $0xF0, s11;
	[tilespmem:$0x165D0] =	vst v1;
	v1 =	vadd.s32 s17, v0  }
0x1ad: {  	[tilespmem:$0x165E0] =	vst v1;
	v1 =	vadd.s32 s11, v0  }
0x1ae: {  	[tilespmem:$0x165F0] =	vst v1  }
0x1af: {  	[hbm4b:s6+s24] =	stream.indirect.scatter [tilespmem:s26], [sflag:$0x3], $0x80, s25, s24, $0xb8;
	[tilespmem:$0x16700] =	vst v63  }
0x1b0: {  	_ = 	snop  }
0x1b1: {  	[hbm4b:s6+s24] =	stream.indirect.scatter [tilespmem:s29], [sflag:$0x3], $0x80, s28, s24, $0xb8;
	[tilespmem:$0x16700] =	vst v63  }
0x1b2: {  	_ =	swait.ge [sflag:s30], $0x1000  }
0x1b3: {  	[sflag:s30] =	ssyncset.done $0x0  }
0x1b4: {  	[sflag:s30] =	ssyncadd.s32 $0xFFFFF000  }
0x1b5: {  	_ =	swait.ge [sflag:s30], $0x1000  }
0x1b6: {  	[sflag:s30] =	ssyncset.done $0x0  }
0x1b7: {  	s19 =	simm.s32 $0x1040;
	[sflag:s30] =	ssyncadd.s32 $0xFFFFF000  }
0x1b8: {  	v1 =	vld [tilespmem:s19+$0x30]  }
0x1b9: {  	s16 =	simm.s32 $0x3040;
	v2 =	vld [tilespmem:s19+$0xFFFFFFD0]  }
0x1ba: {  	v3 =	vld [tilespmem:s16+$0x30]  }
0x1bb: {  	v4 =	vld [tilespmem:s19+$0xFFFFFFE0]  }
0x1bc: {  	v8 =	vld [tilespmem:s19+$0xFFFFFFF0]  }
0x1bd: {  	v9 =	vld [tilespmem:s19+$0x0]  }
0x1be: {  	v10 =	vld [tilespmem:s19+$0x10]  }
0x1bf: {  	v11 =	vld [tilespmem:s19+$0x20]  }
0x1c0: {  	v12 =	vld [tilespmem:s19+$0xFFFFFFC0]  }
0x1c1: {  	v13 =	vld [tilespmem:s16+$0xFFFFFFC0]  }
0x1c2: {  	v14 =	vld [tilespmem:s16+$0xFFFFFFD0]  }
0x1c3: {  	v30 =	vld [tilespmem:s16+$0xFFFFFFE0];
	v1 =	vmul.u32 $0x7, v1  }
0x1c4: {  	v28 =	vld [tilespmem:s16+$0xFFFFFFF0];
	v2 =	vmul.u32 $0x7, v2;
	v24 =	vmul.u32 $0x7, v4  }
0x1c5: {  	v27 =	vld [tilespmem:s16+$0x0];
	v25 =	vmul.u32 $0x7, v8;
	v1 =	vadd.s32 v3, v1;
	v3 =	vmul.u32 $0x7, v12  }
0x1c6: {  	s11 =	simm.s32 $0x5440;
	v26 =	vld [tilespmem:s16+$0x10];
	v23 =	vmul.u32 $0x7, v9;
	v22 =	vmul.u32 $0x7, v10;
	v1 =	vshll.u32 v1, $0x7  }
0x1c7: {  	s17 =	simm.s32 $0x0;
	v29 =	vld [tilespmem:s16+$0x20];
	s19 =	simm.s32 $0x10C0;
	v21 =	vmul.u32 $0x7, v11;
	v32 =	vadd.s32 v14, v2;
	[tilespmem:s11+$0x30] =	vst v1;
	v31 =	vadd.s32 v13, v3  }
.LBB2_9:
0x1c8: {  	v1 =	vld [tilespmem:s19+$0x30];
	s17 =	sadd.s32 $0x8, s17;
	v2 =	vshll.u32 v31, $0x7;
	v3 =	vshll.u32 v32, $0x7;
	v4 =	vadd.s32 v30, v24  }
0x1c9: {  	s16 =	sadd.s32 $0x80, s16;
	v8 =	vld [tilespmem:s19+$0xFFFFFFD0];
	p2 =	slt.u32 s17, $0xF8;
	[tilespmem:s11+$0xFFFFFFC0] =	vst v2;
	v2 =	vshll.u32 v4, $0x7;
	v4 =	vadd.s32 v28, v25  }
0x1ca: {  	v9 =	vld [tilespmem:s16+$0x30];
	[tilespmem:s11+$0xFFFFFFD0] =	vst v3;
	v3 =	vshll.u32 v4, $0x7;
	v4 =	vadd.s32 v27, v23  }
0x1cb: {  	v10 =	vld [tilespmem:s19+$0xFFFFFFE0];
	[tilespmem:s11+$0xFFFFFFE0] =	vst v2;
	v2 =	vshll.u32 v4, $0x7;
	v4 =	vadd.s32 v26, v22  }
0x1cc: {  	v11 =	vld [tilespmem:s19+$0xFFFFFFF0];
	[tilespmem:s11+$0xFFFFFFF0] =	vst v3;
	v3 =	vshll.u32 v4, $0x7;
	v4 =	vadd.s32 v29, v21  }
0x1cd: {  	v12 =	vld [tilespmem:s19+$0x0];
	v1 =	vmul.u32 $0x7, v1;
	[tilespmem:s11+$0x0] =	vst v2;
	v2 =	vshll.u32 v4, $0x7  }
0x1ce: {  	v4 =	vmul.u32 $0x7, v8;
	v8 =	vld [tilespmem:s19+$0x10];
	[tilespmem:s11+$0x10] =	vst v3  }
0x1cf: {  	v3 =	vld [tilespmem:s19+$0x20];
	v1 =	vadd.s32 v9, v1;
	[tilespmem:s11+$0x20] =	vst v2  }
0x1d0: {  	s11 =	sadd.s32 $0x80, s11;
	v2 =	vld [tilespmem:s19+$0xFFFFFFC0];
	v24 =	vmul.u32 $0x7, v10;
	v1 =	vshll.u32 v1, $0x7  }
0x1d1: {  	v9 =	vld [tilespmem:s16+$0xFFFFFFC0];
	v25 =	vmul.u32 $0x7, v11;
	[tilespmem:s11+$0x30] =	vst v1  }
0x1d2: {  	v1 =	vld [tilespmem:s16+$0xFFFFFFD0];
	v23 =	vmul.u32 $0x7, v12  }
.Ltmp3:
0x1d3: {  	v30 =	vld [tilespmem:s16+$0xFFFFFFE0];
	v22 =	vmul.u32 $0x7, v8;
	(pc) =	sbr.rel @p2 .LBB2_9-.Ltmp3, $4  }
0x1d4: {  	v28 =	vld [tilespmem:s16+$0xFFFFFFF0];
	v21 =	vmul.u32 $0x7, v3  }
0x1d5: {  	v2 =	vmul.u32 $0x7, v2;
	v27 =	vld [tilespmem:s16+$0x0]  }
0x1d6: {  	v26 =	vld [tilespmem:s16+$0x10]  }
0x1d7: {  	s19 =	sadd.s32 $0x80, s19;
	v31 =	vadd.s32 v9, v2;
	v32 =	vadd.s32 v1, v4;
	v29 =	vld [tilespmem:s16+$0x20]  }
0x1d8: {  	v1 =	vshll.u32 v31, $0x7  }
0x1d9: {  	v2 =	vshll.u32 v32, $0x7;
	v3 =	vadd.s32 v30, v24;
	[tilespmem:s11+$0xFFFFFFC0] =	vst v1  }
0x1da: {  	v1 =	vshll.u32 v3, $0x7;
	v3 =	vadd.s32 v28, v25;
	[tilespmem:s11+$0xFFFFFFD0] =	vst v2  }
0x1db: {  	v2 =	vshll.u32 v3, $0x7;
	v3 =	vadd.s32 v27, v23;
	[tilespmem:s11+$0xFFFFFFE0] =	vst v1  }
0x1dc: {  	v1 =	vshll.u32 v3, $0x7;
	v3 =	vadd.s32 v26, v22;
	[tilespmem:s11+$0xFFFFFFF0] =	vst v2  }
0x1dd: {  	s12 =	sadd.s32 @!p0 s12, s10;
	v2 =	vshll.u32 v3, $0x7;
	v3 =	vadd.s32 v29, v21;
	[tilespmem:s11+$0x0] =	vst v1  }
0x1de: {  	s12 =	sshrl.u32 @!p0 s12, $0x7;
	v1 =	vshll.u32 v3, $0x7;
	[tilespmem:s11+$0x10] =	vst v2;
	v2 =	vlaneseq.u32 @!p0  }
0x1df: {  	[tilespmem:s11+$0x20] =	vst v1;
	v1 =	vor.u32 @!p0 s12, v2;
	s11 =	sor.u32 @!p0 $0x10, s12  }
0x1e0: {  	[tilespmem:$0x16480] =	vst @!p0 v1;
	v1 =	vor.u32 @!p0 s11, v2  }
0x1e1: {  	s16 =	simm.s32 @!p0 $0x1000;
	s12 =	simm.s32 @!p0 $0x16480;
	s11 =	simm.s32 @!p0 $0x20;
	[tilespmem:$0x16490] =	vst @!p0 v1  }
0x1e2: {  	[tilespmem:s16], [sflag:$0x2] =	stream.indirect.gather @!p0 [hbm4b:s0+s11], $0x80, s12, s11, $0xb8;
	[tilespmem:$0x16700] =	vst v63  }
0x1e3: {  	s16 =	simm.s32 @!p0 $0x3000  }
0x1e4: {  	[tilespmem:s16], [sflag:$0x2] =	stream.indirect.gather @!p0 [hbm4b:s1+s11], $0x80, s12, s11, $0xb8;
	[tilespmem:$0x16700] =	vst v63  }
0x1e5: {  	_ =	swait.ge @p1 [sflag:s18], $0x4000  }
0x1e6: {  	[sflag:s18] =	ssyncset.done @p1 $0x0  }
0x1e7: {  	[sflag:s18] =	ssyncadd.s32 @p1 $0xFFFFC000  }
0x1e8: {  	_ =	swait.ge @p1 [sflag:s18], $0x4000  }
0x1e9: {  	[sflag:s18] =	ssyncset.done @p1 $0x0  }
0x1ea: {  	s17 =	simm.s32 $0x5440;
	[sflag:s18] =	ssyncadd.s32 @p1 $0xFFFFC000  }
0x1eb: {  	v28 =	vld [tilespmem:s17+$0x30]  }
0x1ec: {  	v26 =	vld [tilespmem:s17+$0xFFFFFFD0]  }
0x1ed: {  	v25 =	vld [tilespmem:s17+$0xFFFFFFE0]  }
0x1ee: {  	v24 =	vld [tilespmem:s17+$0xFFFFFFF0]  }
0x1ef: {  	v23 =	vld [tilespmem:s17+$0x0]  }
0x1f0: {  	v21 =	vld [tilespmem:s17+$0x10];
	v1 =	vadd.s32 v0, v28  }
0x1f1: {  	v22 =	vld [tilespmem:s17+$0x20];
	v2 =	vadd.s32 v0, v26  }
0x1f2: {  	v27 =	vld [tilespmem:s17+$0xFFFFFFC0];
	v3 =	vadd.s32 v0, v25  }
0x1f3: {  	s19 =	simm.s32 $0x54C0;
	v4 =	vadd.s32 v0, v24  }
0x1f4: {  	v30 =	vld [tilespmem:s19+$0x30];
	v8 =	vadd.s32 v0, v23  }
0x1f5: {  	v9 =	vadd.s32 v0, v21;
	v1 =	vld.idx.msk [tilespmem:v1+s23+$0x0], $0xffff  }
0x1f6: {  	v10 =	vadd.s32 v0, v22;
	v2 =	vld.idx.msk [tilespmem:v2+s23+$0x0], $0xffff  }
0x1f7: {  	v12 =	vadd.s32 v0, v27;
	v3 =	vld.idx.msk [tilespmem:v3+s23+$0x0], $0xffff  }
0x1f8: {  	v11 =	vadd.s32 v6, v28;
	v4 =	vld.idx.msk [tilespmem:v4+s23+$0x0], $0xffff  }
0x1f9: {  	v13 =	vadd.s32 v6, v26;
	v8 =	vld.idx.msk [tilespmem:v8+s23+$0x0], $0xffff  }
0x1fa: {  	s12 =	simm.s32 $0xE600;
	v14 =	vadd.s32 v6, v25;
	v9 =	vld.idx.msk [tilespmem:v9+s23+$0x0], $0xffff  }
0x1fb: {  	v15 =	vadd.s32 v6, v24;
	v10 =	vld.idx.msk [tilespmem:v10+s23+$0x0], $0xffff;
	[tilespmem:s12+$0xFFFFFE70] =	vst v1  }
0x1fc: {  	v29 =	vadd.s32 v6, v21;
	[tilespmem:s12+$0xFFFFFE10] =	vst v2;
	v2 =	vld.idx.msk [tilespmem:v12+s23+$0x0], $0xffff  }
0x1fd: {  	v1 =	vadd.s32 v6, v23;
	[tilespmem:s12+$0xFFFFFE20] =	vst v3;
	v11 =	vld.idx.msk [tilespmem:v11+s23+$0x0], $0xffff  }
0x1fe: {  	v49 =	vadd.s32 v6, v27;
	[tilespmem:s12+$0xFFFFFE30] =	vst v4;
	v3 =	vld.idx.msk [tilespmem:v13+s23+$0x0], $0xffff  }
0x1ff: {  	v50 =	vadd.s32 v6, v22;
	[tilespmem:s12+$0xFFFFFE40] =	vst v8;
	v4 =	vld.idx.msk [tilespmem:v14+s23+$0x0], $0xffff  }
0x200: {  	v48 =	vadd.s32 v7, v28;
	[tilespmem:s12+$0xFFFFFE50] =	vst v9;
	v8 =	vld.idx.msk [tilespmem:v15+s23+$0x0], $0xffff  }
0x201: {  	[tilespmem:s12+$0xFFFFFE60] =	vst v10;
	v15 =	vadd.s32 v7, v26;
	v29 =	vld.idx.msk [tilespmem:v29+s23+$0x0], $0xffff  }
0x202: {  	v51 =	vadd.s32 v7, v25;
	v1 =	vld.idx.msk [tilespmem:v1+s23+$0x0], $0xffff;
	[tilespmem:s12+$0xFFFFFE00] =	vst v2  }
0x203: {  	[tilespmem:s12+$0xFFFFFEF0] =	vst v11;
	v54 =	vld.idx.msk [tilespmem:v49+s23+$0x0], $0xffff  }
0x204: {  	v52 =	vadd.s32 v7, v24;
	[tilespmem:s12+$0xFFFFFE90] =	vst v3;
	v3 =	vld.idx.msk [tilespmem:v50+s23+$0x0], $0xffff  }
0x205: {  	v53 =	vadd.s32 v7, v23;
	v2 =	vld.idx.msk [tilespmem:v48+s23+$0x0], $0xffff  }
0x206: {  	v56 =	vadd.s32 v7, v27;
	v58 =	vadd.s32 v16, v26;
	[tilespmem:s12+$0xFFFFFEA0] =	vst v4;
	v4 =	vld.idx.msk [tilespmem:v15+s23+$0x0], $0xffff  }
0x207: {  	v63 =	vadd.s32 v17, v26;
	v38 =	vadd.s32 v18, v26;
	[tilespmem:s12+$0xFFFFFEB0] =	vst v8;
	v8 =	vld.idx.msk [tilespmem:v51+s23+$0x0], $0xffff  }
0x208: {  	v45 =	vadd.s32 v19, v26;
	v15 =	vadd.s32 v7, v21;
	v51 =	vadd.s32 v20, v26;
	v26 =	vld [tilespmem:s19+$0xFFFFFFF0]  }
0x209: {  	v55 =	vadd.s32 v16, v28;
	v57 =	vadd.s32 v7, v22;
	[tilespmem:s12+$0xFFFFFEC0] =	vst v1;
	v1 =	vld.idx.msk [tilespmem:v52+s23+$0x0], $0xffff  }
0x20a: {  	v60 =	vadd.s32 v16, v24;
	v35 =	vadd.s32 v17, v24;
	[tilespmem:s12+$0xFFFFFED0] =	vst v29;
	v12 =	vld.idx.msk [tilespmem:v53+s23+$0x0], $0xffff  }
0x20b: {  	v41 =	vadd.s32 v18, v24;
	v47 =	vadd.s32 v19, v24;
	[tilespmem:s12+$0xFFFFFE80] =	vst v54;
	v53 =	vadd.s32 v20, v24;
	v24 =	vld [tilespmem:s19+$0x20]  }
0x20c: {  	[tilespmem:s12+$0xFFFFFEE0] =	vst v3;
	v14 =	vld.idx.msk [tilespmem:v56+s23+$0x0], $0xffff  }
0x20d: {  	[tilespmem:s12+$0xFFFFFF70] =	vst v2;
	v2 =	vadd.s32 v16, v25;
	v3 =	vld.idx.msk [tilespmem:v15+s23+$0x0], $0xffff  }
0x20e: {  	v61 =	vadd.s32 v16, v23;
	[tilespmem:s12+$0xFFFFFF10] =	vst v4;
	v4 =	vld.idx.msk [tilespmem:v57+s23+$0x0], $0xffff  }
0x20f: {  	v29 =	vadd.s32 v16, v27;
	[tilespmem:s12+$0xFFFFFF20] =	vst v8;
	v59 =	vld.idx.msk [tilespmem:v55+s23+$0x0], $0xffff  }
0x210: {  	v62 =	vadd.s32 v16, v21;
	v8 =	vld.idx.msk [tilespmem:v58+s23+$0x0], $0xffff;
	[tilespmem:s12+$0xFFFFFF30] =	vst v1  }
0x211: {  	v58 =	vadd.s32 v0, v30;
	v13 =	vld.idx.msk [tilespmem:v60+s23+$0x0], $0xffff;
	[tilespmem:s12+$0xFFFFFF40] =	vst v12  }
0x212: {  	v15 =	vadd.s32 v17, v28;
	v1 =	vld.idx.msk [tilespmem:v2+s23+$0x0], $0xffff;
	[tilespmem:s12+$0xFFFFFF00] =	vst v14  }
0x213: {  	v2 =	vadd.s32 v16, v22;
	[tilespmem:s12+$0xFFFFFF50] =	vst v3;
	v3 =	vld.idx.msk [tilespmem:v61+s23+$0x0], $0xffff  }
0x214: {  	[tilespmem:s12+$0xFFFFFF60] =	vst v4;
	v33 =	vld.idx.msk [tilespmem:v29+s23+$0x0], $0xffff  }
0x215: {  	[tilespmem:s12+$0xFFFFFFF0] =	vst v59;
	v4 =	vld.idx.msk [tilespmem:v62+s23+$0x0], $0xffff  }
0x216: {  	[tilespmem:s12+$0xFFFFFF90] =	vst v8;
	v8 =	vadd.s32 v17, v23;
	v62 =	vld.idx.msk [tilespmem:v58+s23+$0x0], $0xffff  }
0x217: {  	v32 =	vld.idx.msk [tilespmem:v15+s23+$0x0], $0xffff  }
0x218: {  	v15 =	vadd.s32 v17, v25;
	[tilespmem:s12+$0xFFFFFFB0] =	vst v13;
	v2 =	vld.idx.msk [tilespmem:v2+s23+$0x0], $0xffff  }
0x219: {  	v29 =	vadd.s32 v17, v27;
	[tilespmem:s12+$0xFFFFFFA0] =	vst v1;
	v1 =	vld.idx.msk [tilespmem:v63+s23+$0x0], $0xffff  }
0x21a: {  	v34 =	vadd.s32 v18, v28;
	[tilespmem:s12+$0xFFFFFFC0] =	vst v3;
	v3 =	vld.idx.msk [tilespmem:v35+s23+$0x0], $0xffff  }
0x21b: {  	v36 =	vadd.s32 v17, v21;
	v37 =	vadd.s32 v17, v22;
	[tilespmem:s12+$0xFFFFFFD0] =	vst v4;
	v4 =	vld.idx.msk [tilespmem:v8+s23+$0x0], $0xffff  }
0x21c: {  	v46 =	vadd.s32 v19, v25;
	v52 =	vadd.s32 v20, v25;
	v8 =	vadd.s32 v18, v25;
	v25 =	vld [tilespmem:s19+$0x0]  }
0x21d: {  	[tilespmem:s12+$0xFFFFFF80] =	vst v33;
	v15 =	vld.idx.msk [tilespmem:v15+s23+$0x0], $0xffff  }
0x21e: {  	s17 =	simm.s32 $0xEA00;
	[tilespmem:s12+$0x70] =	vst v32;
	v39 =	vld.idx.msk [tilespmem:v29+s23+$0x0], $0xffff  }
0x21f: {  	v33 =	vadd.s32 v6, v30;
	[tilespmem:s17+$0xFFFFFE70] =	vst v62;
	v9 =	vld.idx.msk [tilespmem:v34+s23+$0x0], $0xffff  }
0x220: {  	v32 =	vadd.s32 v0, v24;
	[tilespmem:s12+$0xFFFFFFE0] =	vst v2;
	v2 =	vld.idx.msk [tilespmem:v36+s23+$0x0], $0xffff  }
0x221: {  	v29 =	vadd.s32 v18, v27;
	[tilespmem:s12+$0x10] =	vst v1;
	v1 =	vld.idx.msk [tilespmem:v37+s23+$0x0], $0xffff  }
0x222: {  	[tilespmem:s12+$0x30] =	vst v3;
	v12 =	vld.idx.msk [tilespmem:v38+s23+$0x0], $0xffff  }
0x223: {  	[tilespmem:s12+$0x40] =	vst v4;
	v4 =	vld.idx.msk [tilespmem:v41+s23+$0x0], $0xffff  }
0x224: {  	v35 =	vld.idx.msk [tilespmem:v33+s23+$0x0], $0xffff  }
0x225: {  	v40 =	vadd.s32 v19, v28;
	[tilespmem:s12+$0x0] =	vst v39;
	v14 =	vld.idx.msk [tilespmem:v32+s23+$0x0], $0xffff  }
0x226: {  	v42 =	vadd.s32 v18, v23;
	[tilespmem:s12+$0x20] =	vst v15;
	v15 =	vld.idx.msk [tilespmem:v29+s23+$0x0], $0xffff  }
0x227: {  	v43 =	vadd.s32 v18, v21;
	v50 =	vadd.s32 v20, v27;
	v3 =	vld.idx.msk [tilespmem:v8+s23+$0x0], $0xffff  }
0x228: {  	v60 =	vadd.s32 v0, v26;
	v8 =	vadd.s32 v20, v28;
	v28 =	vadd.s32 v19, v27;
	v27 =	vld [tilespmem:s19+$0xFFFFFFE0]  }
0x229: {  	v61 =	vadd.s32 v0, v25;
	[tilespmem:s12+$0xF0] =	vst v9;
	v29 =	vld [tilespmem:s19+$0xFFFFFFC0]  }
0x22a: {  	v44 =	vadd.s32 v18, v22;
	v11 =	vld.idx.msk [tilespmem:v40+s23+$0x0], $0xffff  }
0x22b: {  	[tilespmem:s12+$0x50] =	vst v2;
	v2 =	vld.idx.msk [tilespmem:v42+s23+$0x0], $0xffff  }
0x22c: {  	[tilespmem:s12+$0x60] =	vst v1;
	v1 =	vld.idx.msk [tilespmem:v43+s23+$0x0], $0xffff  }
0x22d: {  	[tilespmem:s12+$0x90] =	vst v12;
	v12 =	vld.idx.msk [tilespmem:v60+s23+$0x0], $0xffff  }
0x22e: {  	[tilespmem:s12+$0xB0] =	vst v4;
	v9 =	vld.idx.msk [tilespmem:v61+s23+$0x0], $0xffff  }
0x22f: {  	v48 =	vadd.s32 v19, v23;
	v13 =	vld.idx.msk [tilespmem:v44+s23+$0x0], $0xffff;
	[tilespmem:s12+$0x80] =	vst v15  }
0x230: {  	v15 =	vadd.s32 v19, v21;
	[tilespmem:s12+$0xA0] =	vst v3;
	v3 =	vld.idx.msk [tilespmem:v45+s23+$0x0], $0xffff  }
0x231: {  	[tilespmem:s17+$0xFFFFFEF0] =	vst v35;
	v49 =	vld.idx.msk [tilespmem:v28+s23+$0x0], $0xffff  }
0x232: {  	[tilespmem:s12+$0x170] =	vst v11;
	v28 =	vadd.s32 v19, v22;
	v4 =	vld.idx.msk [tilespmem:v46+s23+$0x0], $0xffff  }
0x233: {  	v8 =	vld.idx.msk [tilespmem:v8+s23+$0x0], $0xffff;
	[tilespmem:s12+$0xC0] =	vst v2  }
0x234: {  	[tilespmem:s12+$0xD0] =	vst v1;
	v1 =	vld.idx.msk [tilespmem:v48+s23+$0x0], $0xffff  }
0x235: {  	[tilespmem:s17+$0xFFFFFE60] =	vst v14;
	v54 =	vld.idx.msk [tilespmem:v15+s23+$0x0], $0xffff  }
0x236: {  	[tilespmem:s12+$0xE0] =	vst v13;
	v15 =	vadd.s32 v20, v23;
	v23 =	vld [tilespmem:s19+$0x10]  }
0x237: {  	[tilespmem:s17+$0xFFFFFE30] =	vst v12;
	v55 =	vld.idx.msk [tilespmem:v28+s23+$0x0], $0xffff  }
0x238: {  	v34 =	vadd.s32 v6, v25;
	[tilespmem:s17+$0xFFFFFE40] =	vst v9;
	v28 =	vld [tilespmem:s19+$0xFFFFFFD0]  }
0x239: {  	v2 =	vld.idx.msk [tilespmem:v47+s23+$0x0], $0xffff;
	[tilespmem:s12+$0x110] =	vst v3  }
0x23a: {  	v59 =	vadd.s32 v0, v27;
	v3 =	vld.idx.msk [tilespmem:v51+s23+$0x0], $0xffff;
	[tilespmem:s12+$0x120] =	vst v4  }
0x23b: {  	v4 =	vld.idx.msk [tilespmem:v52+s23+$0x0], $0xffff;
	[tilespmem:s12+$0x140] =	vst v1  }
0x23c: {  	[tilespmem:s12+$0x1F0] =	vst v8;
	v1 =	vld.idx.msk [tilespmem:v15+s23+$0x0], $0xffff;
	v8 =	vadd.s32 v0, v23  }
0x23d: {  	v11 =	vld.idx.msk [tilespmem:v34+s23+$0x0], $0xffff;
	[tilespmem:s12+$0x100] =	vst v49;
	v15 =	vadd.s32 v0, v28  }
0x23e: {  	v56 =	vadd.s32 v20, v21;
	v10 =	vld.idx.msk [tilespmem:v50+s23+$0x0], $0xffff;
	[tilespmem:s12+$0x130] =	vst v2  }
0x23f: {  	v57 =	vadd.s32 v20, v22;
	[tilespmem:s12+$0x190] =	vst v3;
	v3 =	vld.idx.msk [tilespmem:v59+s23+$0x0], $0xffff  }
0x240: {  	v2 =	vld.idx.msk [tilespmem:v53+s23+$0x0], $0xffff;
	[tilespmem:s12+$0x1A0] =	vst v4;
	v4 =	vadd.s32 v0, v29  }
0x241: {  	[tilespmem:s12+$0x1C0] =	vst v1;
	v1 =	vadd.s32 v6, v27;
	v8 =	vld.idx.msk [tilespmem:v8+s23+$0x0], $0xffff  }
0x242: {  	[tilespmem:s12+$0x150] =	vst v54;
	v63 =	vld.idx.msk [tilespmem:v15+s23+$0x0], $0xffff;
	v15 =	vadd.s32 v6, v26  }
0x243: {  	v36 =	vadd.s32 v6, v23;
	[tilespmem:s12+$0x160] =	vst v55;
	v21 =	vld.idx.msk [tilespmem:v56+s23+$0x0], $0xffff  }
0x244: {  	v22 =	vld.idx.msk [tilespmem:v57+s23+$0x0], $0xffff;
	[tilespmem:s17+$0xFFFFFE20] =	vst v3;
	v3 =	vadd.s32 v7, v30  }
0x245: {  	[tilespmem:s12+$0x1B0] =	vst v2;
	v2 =	vadd.s32 v6, v28;
	v4 =	vld.idx.msk [tilespmem:v4+s23+$0x0], $0xffff  }
0x246: {  	v37 =	vadd.s32 v6, v29;
	[tilespmem:s17+$0xFFFFFEC0] =	vst v11;
	v1 =	vld.idx.msk [tilespmem:v1+s23+$0x0], $0xffff  }
0x247: {  	v38 =	vadd.s32 v6, v24;
	[tilespmem:s17+$0xFFFFFE50] =	vst v8;
	v15 =	vld.idx.msk [tilespmem:v15+s23+$0x0], $0xffff  }
0x248: {  	v39 =	vadd.s32 v7, v27;
	[tilespmem:s12+$0x180] =	vst v10;
	v13 =	vld.idx.msk [tilespmem:v36+s23+$0x0], $0xffff  }
0x249: {  	v40 =	vadd.s32 v7, v26;
	[tilespmem:s17+$0xFFFFFE10] =	vst v63;
	v3 =	vld.idx.msk [tilespmem:v3+s23+$0x0], $0xffff  }
0x24a: {  	v2 =	vld.idx.msk [tilespmem:v2+s23+$0x0], $0xffff;
	[tilespmem:s17+$0xFFFFFE00] =	vst v4;
	v4 =	vadd.s32 v7, v25  }
0x24b: {  	v8 =	vadd.s32 v7, v28;
	v12 =	vld.idx.msk [tilespmem:v37+s23+$0x0], $0xffff;
	[tilespmem:s17+$0xFFFFFEA0] =	vst v1  }
0x24c: {  	v41 =	vadd.s32 v7, v29;
	v1 =	vld.idx.msk [tilespmem:v38+s23+$0x0], $0xffff;
	[tilespmem:s17+$0xFFFFFEB0] =	vst v15  }
0x24d: {  	v15 =	vadd.s32 v7, v23;
	v14 =	vld.idx.msk [tilespmem:v39+s23+$0x0], $0xffff;
	[tilespmem:s17+$0xFFFFFED0] =	vst v13  }
0x24e: {  	v42 =	vadd.s32 v7, v24;
	[tilespmem:s17+$0xFFFFFF70] =	vst v3;
	v10 =	vld.idx.msk [tilespmem:v40+s23+$0x0], $0xffff  }
0x24f: {  	[tilespmem:s17+$0xFFFFFE90] =	vst v2;
	v2 =	vadd.s32 v16, v30;
	v4 =	vld.idx.msk [tilespmem:v4+s23+$0x0], $0xffff  }
0x250: {  	v3 =	vadd.s32 v16, v27;
	v8 =	vld.idx.msk [tilespmem:v8+s23+$0x0], $0xffff;
	[tilespmem:s17+$0xFFFFFE80] =	vst v12  }
0x251: {  	v44 =	vadd.s32 v16, v26;
	v9 =	vld.idx.msk [tilespmem:v41+s23+$0x0], $0xffff;
	[tilespmem:s17+$0xFFFFFEE0] =	vst v1  }
0x252: {  	v43 =	vadd.s32 v16, v28;
	v1 =	vld.idx.msk [tilespmem:v15+s23+$0x0], $0xffff;
	[tilespmem:s17+$0xFFFFFF20] =	vst v14  }
0x253: {  	v15 =	vadd.s32 v16, v29;
	v11 =	vld.idx.msk [tilespmem:v42+s23+$0x0], $0xffff;
	[tilespmem:s17+$0xFFFFFF30] =	vst v10  }
0x254: {  	v45 =	vadd.s32 v16, v25;
	v2 =	vld.idx.msk [tilespmem:v2+s23+$0x0], $0xffff;
	[tilespmem:s17+$0xFFFFFF40] =	vst v4  }
0x255: {  	v3 =	vld.idx.msk [tilespmem:v3+s23+$0x0], $0xffff;
	v4 =	vadd.s32 v16, v24;
	[tilespmem:s17+$0xFFFFFF10] =	vst v8  }
0x256: {  	v8 =	vadd.s32 v17, v30;
	v12 =	vld.idx.msk [tilespmem:v44+s23+$0x0], $0xffff;
	[tilespmem:s17+$0xFFFFFF00] =	vst v9  }
0x257: {  	v46 =	vadd.s32 v16, v23;
	v13 =	vld.idx.msk [tilespmem:v43+s23+$0x0], $0xffff;
	[tilespmem:s17+$0xFFFFFF50] =	vst v1  }
0x258: {  	v47 =	vadd.s32 v17, v27;
	v15 =	vld.idx.msk [tilespmem:v15+s23+$0x0], $0xffff;
	[tilespmem:s17+$0xFFFFFF60] =	vst v11  }
0x259: {  	v1 =	vld.idx.msk [tilespmem:v45+s23+$0x0], $0xffff;
	[tilespmem:s17+$0xFFFFFFF0] =	vst v2;
	v2 =	vadd.s32 v17, v28  }
0x25a: {  	v50 =	vadd.s32 v17, v26;
	[tilespmem:s17+$0xFFFFFFA0] =	vst v3;
	v3 =	vld.idx.msk [tilespmem:v4+s23+$0x0], $0xffff  }
0x25b: {  	v49 =	vadd.s32 v17, v29;
	v8 =	vld.idx.msk [tilespmem:v8+s23+$0x0], $0xffff;
	[tilespmem:s17+$0xFFFFFFB0] =	vst v12  }
0x25c: {  	v10 =	vld.idx.msk [tilespmem:v46+s23+$0x0], $0xffff;
	v4 =	vadd.s32 v17, v25;
	[tilespmem:s17+$0xFFFFFF90] =	vst v13  }
0x25d: {  	v48 =	vadd.s32 v18, v30;
	v9 =	vld.idx.msk [tilespmem:v47+s23+$0x0], $0xffff;
	[tilespmem:s17+$0xFFFFFF80] =	vst v15  }
0x25e: {  	v51 =	vadd.s32 v17, v23;
	[tilespmem:s17+$0xFFFFFFC0] =	vst v1;
	v2 =	vld.idx.msk [tilespmem:v2+s23+$0x0], $0xffff  }
0x25f: {  	v1 =	vld.idx.msk [tilespmem:v50+s23+$0x0], $0xffff;
	[tilespmem:s17+$0xFFFFFFE0] =	vst v3;
	v3 =	vadd.s32 v18, v27  }
0x260: {  	v14 =	vld.idx.msk [tilespmem:v49+s23+$0x0], $0xffff;
	[tilespmem:s17+$0x70] =	vst v8;
	v8 =	vadd.s32 v17, v24  }
0x261: {  	v15 =	vadd.s32 v18, v28;
	[tilespmem:s17+$0xFFFFFFD0] =	vst v10;
	v4 =	vld.idx.msk [tilespmem:v4+s23+$0x0], $0xffff  }
0x262: {  	v53 =	vadd.s32 v18, v29;
	[tilespmem:s17+$0x20] =	vst v9;
	v11 =	vld.idx.msk [tilespmem:v48+s23+$0x0], $0xffff  }
0x263: {  	v55 =	vadd.s32 v18, v25;
	[tilespmem:s17+$0x10] =	vst v2;
	v2 =	vld.idx.msk [tilespmem:v51+s23+$0x0], $0xffff  }
0x264: {  	v52 =	vadd.s32 v19, v30;
	[tilespmem:s17+$0x30] =	vst v1;
	v1 =	vld.idx.msk [tilespmem:v3+s23+$0x0], $0xffff  }
0x265: {  	v54 =	vadd.s32 v18, v26;
	v8 =	vld.idx.msk [tilespmem:v8+s23+$0x0], $0xffff  }
0x266: {  	v56 =	vadd.s32 v18, v23;
	[tilespmem:s17+$0x0] =	vst v14;
	v15 =	vld.idx.msk [tilespmem:v15+s23+$0x0], $0xffff  }
0x267: {  	v57 =	vadd.s32 v18, v24;
	[tilespmem:s17+$0x40] =	vst v4;
	v13 =	vld.idx.msk [tilespmem:v53+s23+$0x0], $0xffff  }
0x268: {  	v4 =	vadd.s32 v19, v29;
	v9 =	vld.idx.msk [tilespmem:v55+s23+$0x0], $0xffff;
	[tilespmem:s17+$0xF0] =	vst v11  }
0x269: {  	v58 =	vadd.s32 v19, v25;
	v10 =	vld.idx.msk [tilespmem:v52+s23+$0x0], $0xffff;
	[tilespmem:s17+$0x50] =	vst v2  }
0x26a: {  	v3 =	vadd.s32 v20, v30;
	v12 =	vld.idx.msk [tilespmem:v54+s23+$0x0], $0xffff;
	[tilespmem:s17+$0x60] =	vst v8  }
0x26b: {  	v2 =	vadd.s32 v19, v28;
	[tilespmem:s17+$0x90] =	vst v15;
	v11 =	vld.idx.msk [tilespmem:v56+s23+$0x0], $0xffff  }
0x26c: {  	v8 =	vadd.s32 v19, v27;
	[tilespmem:s17+$0x80] =	vst v13;
	v14 =	vld.idx.msk [tilespmem:v57+s23+$0x0], $0xffff  }
0x26d: {  	v15 =	vadd.s32 v19, v26;
	[tilespmem:s17+$0xC0] =	vst v9;
	v4 =	vld.idx.msk [tilespmem:v4+s23+$0x0], $0xffff  }
0x26e: {  	v59 =	vadd.s32 v19, v23;
	[tilespmem:s17+$0x170] =	vst v10;
	v10 =	vld.idx.msk [tilespmem:v58+s23+$0x0], $0xffff  }
0x26f: {  	[tilespmem:s17+$0xA0] =	vst v1;
	v1 =	vadd.s32 v19, v24;
	v3 =	vld.idx.msk [tilespmem:v3+s23+$0x0], $0xffff  }
0x270: {  	v60 =	vadd.s32 v20, v29;
	[tilespmem:s17+$0xB0] =	vst v12;
	v2 =	vld.idx.msk [tilespmem:v2+s23+$0x0], $0xffff  }
0x271: {  	v61 =	vadd.s32 v20, v28;
	v8 =	vld.idx.msk [tilespmem:v8+s23+$0x0], $0xffff;
	[tilespmem:s17+$0xD0] =	vst v11  }
0x272: {  	v62 =	vadd.s32 v20, v27;
	v15 =	vld.idx.msk [tilespmem:v15+s23+$0x0], $0xffff;
	[tilespmem:s17+$0xE0] =	vst v14  }
0x273: {  	v63 =	vadd.s32 v20, v26;
	v13 =	vld.idx.msk [tilespmem:v59+s23+$0x0], $0xffff;
	[tilespmem:s17+$0x100] =	vst v4  }
0x274: {  	v29 =	vld.idx.msk [tilespmem:v1+s23+$0x0], $0xffff;
	[tilespmem:s17+$0x1F0] =	vst v3;
	v3 =	vadd.s32 v20, v25  }
0x275: {  	v27 =	vld.idx.msk [tilespmem:v60+s23+$0x0], $0xffff;
	[tilespmem:s17+$0x110] =	vst v2  }
0x276: {  	v28 =	vld.idx.msk [tilespmem:v61+s23+$0x0], $0xffff;
	[tilespmem:s17+$0x120] =	vst v8  }
0x277: {  	[tilespmem:s17+$0x130] =	vst v15;
	v31 =	vld.idx.msk [tilespmem:v62+s23+$0x0], $0xffff  }
0x278: {  	[tilespmem:s17+$0x140] =	vst v10;
	v32 =	vld.idx.msk [tilespmem:v63+s23+$0x0], $0xffff  }
0x279: {  	s11 =	simm.s32 $0x8;
	s16 =	simm.s32 $0x5540;
	v24 =	vadd.s32 v20, v24;
	v25 =	vadd.s32 v20, v23;
	[tilespmem:s17+$0x150] =	vst v13;
	v26 =	vld.idx.msk [tilespmem:v3+s23+$0x0], $0xffff  }
.LBB2_11:
0x27a: {  	v23 =	vld [tilespmem:s16+$0x30];
	s11 =	sadd.s32 $0x8, s11;
	[tilespmem:s17+$0x160] =	vst v29  }
0x27b: {  	v1 =	vld [tilespmem:s16+$0xFFFFFFD0];
	p0 =	slt.u32 s11, $0xF8;
	[tilespmem:s17+$0x180] =	vst v27  }
0x27c: {  	v2 =	vld [tilespmem:s16+$0xFFFFFFE0];
	[tilespmem:s17+$0x190] =	vst v28  }
0x27d: {  	v3 =	vld [tilespmem:s16+$0xFFFFFFF0];
	[tilespmem:s17+$0x1A0] =	vst v31  }
0x27e: {  	v4 =	vld [tilespmem:s16+$0x0];
	[tilespmem:s17+$0x1B0] =	vst v32  }
0x27f: {  	v8 =	vld [tilespmem:s16+$0x10];
	v9 =	vadd.s32 v0, v23;
	[tilespmem:s17+$0x1C0] =	vst v26  }
0x280: {  	v10 =	vadd.s32 v0, v1;
	v11 =	vadd.s32 v6, v1;
	v12 =	vadd.s32 v7, v1;
	v13 =	vld [tilespmem:s16+$0x20];
	[tilespmem:s12+$0x1D0] =	vst v21  }
0x281: {  	v14 =	vld [tilespmem:s16+$0xFFFFFFC0];
	v15 =	vadd.s32 v0, v2;
	v26 =	vadd.s32 v6, v2;
	v30 =	vadd.s32 v7, v2;
	[tilespmem:s12+$0x1E0] =	vst v22;
	s12 =	smov.u32 s17  }
0x282: {  	v27 =	vadd.s32 v0, v3;
	v28 =	vadd.s32 v6, v3;
	v38 =	vadd.s32 v7, v3;
	v21 =	vld.idx.msk [tilespmem:v25+s23+$0x0], $0xffff  }
0x283: {  	v25 =	vadd.s32 v0, v4;
	v29 =	vadd.s32 v6, v4;
	v39 =	vadd.s32 v7, v4;
	v22 =	vld.idx.msk [tilespmem:v24+s23+$0x0], $0xffff  }
0x284: {  	v24 =	vadd.s32 v0, v8;
	v31 =	vadd.s32 v6, v8;
	v40 =	vadd.s32 v7, v8;
	v9 =	vld.idx.msk [tilespmem:v9+s23+$0x0], $0xffff  }
0x285: {  	v10 =	vld.idx.msk [tilespmem:v10+s23+$0x0], $0xffff;
	v32 =	vadd.s32 v0, v13;
	v33 =	vadd.s32 v6, v13;
	v41 =	vadd.s32 v7, v13  }
0x286: {  	v35 =	vadd.s32 v6, v23;
	v34 =	vadd.s32 v0, v14;
	v37 =	vadd.s32 v6, v14;
	v15 =	vld.idx.msk [tilespmem:v15+s23+$0x0], $0xffff  }
0x287: {  	v44 =	vadd.s32 v16, v1;
	v42 =	vadd.s32 v7, v14;
	v43 =	vadd.s32 v16, v14;
	v27 =	vld.idx.msk [tilespmem:v27+s23+$0x0], $0xffff  }
0x288: {  	v45 =	vadd.s32 v16, v2;
	v46 =	vadd.s32 v16, v3;
	v47 =	vadd.s32 v16, v4;
	v25 =	vld.idx.msk [tilespmem:v25+s23+$0x0], $0xffff  }
0x289: {  	s17 =	sadd.s32 $0x400, s17;
	v49 =	vadd.s32 v16, v8;
	v50 =	vadd.s32 v16, v13;
	v48 =	vadd.s32 v17, v14;
	v24 =	vld.idx.msk [tilespmem:v24+s23+$0x0], $0xffff  }
0x28a: {  	v51 =	vadd.s32 v17, v1;
	v52 =	vadd.s32 v17, v2;
	v32 =	vld.idx.msk [tilespmem:v32+s23+$0x0], $0xffff;
	[tilespmem:s17+$0xFFFFFE70] =	vst v9  }
0x28b: {  	v9 =	vadd.s32 v17, v3;
	[tilespmem:s17+$0xFFFFFE10] =	vst v10;
	v10 =	vadd.s32 v17, v4;
	v36 =	vld.idx.msk [tilespmem:v35+s23+$0x0], $0xffff  }
0x28c: {  	v53 =	vadd.s32 v17, v13;
	v34 =	vld.idx.msk [tilespmem:v34+s23+$0x0], $0xffff;
	[tilespmem:s17+$0xFFFFFE20] =	vst v15;
	v15 =	vadd.s32 v17, v8  }
0x28d: {  	v55 =	vadd.s32 v7, v23;
	v54 =	vadd.s32 v18, v14;
	v11 =	vld.idx.msk [tilespmem:v11+s23+$0x0], $0xffff;
	[tilespmem:s17+$0xFFFFFE30] =	vst v27  }
0x28e: {  	v56 =	vadd.s32 v18, v1;
	v57 =	vadd.s32 v18, v2;
	v26 =	vld.idx.msk [tilespmem:v26+s23+$0x0], $0xffff;
	[tilespmem:s17+$0xFFFFFE40] =	vst v25  }
0x28f: {  	v58 =	vadd.s32 v18, v3;
	v59 =	vadd.s32 v18, v4;
	v25 =	vld.idx.msk [tilespmem:v28+s23+$0x0], $0xffff;
	[tilespmem:s17+$0xFFFFFE50] =	vst v24  }
0x290: {  	v60 =	vadd.s32 v18, v8;
	v61 =	vadd.s32 v18, v13;
	v24 =	vld.idx.msk [tilespmem:v29+s23+$0x0], $0xffff;
	[tilespmem:s17+$0xFFFFFE60] =	vst v32  }
0x291: {  	v35 =	vadd.s32 v19, v14;
	v27 =	vadd.s32 v19, v1;
	v62 =	vld.idx.msk [tilespmem:v31+s23+$0x0], $0xffff;
	[tilespmem:s17+$0xFFFFFEF0] =	vst v36  }
0x292: {  	v29 =	vadd.s32 v19, v3;
	v36 =	vadd.s32 v19, v2;
	[tilespmem:s17+$0xFFFFFE00] =	vst v34;
	v55 =	vld.idx.msk [tilespmem:v55+s23+$0x0], $0xffff  }
0x293: {  	v31 =	vadd.s32 v19, v8;
	v63 =	vld.idx.msk [tilespmem:v37+s23+$0x0], $0xffff;
	[tilespmem:s17+$0xFFFFFE90] =	vst v11;
	v37 =	vadd.s32 v19, v4  }
0x294: {  	v5 =	vadd.s32 v16, v23;
	v32 =	vadd.s32 v19, v13;
	[tilespmem:s17+$0xFFFFFEA0] =	vst v26;
	v11 =	vld.idx.msk [tilespmem:v33+s23+$0x0], $0xffff  }
0x295: {  	v28 =	vadd.s32 v20, v1;
	v33 =	vadd.s32 v20, v14;
	v12 =	vld.idx.msk [tilespmem:v12+s23+$0x0], $0xffff;
	[tilespmem:s17+$0xFFFFFEB0] =	vst v25  }
0x296: {  	v34 =	vadd.s32 v20, v2;
	v26 =	vadd.s32 v20, v3;
	v1 =	vld.idx.msk [tilespmem:v30+s23+$0x0], $0xffff;
	[tilespmem:s17+$0xFFFFFEC0] =	vst v24  }
0x297: {  	v25 =	vadd.s32 v20, v8;
	v30 =	vadd.s32 v20, v4;
	v2 =	vld.idx.msk [tilespmem:v38+s23+$0x0], $0xffff;
	[tilespmem:s17+$0xFFFFFED0] =	vst v62  }
0x298: {  	v24 =	vadd.s32 v20, v13;
	v3 =	vld.idx.msk [tilespmem:v39+s23+$0x0], $0xffff;
	[tilespmem:s17+$0xFFFFFF70] =	vst v55  }
0x299: {  	[tilespmem:s17+$0xFFFFFE80] =	vst v63;
	v4 =	vld.idx.msk [tilespmem:v5+s23+$0x0], $0xffff  }
0x29a: {  	v5 =	vld.idx.msk [tilespmem:v42+s23+$0x0], $0xffff;
	[tilespmem:s17+$0xFFFFFEE0] =	vst v11  }
0x29b: {  	v11 =	vadd.s32 v17, v23;
	[tilespmem:s17+$0xFFFFFF10] =	vst v12;
	v8 =	vld.idx.msk [tilespmem:v40+s23+$0x0], $0xffff  }
0x29c: {  	[tilespmem:s17+$0xFFFFFF20] =	vst v1;
	v1 =	vld.idx.msk [tilespmem:v41+s23+$0x0], $0xffff  }
0x29d: {  	v12 =	vld.idx.msk [tilespmem:v44+s23+$0x0], $0xffff;
	[tilespmem:s17+$0xFFFFFF30] =	vst v2  }
0x29e: {  	v2 =	vld.idx.msk [tilespmem:v45+s23+$0x0], $0xffff;
	[tilespmem:s17+$0xFFFFFF40] =	vst v3  }
0x29f: {  	v3 =	vld.idx.msk [tilespmem:v46+s23+$0x0], $0xffff;
	[tilespmem:s17+$0xFFFFFFF0] =	vst v4  }
0x2a0: {  	[tilespmem:s17+$0xFFFFFF00] =	vst v5;
	v4 =	vld.idx.msk [tilespmem:v11+s23+$0x0], $0xffff  }
0x2a1: {  	v5 =	vld.idx.msk [tilespmem:v43+s23+$0x0], $0xffff;
	[tilespmem:s17+$0xFFFFFF50] =	vst v8  }
0x2a2: {  	v8 =	vld.idx.msk [tilespmem:v47+s23+$0x0], $0xffff;
	[tilespmem:s17+$0xFFFFFF60] =	vst v1;
	v1 =	vadd.s32 v18, v23  }
0x2a3: {  	[tilespmem:s17+$0xFFFFFF90] =	vst v12;
	v11 =	vld.idx.msk [tilespmem:v49+s23+$0x0], $0xffff  }
0x2a4: {  	[tilespmem:s17+$0xFFFFFFA0] =	vst v2;
	v2 =	vld.idx.msk [tilespmem:v50+s23+$0x0], $0xffff  }
0x2a5: {  	v12 =	vld.idx.msk [tilespmem:v51+s23+$0x0], $0xffff;
	[tilespmem:s17+$0xFFFFFFB0] =	vst v3  }
0x2a6: {  	v3 =	vld.idx.msk [tilespmem:v52+s23+$0x0], $0xffff;
	[tilespmem:s17+$0x70] =	vst v4  }
0x2a7: {  	[tilespmem:s17+$0xFFFFFF80] =	vst v5;
	v1 =	vld.idx.msk [tilespmem:v1+s23+$0x0], $0xffff  }
0x2a8: {  	v4 =	vld.idx.msk [tilespmem:v48+s23+$0x0], $0xffff;
	[tilespmem:s17+$0xFFFFFFC0] =	vst v8  }
0x2a9: {  	v8 =	vadd.s32 v19, v23;
	v5 =	vld.idx.msk [tilespmem:v9+s23+$0x0], $0xffff;
	[tilespmem:s17+$0xFFFFFFD0] =	vst v11  }
0x2aa: {  	v9 =	vld.idx.msk [tilespmem:v10+s23+$0x0], $0xffff;
	[tilespmem:s17+$0xFFFFFFE0] =	vst v2  }
0x2ab: {  	[tilespmem:s17+$0x10] =	vst v12;
	v2 =	vld.idx.msk [tilespmem:v15+s23+$0x0], $0xffff  }
0x2ac: {  	[tilespmem:s17+$0x20] =	vst v3;
	v3 =	vld.idx.msk [tilespmem:v53+s23+$0x0], $0xffff  }
0x2ad: {  	v10 =	vld.idx.msk [tilespmem:v56+s23+$0x0], $0xffff;
	[tilespmem:s17+$0xF0] =	vst v1  }
0x2ae: {  	[tilespmem:s17+$0x0] =	vst v4;
	v1 =	vld.idx.msk [tilespmem:v8+s23+$0x0], $0xffff  }
0x2af: {  	v4 =	vld.idx.msk [tilespmem:v54+s23+$0x0], $0xffff;
	[tilespmem:s17+$0x30] =	vst v5  }
0x2b0: {  	v8 =	vadd.s32 v20, v23;
	v5 =	vld.idx.msk [tilespmem:v57+s23+$0x0], $0xffff;
	[tilespmem:s17+$0x40] =	vst v9  }
0x2b1: {  	v9 =	vld.idx.msk [tilespmem:v58+s23+$0x0], $0xffff;
	[tilespmem:s17+$0x50] =	vst v2  }
0x2b2: {  	v2 =	vld.idx.msk [tilespmem:v59+s23+$0x0], $0xffff;
	[tilespmem:s17+$0x60] =	vst v3  }
0x2b3: {  	[tilespmem:s17+$0x90] =	vst v10;
	v3 =	vld.idx.msk [tilespmem:v60+s23+$0x0], $0xffff  }
0x2b4: {  	v10 =	vld.idx.msk [tilespmem:v61+s23+$0x0], $0xffff;
	[tilespmem:s17+$0x170] =	vst v1  }
0x2b5: {  	[tilespmem:s17+$0x80] =	vst v4;
	v1 =	vld.idx.msk [tilespmem:v8+s23+$0x0], $0xffff  }
0x2b6: {  	v4 =	vld.idx.msk [tilespmem:v35+s23+$0x0], $0xffff;
	[tilespmem:s17+$0xA0] =	vst v5  }
0x2b7: {  	v5 =	vld.idx.msk [tilespmem:v27+s23+$0x0], $0xffff;
	[tilespmem:s17+$0xB0] =	vst v9  }
0x2b8: {  	v8 =	vld.idx.msk [tilespmem:v36+s23+$0x0], $0xffff;
	[tilespmem:s17+$0xC0] =	vst v2  }
0x2b9: {  	v2 =	vld.idx.msk [tilespmem:v29+s23+$0x0], $0xffff;
	[tilespmem:s17+$0xD0] =	vst v3  }
0x2ba: {  	v3 =	vld.idx.msk [tilespmem:v37+s23+$0x0], $0xffff;
	[tilespmem:s17+$0xE0] =	vst v10  }
0x2bb: {  	v9 =	vld.idx.msk [tilespmem:v31+s23+$0x0], $0xffff;
	[tilespmem:s17+$0x1F0] =	vst v1  }
0x2bc: {  	[tilespmem:s17+$0x100] =	vst v4;
	v29 =	vld.idx.msk [tilespmem:v32+s23+$0x0], $0xffff  }
.Ltmp4:
0x2bd: {  	v27 =	vld.idx.msk [tilespmem:v33+s23+$0x0], $0xffff;
	[tilespmem:s17+$0x110] =	vst v5;
	(pc) =	sbr.rel @p0 .LBB2_11-.Ltmp4, $4  }
0x2be: {  	v28 =	vld.idx.msk [tilespmem:v28+s23+$0x0], $0xffff;
	[tilespmem:s17+$0x120] =	vst v8  }
0x2bf: {  	v31 =	vld.idx.msk [tilespmem:v34+s23+$0x0], $0xffff;
	[tilespmem:s17+$0x130] =	vst v2  }
0x2c0: {  	v32 =	vld.idx.msk [tilespmem:v26+s23+$0x0], $0xffff;
	[tilespmem:s17+$0x140] =	vst v3  }
0x2c1: {  	s16 =	sadd.s32 $0x80, s16;
	v26 =	vld.idx.msk [tilespmem:v30+s23+$0x0], $0xffff;
	[tilespmem:s17+$0x150] =	vst v9  }
0x2c2: {  	_ = 	snop  }
0x2c3: {  	[tilespmem:s17+$0x160] =	vst v29  }
0x2c4: {  	[tilespmem:s17+$0x180] =	vst v27  }
0x2c5: {  	[tilespmem:s12+$0x1D0] =	vst v21  }
0x2c6: {  	v1 =	vld.idx.msk [tilespmem:v25+s23+$0x0], $0xffff;
	[tilespmem:s12+$0x1E0] =	vst v22  }
0x2c7: {  	[tilespmem:s17+$0x190] =	vst v28;
	v2 =	vld.idx.msk [tilespmem:v24+s23+$0x0], $0xffff  }
0x2c8: {  	[tilespmem:s17+$0x1A0] =	vst v31  }
0x2c9: {  	s11 =	sshll.u32 s21, $0xD;
	[tilespmem:s17+$0x1B0] =	vst v32  }
0x2ca: {  	s11 =	sadd.s32 s7, s11;
	[tilespmem:s17+$0x1C0] =	vst v26  }
0x2cb: {  	s11 =	sshrl.u32 s11, $0x4;
	[tilespmem:s17+$0x1D0] =	vst v1  }
0x2cc: {  	v1 =	vor.u32 s11, v0;
	[tilespmem:s17+$0x1E0] =	vst v2;
	s17 =	sor.u32 $0x10, s11  }
0x2cd: {  	s19 =	sor.u32 $0x20, s11;
	[tilespmem:$0x16600] =	vst v1;
	v1 =	vor.u32 s17, v0  }
0x2ce: {  	s16 =	sor.u32 $0x30, s11;
	[tilespmem:$0x16610] =	vst v1;
	v1 =	vor.u32 s19, v0  }
0x2cf: {  	s17 =	sor.u32 $0x40, s11;
	[tilespmem:$0x16620] =	vst v1;
	v1 =	vor.u32 s16, v0  }
0x2d0: {  	s19 =	sor.u32 $0x50, s11;
	[tilespmem:$0x16630] =	vst v1;
	v1 =	vor.u32 s17, v0  }
0x2d1: {  	s16 =	sor.u32 $0x60, s11;
	[tilespmem:$0x16640] =	vst v1;
	v1 =	vor.u32 s19, v0  }
0x2d2: {  	s17 =	sor.u32 $0x70, s11;
	[tilespmem:$0x16650] =	vst v1;
	v1 =	vor.u32 s16, v0  }
0x2d3: {  	s19 =	sor.u32 $0x80, s11;
	[tilespmem:$0x16660] =	vst v1;
	v1 =	vor.u32 s17, v0  }
0x2d4: {  	s16 =	sor.u32 $0x90, s11;
	[tilespmem:$0x16670] =	vst v1;
	v1 =	vor.u32 s19, v0  }
0x2d5: {  	s17 =	sor.u32 $0xA0, s11;
	[tilespmem:$0x16680] =	vst v1;
	v1 =	vor.u32 s16, v0  }
0x2d6: {  	s19 =	sor.u32 $0xB0, s11;
	[tilespmem:$0x16690] =	vst v1;
	v1 =	vor.u32 s17, v0  }
0x2d7: {  	s16 =	sor.u32 $0xC0, s11;
	[tilespmem:$0x166A0] =	vst v1;
	v1 =	vor.u32 s19, v0  }
0x2d8: {  	s17 =	sor.u32 $0xD0, s11;
	[tilespmem:$0x166B0] =	vst v1;
	v1 =	vor.u32 s16, v0  }
0x2d9: {  	s21 =	sadd.s32 $0x1, s21;
	s19 =	sor.u32 $0xE0, s11;
	[tilespmem:$0x166C0] =	vst v1;
	v1 =	vor.u32 s17, v0  }
0x2da: {  	p0 =	sne.s32 s21, $0x20;
	s11 =	sor.u32 $0xF0, s11;
	[tilespmem:$0x166D0] =	vst v1;
	v1 =	vor.u32 s19, v0  }
.Ltmp5:
0x2db: {  	[tilespmem:$0x166E0] =	vst v1;
	v1 =	vor.u32 s11, v0;
	(pc) =	sbr.rel @p0 .LBB2_4-.Ltmp5, $4  }
0x2dc: {  	[tilespmem:$0x166F0] =	vst v1  }
0x2dd: {  	[hbm4b:s6+s24] =	stream.indirect.scatter [tilespmem:s5], [sflag:$0x4], $0x80, s31, s24, $0xb8;
	[tilespmem:$0x16700] =	vst v63  }
0x2de: {  	_ = 	snop  }
0x2df: {  	[hbm4b:s6+s24] =	stream.indirect.scatter [tilespmem:s3], [sflag:$0x4], $0x80, s2, s24, $0xb8;
	[tilespmem:$0x16700] =	vst v63  }
0x2e0: {  	_ =	swait.ge [sflag:s4], $0x4000  }
0x2e1: {  	[sflag:s4] =	ssyncset.done $0x0  }
0x2e2: {  	[sflag:s4] =	ssyncadd.s32 $0xFFFFC000  }
0x2e3: {  	_ =	swait.ge [sflag:s4], $0x4000  }
0x2e4: {  	[sflag:s4] =	ssyncset.done $0x0  }
0x2e5: {  	[sflag:s4] =	ssyncadd.s32 $0xFFFFC000  }
0x2e6: {  	_ =	swait.ge [sflag:s18], $0x4000  }
0x2e7: {  	[sflag:s18] =	ssyncset.done $0x0  }
0x2e8: {  	[sflag:s18] =	ssyncadd.s32 $0xFFFFC000  }
0x2e9: {  	_ =	swait.ge [sflag:s18], $0x4000  }
0x2ea: {  	s20 =	sadd.s32 $0x1, s20;
	s11 =	rddreg [dreg:$0x6]  }
0x2eb: {  	p0 =	sne.s32 s20, s11  }
.Ltmp6:
0x2ec: {  	_ = 	snop;
	(pc) =	sbr.rel @p0 .LBB2_1-.Ltmp6, $3  }
0x2ed: {  	_ =	sdelay $0x1  }
0x2ee: {  	[sflag:s18] =	ssyncset.done $0x0  }
0x2ef: {  	[sflag:s18] =	ssyncadd.s32 $0xFFFFC000  }
0x2f0: {  	_ =	sfence.sel $0x180000  }
0x2f1: {  	[bflag:$0x0] =	sbarrier.arrive $0xFFFF  }
0x2f2: {  	_ =	strace $0x90000047  }
0x2f3: {  	s0 =	stileid.u32;
	[bflag:$0x2] =	sbarrier.arrive $0xFFFF  }
0x2f4: {  	p0 =	sne.s32 s0, $0x0;
	s0 =	rddreg [dreg:$0x5]  }
0x2f5: {  	s0 =	sadd.s32 @!p0 $0x100000, s0  }
0x2f6: {  	[sflag:s0] =	ssyncadd.tile.s32 @!p0 $0x1;
	_ =	shalt  }
.Lfunc_end2:
_tile_overlayer_lowered:
.L_overlay_start_2:
0x2f7: {  	(tag) =	ssettag $0x2  }
0x2f8: {  	s0 =	rddreg [dreg:$0x0];
	s2 =	stileid.u32  }
0x2f9: {  	s1 =	rddreg [dreg:$0x1];
	p0 =	sne.s32 s2, $0x0  }
0x2fa: {  	s3 =	rddreg [dreg:$0x2];
	[bflag:$0x3] =	sbarrier.arrive $0xFFFF;
	s2 =	simm.s32 @!p0 $0x1C05  }
0x2fb: {  	[timem:s3], [sflag:s2] =	dma.local @!p0 [hbm:s0], s1  }
0x2fc: {  	s0 =	simm.s32 @!p0 $0x5  }
0x2fd: {  	_ =	swait.ge @!p0 [sflag:s0], s1  }
0x2fe: {  	s1 =	ssub.s32 @!p0 $0x0, s1;
	[sflag:s0] =	ssyncset.done @!p0 $0x0  }
0x2ff: {  	[sflag:s0] =	ssyncadd.s32 @!p0 s1  }
0x300: {  	[bflag:$0x3] =	sbarrier.arrive $0xFFFF  }
0x301: {  	_ =	shalt  }

</sc_bundles>
